<compile_context>
chip_gen: v7x
topology: tpu7x:2x2x1
jax: 0.10.2.dev20260603
libtpu: 0.0.44.dev20260713+nightly
codegen_flags: <defaults>
</compile_context>

<pallas_src>
import functools

import jax
import jax.numpy as jnp
from jax import lax
from jax.experimental import pallas as pl
from jax.experimental.pallas import tpu as pltpu
from jax.experimental.pallas import tpu_sc as plsc

N = 10000
E = 320000
D = 146
G = 16
NC_OUT = 10
NL = 4

NP = 10240
DP = 160
DH = DP // 2
CH = 128
NW = 32
NCHK = 80
NCHK_A = 160
EP = NW * NCHK * CH
ROWS_PER_SUB = NP // 16


def _sc_degrees_body(src_hbm, dst_hbm, ones_hbm, zeros_hbm, out_hbm,
                     src_v, dst_v, ones_v, odeg_sh, ideg_sh):
    cid = lax.axis_index("c")
    sid = lax.axis_index("s")
    wid = sid * 2 + cid
    row0 = sid * ROWS_PER_SUB
    pltpu.sync_copy(ones_hbm, ones_v)
    pltpu.sync_copy(zeros_hbm.at[pl.ds(row0, ROWS_PER_SUB)],
                    odeg_sh.at[pl.ds(row0, ROWS_PER_SUB)])
    pltpu.sync_copy(zeros_hbm.at[pl.ds(row0, ROWS_PER_SUB)],
                    ideg_sh.at[pl.ds(row0, ROWS_PER_SUB)])
    pltpu.sync_copy(src_hbm.at[wid], src_v)
    pltpu.sync_copy(dst_hbm.at[wid], dst_v)
    plsc.subcore_barrier()

    def body(j, carry):
        pltpu.sync_copy(ones_v, odeg_sh.at[src_v.at[j]], add=True)
        pltpu.sync_copy(ones_v, ideg_sh.at[dst_v.at[j]], add=True)
        return carry

    lax.fori_loop(0, NCHK, body, 0)
    plsc.subcore_barrier()
    pltpu.sync_copy(odeg_sh.at[pl.ds(row0, ROWS_PER_SUB)],
                    out_hbm.at[cid, 0, pl.ds(row0, ROWS_PER_SUB)])
    pltpu.sync_copy(ideg_sh.at[pl.ds(row0, ROWS_PER_SUB)],
                    out_hbm.at[cid, 1, pl.ds(row0, ROWS_PER_SUB)])


def _sc_aggregate_body(hs_hbm, src_hbm, dst_hbm, zeros_hbm, out_hbm,
                       src_v, dst_v, rows_a, rows_b, rows_c,
                       sem_a, sem_b, sem_c, agg_sh):
    cid = lax.axis_index("c")
    sid = lax.axis_index("s")
    row0 = sid * ROWS_PER_SUB
    pltpu.sync_copy(zeros_hbm, agg_sh.at[pl.ds(row0, ROWS_PER_SUB)])
    pltpu.sync_copy(src_hbm.at[cid, sid], src_v)
    pltpu.sync_copy(dst_hbm.at[sid], dst_v)
    plsc.subcore_barrier()

    bufs = (rows_a, rows_b, rows_c)
    sems = (sem_a, sem_b, sem_c)
    for t in range(2):
        pltpu.async_copy(hs_hbm.at[src_v.at[t]], bufs[t], sems[t])

    def body(j, carry):
        k = 3 * j
        for t in range(3):
            kt = k + t
            if t == 0:
                pltpu.async_copy(hs_hbm.at[src_v.at[k + 2]], bufs[2], sems[2])
            pltpu.make_async_copy(hs_hbm.at[src_v.at[kt]], bufs[t],
                                  sems[t]).wait()
            pltpu.sync_copy(bufs[t], agg_sh.at[dst_v.at[kt]], add=True)
            if t < 2:
                @pl.when(k + t + 3 < NCHK_A)
                def _():
                    pltpu.async_copy(hs_hbm.at[src_v.at[k + t + 3]], bufs[t],
                                     sems[t])
        return carry

    lax.fori_loop(0, NCHK_A // 3, body, 0)
    k = (NCHK_A // 3) * 3
    pltpu.make_async_copy(hs_hbm.at[src_v.at[k]], bufs[0], sems[0]).wait()
    pltpu.sync_copy(bufs[0], agg_sh.at[dst_v.at[k]], add=True)
    plsc.subcore_barrier()
    pltpu.sync_copy(agg_sh.at[pl.ds(row0, ROWS_PER_SUB)],
                    out_hbm.at[cid, pl.ds(row0, ROWS_PER_SUB)])


@functools.lru_cache(maxsize=None)
def _sc_kernels():
    mesh = plsc.VectorSubcoreMesh(core_axis_name="c", subcore_axis_name="s")
    params = pltpu.CompilerParams(use_tc_tiling_on_sc=False)
    deg = pl.kernel(
        _sc_degrees_body,
        mesh=mesh,
        out_type=jax.ShapeDtypeStruct((2, 2, NP, 8), jnp.float32),
        scratch_types=[
            pltpu.VMEM((NCHK, CH), jnp.int32),
            pltpu.VMEM((NCHK, CH), jnp.int32),
            pltpu.VMEM((CH, 8), jnp.float32),
            pltpu.VMEM_SHARED((NP, 8), jnp.float32),
            pltpu.VMEM_SHARED((NP, 8), jnp.float32),
        ],
        compiler_params=params,
    )
    agg = pl.kernel(
        _sc_aggregate_body,
        mesh=mesh,
        out_type=jax.ShapeDtypeStruct((2, NP, DH), jnp.bfloat16),
        scratch_types=[
            pltpu.VMEM((NCHK_A, CH), jnp.int32),
            pltpu.VMEM((NCHK_A, CH), jnp.int32),
            pltpu.VMEM((CH, DH), jnp.bfloat16),
            pltpu.VMEM((CH, DH), jnp.bfloat16),
            pltpu.VMEM((CH, DH), jnp.bfloat16),
            pltpu.SemaphoreType.DMA,
            pltpu.SemaphoreType.DMA,
            pltpu.SemaphoreType.DMA,
            pltpu.VMEM_SHARED((NP, DH), jnp.bfloat16),
        ],
        compiler_params=params,
    )
    return deg, agg


RB = 2048
NRB = NP // RB


def _embed_body(x_ref, w_ref, b_ref, degs_ref, h_ref, hs2_ref, nsrc_ref,
                ndst_ref):
    h = jnp.dot(x_ref[...], w_ref[...], preferred_element_type=jnp.float32)
    h = h + b_ref[...]
    odeg = degs_ref[0, 0, :, 0:1] + degs_ref[1, 0, :, 0:1]
    ideg = degs_ref[0, 1, :, 0:1] + degs_ref[1, 1, :, 0:1]
    nsrc = lax.rsqrt(jnp.maximum(odeg, 1.0))
    ndst = lax.rsqrt(jnp.maximum(ideg, 1.0))
    h_ref[...] = h
    hs = (h * nsrc).astype(jnp.bfloat16)
    hs2_ref[0] = hs[:, :DH]
    hs2_ref[1] = hs[:, DH:]
    nsrc_ref[...] = nsrc
    ndst_ref[...] = ndst


def _embed_call(xp, emb_wp, emb_bp, degs):
    out = [
        jax.ShapeDtypeStruct((NP, DP), jnp.float32),
        jax.ShapeDtypeStruct((2, NP, DH), jnp.bfloat16),
        jax.ShapeDtypeStruct((NP, 1), jnp.float32),
        jax.ShapeDtypeStruct((NP, 1), jnp.float32),
    ]
    return pl.pallas_call(
        _embed_body,
        grid=(NRB,),
        in_specs=[
            pl.BlockSpec((RB, DP), lambda i: (i, 0)),
            pl.BlockSpec((DP, DP), lambda i: (0, 0)),
            pl.BlockSpec((1, DP), lambda i: (0, 0)),
            pl.BlockSpec((2, 2, RB, 8), lambda i: (0, 0, i, 0)),
        ],
        out_specs=[
            pl.BlockSpec((RB, DP), lambda i: (i, 0)),
            pl.BlockSpec((2, RB, DH), lambda i: (0, i, 0)),
            pl.BlockSpec((RB, 1), lambda i: (i, 0)),
            pl.BlockSpec((RB, 1), lambda i: (i, 0)),
        ],
        out_shape=out,
    )(xp, emb_wp, emb_bp, degs)


def _pre_body(agg2_ref, ndst_ref, snorm_ref, w_ref, b_ref, hc_ref, s1_ref,
              s2_ref):
    agg = jnp.concatenate([agg2_ref[0], agg2_ref[1]],
                          axis=1).astype(jnp.float32) * ndst_ref[...]
    hc = jnp.dot(agg, w_ref[...], preferred_element_type=jnp.float32)
    hc = (hc + b_ref[...]) * snorm_ref[...]
    hc_ref[...] = hc

    @pl.when(pl.program_id(0) == 0)
    def _():
        s1_ref[...] = jnp.zeros_like(s1_ref)
        s2_ref[...] = jnp.zeros_like(s2_ref)

    s1_ref[...] += jnp.sum(hc, axis=0, keepdims=True)
    s2_ref[...] += jnp.sum(hc * hc, axis=0, keepdims=True)


def _post_body(hc_ref, h_ref, s1_ref, s2_ref, gamma_ref, beta_ref, nsrc_ref,
               h2_ref, hs2_ref):
    mu = s1_ref[...] * (1.0 / N)
    var = s2_ref[...] * (1.0 / N) - mu * mu
    hc = hc_ref[...]
    hcn = gamma_ref[...] * (hc - mu) * lax.rsqrt(var + 1e-5) + beta_ref[...]
    h2 = h_ref[...] + jnp.maximum(hcn, 0.0)
    h2_ref[...] = h2
    hs = (h2 * nsrc_ref[...]).astype(jnp.bfloat16)
    hs2_ref[0] = hs[:, :DH]
    hs2_ref[1] = hs[:, DH:]


def _layer_call(agg2, h, ndst, snormp, nsrc, wp, bp, gammap, betap):
    hc, s1, s2 = pl.pallas_call(
        _pre_body,
        grid=(NRB,),
        in_specs=[
            pl.BlockSpec((2, RB, DH), lambda i: (0, i, 0)),
            pl.BlockSpec((RB, 1), lambda i: (i, 0)),
            pl.BlockSpec((RB, 1), lambda i: (i, 0)),
            pl.BlockSpec((DP, DP), lambda i: (0, 0)),
            pl.BlockSpec((1, DP), lambda i: (0, 0)),
        ],
        out_specs=[
            pl.BlockSpec((RB, DP), lambda i: (i, 0)),
            pl.BlockSpec((1, DP), lambda i: (0, 0)),
            pl.BlockSpec((1, DP), lambda i: (0, 0)),
        ],
        out_shape=[
            jax.ShapeDtypeStruct((NP, DP), jnp.float32),
            jax.ShapeDtypeStruct((1, DP), jnp.float32),
            jax.ShapeDtypeStruct((1, DP), jnp.float32),
        ],
    )(agg2, ndst, snormp, wp, bp)
    return pl.pallas_call(
        _post_body,
        grid=(NRB,),
        in_specs=[
            pl.BlockSpec((RB, DP), lambda i: (i, 0)),
            pl.BlockSpec((RB, DP), lambda i: (i, 0)),
            pl.BlockSpec((1, DP), lambda i: (0, 0)),
            pl.BlockSpec((1, DP), lambda i: (0, 0)),
            pl.BlockSpec((1, DP), lambda i: (0, 0)),
            pl.BlockSpec((1, DP), lambda i: (0, 0)),
            pl.BlockSpec((RB, 1), lambda i: (i, 0)),
        ],
        out_specs=[
            pl.BlockSpec((RB, DP), lambda i: (i, 0)),
            pl.BlockSpec((2, RB, DH), lambda i: (0, i, 0)),
        ],
        out_shape=[
            jax.ShapeDtypeStruct((NP, DP), jnp.float32),
            jax.ShapeDtypeStruct((2, NP, DH), jnp.bfloat16),
        ],
    )(hc, h, s1, s2, gammap, betap, nsrc)


def _readout_body(h_ref, ids_ref, w0_ref, b0_ref, w1_ref, b1_ref, w2_ref,
                  b2_ref, out_ref):
    ids = ids_ref[...]
    gids = lax.broadcasted_iota(jnp.int32, (G, NP), 0)
    p = (gids == ids).astype(jnp.float32)
    sums = jnp.dot(p, h_ref[...], preferred_element_type=jnp.float32)
    cnts = jnp.sum(p, axis=1, keepdims=True)
    hg = sums / jnp.maximum(cnts, 1.0)
    x = jnp.dot(hg, w0_ref[...], preferred_element_type=jnp.float32)
    x = jnp.maximum(x + b0_ref[...], 0.0)
    x = jnp.dot(x, w1_ref[...], preferred_element_type=jnp.float32)
    x = jnp.maximum(x + b1_ref[...], 0.0)
    x = jnp.dot(x, w2_ref[...], preferred_element_type=jnp.float32)
    out_ref[...] = x + b2_ref[...]


def _readout_call(h, ids2d, w0p, b0, w1, b1, w2, b2):
    return pl.pallas_call(
        _readout_body,
        out_shape=jax.ShapeDtypeStruct((G, NC_OUT), jnp.float32),
    )(h, ids2d, w0p, b0, w1, b1, w2, b2)


def kernel(nodes_feat, edges_feat, nodes_num_norm_sqrt, edges_num_norm_sqrt,
           edge_index, node_graph_ids,
           emb_W, emb_b, gcn_W, gcn_b, gcn_gamma, gcn_beta,
           mlp_W0, mlp_b0, mlp_W1, mlp_b1, mlp_W2, mlp_b2):
    f32 = jnp.float32
    xp = jnp.pad(nodes_feat, ((0, NP - N), (0, DP - D)))
    emb_wp = jnp.pad(emb_W, ((0, DP - D), (0, DP - D)))
    emb_bp = jnp.pad(emb_b, (0, DP - D)).reshape(1, DP)
    gcn_wp = jnp.pad(gcn_W, ((0, 0), (0, DP - D), (0, DP - D)))
    gcn_bp = jnp.pad(gcn_b, ((0, 0), (0, DP - D))).reshape(NL, 1, DP)
    gcn_gp = jnp.pad(gcn_gamma, ((0, 0), (0, DP - D))).reshape(NL, 1, DP)
    gcn_betap = jnp.pad(gcn_beta, ((0, 0), (0, DP - D))).reshape(NL, 1, DP)
    snormp = jnp.pad(nodes_num_norm_sqrt, ((0, NP - N), (0, 0)))
    w0p = jnp.pad(mlp_W0, ((0, DP - D), (0, 0)))
    b0 = mlp_b0.reshape(1, -1)
    b1 = mlp_b1.reshape(1, -1)
    b2 = mlp_b2.reshape(1, -1)

    fill = jnp.full((EP - E,), NP - 1, jnp.int32)
    srcf = jnp.concatenate([edge_index[0], fill])
    dstf = jnp.concatenate([edge_index[1], fill])
    srcp = srcf.reshape(NW, NCHK, CH)
    dstp = dstf.reshape(NW, NCHK, CH)
    src_agg = jnp.stack([srcf, srcf + NP]).reshape(2, 16, NCHK_A, CH)
    dst_agg = dstf.reshape(16, NCHK_A, CH)
    ids2d = jnp.pad(node_graph_ids, (0, NP - N),
                    constant_values=G).reshape(1, NP)

    ones_deg = jnp.ones((CH, 8), f32)
    zeros_deg = jnp.zeros((NP, 8), f32)
    zeros_agg = jnp.zeros((ROWS_PER_SUB, DH), jnp.bfloat16)

    sc_degrees, sc_aggregate = _sc_kernels()
    degs = sc_degrees(srcp, dstp, ones_deg, zeros_deg)
    h, hs, nsrc, ndst = _embed_call(xp, emb_wp, emb_bp, degs)
    for i in range(NL):
        agg2 = sc_aggregate(hs.reshape(2 * NP, DH), src_agg, dst_agg,
                            zeros_agg)
        h, hs = _layer_call(agg2, h, ndst, snormp, nsrc, gcn_wp[i],
                            gcn_bp[i], gcn_gp[i], gcn_betap[i])
    return _readout_call(h, ids2d, w0p, b0, mlp_W1, b1, mlp_W2, b2)

# --- scband reference (transcript-rebuilt; emitter-appended) ---
"""Pipeline reference for scband-gcnnet2-57243324121151 (READ-ONLY COPY).

The authoritative reference and input builder live on the scoring server;
editing this copy changes nothing except your own understanding.
"""

import jax, jax.numpy as jnp
import numpy as np

N = 10000
E = 320000
D = 146
G = 16
NC = 10
NL = 4  # gcn_1, gcn_2, gcn_3, gcn_o


def setup_inputs(seed: int = 0):
    key = jax.random.key(seed)
    ks = jax.random.split(key, 24)
    inp = {}
    inp['nodes_feat'] = jax.random.normal(ks[0], (N, D), dtype=jnp.float32)
    inp['edges_feat'] = jax.random.normal(ks[1], (E, 1), dtype=jnp.float32)
    inp['nodes_num_norm_sqrt'] = jax.random.uniform(ks[2], (N, 1), dtype=jnp.float32)
    inp['edges_num_norm_sqrt'] = jax.random.uniform(ks[3], (E, 1), dtype=jnp.float32)
    inp['edge_index'] = jax.random.randint(ks[4], (2, E), 0, N, dtype=jnp.int32)
    inp['node_graph_ids'] = jnp.sort(jax.random.randint(ks[5], (N,), 0, G, dtype=jnp.int32))
    # parameters
    inp['emb_W'] = jax.random.normal(ks[6], (D, D), dtype=jnp.float32) * 0.05
    inp['emb_b'] = jnp.zeros((D,), dtype=jnp.float32)
    inp['gcn_W'] = jax.random.normal(ks[7], (NL, D, D), dtype=jnp.float32) * 0.05
    inp['gcn_b'] = jnp.zeros((NL, D), dtype=jnp.float32)
    inp['gcn_gamma'] = jnp.ones((NL, D), dtype=jnp.float32)
    inp['gcn_beta'] = jnp.zeros((NL, D), dtype=jnp.float32)
    # MLPReadout (L=2): 146 -> 73 -> 36 -> 10
    inp['mlp_W0'] = jax.random.normal(ks[8], (D, D // 2), dtype=jnp.float32) * 0.05
    inp['mlp_b0'] = jnp.zeros((D // 2,), dtype=jnp.float32)
    inp['mlp_W1'] = jax.random.normal(ks[9], (D // 2, D // 4), dtype=jnp.float32) * 0.05
    inp['mlp_b1'] = jnp.zeros((D // 4,), dtype=jnp.float32)
    inp['mlp_W2'] = jax.random.normal(ks[10], (D // 4, NC), dtype=jnp.float32) * 0.05
    inp['mlp_b2'] = jnp.zeros((NC,), dtype=jnp.float32)
    return inp


def _batchnorm(h, gamma, beta, eps=1e-5):
    mu = jnp.mean(h, axis=0, keepdims=True)
    var = jnp.var(h, axis=0, keepdims=True)
    return gamma * (h - mu) / jnp.sqrt(var + eps) + beta


def _gcn_layer(h, src, dst, snorm_n, W, b, gamma, beta):
    # DGL GraphConv(norm='both'): D_out^{-1/2} on src, aggregate, D_in^{-1/2} on dst, then linear
    n = h.shape[0]
    out_deg = jnp.zeros((n,), h.dtype).at[src].add(1.0)
    in_deg = jnp.zeros((n,), h.dtype).at[dst].add(1.0)
    norm_src = jax.lax.rsqrt(jnp.clip(out_deg, 1.0, None))
    norm_dst = jax.lax.rsqrt(jnp.clip(in_deg, 1.0, None))
    h_in = h
    msg = (h * norm_src[:, None])[src]
    agg = jnp.zeros_like(h).at[dst].add(msg)
    agg = agg * norm_dst[:, None]
    hc = agg @ W + b
    hc = hc * snorm_n            # graph_norm
    hc = _batchnorm(hc, gamma, beta)  # batch_norm
    hc = jax.nn.relu(hc)         # activation
    return h_in + hc             # residual; dropout p=0.0 is identity


def reference(nodes_feat, edges_feat, nodes_num_norm_sqrt, edges_num_norm_sqrt,
              edge_index, node_graph_ids,
              emb_W, emb_b, gcn_W, gcn_b, gcn_gamma, gcn_beta,
              mlp_W0, mlp_b0, mlp_W1, mlp_b1, mlp_W2, mlp_b2):
    src = edge_index[0]
    dst = edge_index[1]
    h = nodes_feat @ emb_W + emb_b
    for i in range(NL):
        h = _gcn_layer(h, src, dst, nodes_num_norm_sqrt,
                       gcn_W[i], gcn_b[i], gcn_gamma[i], gcn_beta[i])
    # dgl.mean_nodes: per-graph mean of node features
    sums = jax.ops.segment_sum(h, node_graph_ids, num_segments=G)
    cnts = jax.ops.segment_sum(jnp.ones((h.shape[0], 1), h.dtype), node_graph_ids, num_segments=G)
    hg = sums / jnp.clip(cnts, 1.0, None)
    x = jax.nn.relu(hg @ mlp_W0 + mlp_b0)
    x = jax.nn.relu(x @ mlp_W1 + mlp_b1)
    logits = x @ mlp_W2 + mlp_b2
    return logits

if __name__ == "__main__":
    import jax
    _d = setup_inputs()
    print(jax.jit(kernel)(*tuple(_d.values())))

</pallas_src>

<mosaic_0001>
#map = affine_map<(d0, d1) -> (0, 0)>
#map1 = affine_map<(d0, d1) -> (0, 0, 0, 0)>
#map2 = affine_map<(d0, d1) -> (0, 0, 0)>
module attributes {stable_mosaic.version = 14 : i64} {
  func.func @_sc_aggregate_body(%arg0: i32, %arg1: i32, %arg2: memref<20480x80xbf16, #tpu.memory_space<hbm>>, %arg3: memref<2x16x160x128xi32, #tpu.memory_space<hbm>>, %arg4: memref<16x160x128xi32, #tpu.memory_space<hbm>>, %arg5: memref<640x80xbf16, #tpu.memory_space<hbm>>, %arg6: memref<2x10240x80xbf16, #tpu.memory_space<hbm>>, %arg7: memref<160x128xi32, #tpu.memory_space<vmem>>, %arg8: memref<160x128xi32, #tpu.memory_space<vmem>>, %arg9: memref<128x80xbf16, #tpu.memory_space<vmem>>, %arg10: memref<128x80xbf16, #tpu.memory_space<vmem>>, %arg11: memref<128x80xbf16, #tpu.memory_space<vmem>>, %arg12: memref<!tpu.dma_semaphore, #tpu.memory_space<semaphore_mem>>, %arg13: memref<!tpu.dma_semaphore, #tpu.memory_space<semaphore_mem>>, %arg14: memref<!tpu.dma_semaphore, #tpu.memory_space<semaphore_mem>>, %arg15: memref<10240x80xbf16, #tpu.memory_space<vmem_shared>>) attributes {dimension_semantics = [#tpu.dimension_semantics<core_parallel>, #tpu.dimension_semantics<subcore_parallel>], iteration_bounds = array<i64: 2, 16>, scalar_prefetch = 0 : i64, scratch_operands = 9 : i64, tpu.core_type = #tpu.core_type<sc_vector_subcore>, window_params = [{transform_indices = #map}, {transform_indices = #map1}, {transform_indices = #map2}, {transform_indices = #map}, {transform_indices = #map2}]} {
    %mul3A = arith.constant 640 : i32
    %mul3A_0 = arith.muli %arg1, %mul3A : i32
    "tpu.region"() ({
      %run_scoped3A_26 = tpu.sem_alloc : memref<!tpu.dma_semaphore, #tpu.memory_space<semaphore_mem>>
      %dma_start3A_27 = arith.constant 0 : i32
      %dma_start3A_28 = tpu.memref_slice %arg15[%mul3A_0, %dma_start3A_27] : memref<10240x80xbf16, #tpu.memory_space<vmem_shared>> -> memref<640x80xbf16, #tpu.memory_space<vmem_shared>>
      tpu.enqueue_dma source(%arg5 : memref<640x80xbf16, #tpu.memory_space<hbm>>) target(%dma_start3A_28 : memref<640x80xbf16, #tpu.memory_space<vmem_shared>>) target_semaphore(%run_scoped3A_26 : memref<!tpu.dma_semaphore, #tpu.memory_space<semaphore_mem>>)
      %dma_wait3A_29 = arith.constant 0 : i32
      %dma_wait3A_30 = tpu.memref_slice %arg15[%mul3A_0, %dma_wait3A_29] : memref<10240x80xbf16, #tpu.memory_space<vmem_shared>> -> memref<640x80xbf16, #tpu.memory_space<vmem_shared>>
      tpu.wait_dma2 semaphore(%run_scoped3A_26 : memref<!tpu.dma_semaphore, #tpu.memory_space<semaphore_mem>>) src(%arg5 : memref<640x80xbf16, #tpu.memory_space<hbm>>) dst(%dma_wait3A_30 : memref<640x80xbf16, #tpu.memory_space<vmem_shared>>)
      tpu.yield
    }) : () -> ()
    "tpu.region"() ({
      %run_scoped3A_26 = tpu.sem_alloc : memref<!tpu.dma_semaphore, #tpu.memory_space<semaphore_mem>>
      %dma_start3A_27 = arith.constant 0 : i32
      %dma_start3A_28 = arith.constant 0 : i32
      %dma_start3A_29 = tpu.memref_slice %arg3[%arg0, %arg1, %dma_start3A_27, %dma_start3A_28] : memref<2x16x160x128xi32, #tpu.memory_space<hbm>> -> memref<1x1x160x128xi32, #tpu.memory_space<hbm>>
      %dma_start3A_30 = tpu.memref_squeeze %dma_start3A_29 : memref<1x1x160x128xi32, #tpu.memory_space<hbm>> -> memref<160x128xi32, #tpu.memory_space<hbm>>
      %dma_start3A_31 = arith.constant 0 : i32
      %dma_start3A_32 = arith.constant 0 : i32
      %dma_start3A_33 = tpu.memref_slice %arg3[%arg0, %arg1, %dma_start3A_31, %dma_start3A_32] : memref<2x16x160x128xi32, #tpu.memory_space<hbm>> -> memref<1x1x160x128xi32, #tpu.memory_space<hbm>>
      %dma_start3A_34 = tpu.memref_squeeze %dma_start3A_33 : memref<1x1x160x128xi32, #tpu.memory_space<hbm>> -> memref<160x128xi32, #tpu.memory_space<hbm>>
      tpu.enqueue_dma source(%dma_start3A_34 : memref<160x128xi32, #tpu.memory_space<hbm>>) target(%arg7 : memref<160x128xi32, #tpu.memory_space<vmem>>) target_semaphore(%run_scoped3A_26 : memref<!tpu.dma_semaphore, #tpu.memory_space<semaphore_mem>>)
      %dma_wait3A_35 = arith.constant 0 : i32
      %dma_wait3A_36 = arith.constant 0 : i32
      %dma_wait3A_37 = tpu.memref_slice %arg3[%arg0, %arg1, %dma_wait3A_35, %dma_wait3A_36] : memref<2x16x160x128xi32, #tpu.memory_space<hbm>> -> memref<1x1x160x128xi32, #tpu.memory_space<hbm>>
      %dma_wait3A_38 = tpu.memref_squeeze %dma_wait3A_37 : memref<1x1x160x128xi32, #tpu.memory_space<hbm>> -> memref<160x128xi32, #tpu.memory_space<hbm>>
      %dma_wait3A_39 = arith.constant 0 : i32
      %dma_wait3A_40 = arith.constant 0 : i32
      %dma_wait3A_41 = tpu.memref_slice %arg3[%arg0, %arg1, %dma_wait3A_39, %dma_wait3A_40] : memref<2x16x160x128xi32, #tpu.memory_space<hbm>> -> memref<1x1x160x128xi32, #tpu.memory_space<hbm>>
      %dma_wait3A_42 = tpu.memref_squeeze %dma_wait3A_41 : memref<1x1x160x128xi32, #tpu.memory_space<hbm>> -> memref<160x128xi32, #tpu.memory_space<hbm>>
      tpu.wait_dma2 semaphore(%run_scoped3A_26 : memref<!tpu.dma_semaphore, #tpu.memory_space<semaphore_mem>>) src(%dma_wait3A_42 : memref<160x128xi32, #tpu.memory_space<hbm>>) dst(%arg7 : memref<160x128xi32, #tpu.memory_space<vmem>>)
      tpu.yield
    }) : () -> ()
    "tpu.region"() ({
      %run_scoped3A_26 = tpu.sem_alloc : memref<!tpu.dma_semaphore, #tpu.memory_space<semaphore_mem>>
      %dma_start3A_27 = arith.constant 0 : i32
      %dma_start3A_28 = arith.constant 0 : i32
      %dma_start3A_29 = tpu.memref_slice %arg4[%arg1, %dma_start3A_27, %dma_start3A_28] : memref<16x160x128xi32, #tpu.memory_space<hbm>> -> memref<1x160x128xi32, #tpu.memory_space<hbm>>
      %dma_start3A_30 = tpu.memref_squeeze %dma_start3A_29 : memref<1x160x128xi32, #tpu.memory_space<hbm>> -> memref<160x128xi32, #tpu.memory_space<hbm>>
      %dma_start3A_31 = arith.constant 0 : i32
      %dma_start3A_32 = arith.constant 0 : i32
      %dma_start3A_33 = tpu.memref_slice %arg4[%arg1, %dma_start3A_31, %dma_start3A_32] : memref<16x160x128xi32, #tpu.memory_space<hbm>> -> memref<1x160x128xi32, #tpu.memory_space<hbm>>
      %dma_start3A_34 = tpu.memref_squeeze %dma_start3A_33 : memref<1x160x128xi32, #tpu.memory_space<hbm>> -> memref<160x128xi32, #tpu.memory_space<hbm>>
      tpu.enqueue_dma source(%dma_start3A_34 : memref<160x128xi32, #tpu.memory_space<hbm>>) target(%arg8 : memref<160x128xi32, #tpu.memory_space<vmem>>) target_semaphore(%run_scoped3A_26 : memref<!tpu.dma_semaphore, #tpu.memory_space<semaphore_mem>>)
      %dma_wait3A_35 = arith.constant 0 : i32
      %dma_wait3A_36 = arith.constant 0 : i32
      %dma_wait3A_37 = tpu.memref_slice %arg4[%arg1, %dma_wait3A_35, %dma_wait3A_36] : memref<16x160x128xi32, #tpu.memory_space<hbm>> -> memref<1x160x128xi32, #tpu.memory_space<hbm>>
      %dma_wait3A_38 = tpu.memref_squeeze %dma_wait3A_37 : memref<1x160x128xi32, #tpu.memory_space<hbm>> -> memref<160x128xi32, #tpu.memory_space<hbm>>
      %dma_wait3A_39 = arith.constant 0 : i32
      %dma_wait3A_40 = arith.constant 0 : i32
      %dma_wait3A_41 = tpu.memref_slice %arg4[%arg1, %dma_wait3A_39, %dma_wait3A_40] : memref<16x160x128xi32, #tpu.memory_space<hbm>> -> memref<1x160x128xi32, #tpu.memory_space<hbm>>
      %dma_wait3A_42 = tpu.memref_squeeze %dma_wait3A_41 : memref<1x160x128xi32, #tpu.memory_space<hbm>> -> memref<160x128xi32, #tpu.memory_space<hbm>>
      tpu.wait_dma2 semaphore(%run_scoped3A_26 : memref<!tpu.dma_semaphore, #tpu.memory_space<semaphore_mem>>) src(%dma_wait3A_42 : memref<160x128xi32, #tpu.memory_space<hbm>>) dst(%arg8 : memref<160x128xi32, #tpu.memory_space<vmem>>)
      tpu.yield
    }) : () -> ()
    %barrier3A = arith.constant 0 : index
    tpu.barrier barrier_id(%barrier3A)
    %dma_start3A = arith.constant 0 : i32
    %dma_start3A_1 = arith.constant 0 : i32
    %dma_start3A_2 = tpu.memref_slice %arg7[%dma_start3A, %dma_start3A_1] : memref<160x128xi32, #tpu.memory_space<vmem>> -> memref<1x128xi32, #tpu.memory_space<vmem>>
    %dma_start3A_3 = tpu.memref_squeeze %dma_start3A_2 : memref<1x128xi32, #tpu.memory_space<vmem>> -> memref<128xi32, #tpu.memory_space<vmem>>
    %dma_start3A_4 = arith.constant 0 : i32
    %dma_start3A_5 = arith.constant 0 : i32
    %dma_start3A_6 = tpu.memref_slice %arg2[%dma_start3A_4, %dma_start3A_5] : memref<20480x80xbf16, #tpu.memory_space<hbm>> -> memref<20480x80xbf16, #tpu.memory_space<hbm>>
    tpu.enqueue_indirect_dma source(%dma_start3A_6 : memref<20480x80xbf16, #tpu.memory_space<hbm>>) target(%arg9 : memref<128x80xbf16, #tpu.memory_space<vmem>>) offsets(%dma_start3A_3 : memref<128xi32, #tpu.memory_space<vmem>>) semaphore(%arg12 : memref<!tpu.dma_semaphore, #tpu.memory_space<semaphore_mem>>)
    %dma_start3A_7 = arith.constant 1 : i32
    %dma_start3A_8 = arith.constant 0 : i32
    %dma_start3A_9 = tpu.memref_slice %arg7[%dma_start3A_7, %dma_start3A_8] : memref<160x128xi32, #tpu.memory_space<vmem>> -> memref<1x128xi32, #tpu.memory_space<vmem>>
    %dma_start3A_10 = tpu.memref_squeeze %dma_start3A_9 : memref<1x128xi32, #tpu.memory_space<vmem>> -> memref<128xi32, #tpu.memory_space<vmem>>
    %dma_start3A_11 = arith.constant 0 : i32
    %dma_start3A_12 = arith.constant 0 : i32
    %dma_start3A_13 = tpu.memref_slice %arg2[%dma_start3A_11, %dma_start3A_12] : memref<20480x80xbf16, #tpu.memory_space<hbm>> -> memref<20480x80xbf16, #tpu.memory_space<hbm>>
    tpu.enqueue_indirect_dma source(%dma_start3A_13 : memref<20480x80xbf16, #tpu.memory_space<hbm>>) target(%arg10 : memref<128x80xbf16, #tpu.memory_space<vmem>>) offsets(%dma_start3A_10 : memref<128xi32, #tpu.memory_space<vmem>>) semaphore(%arg13 : memref<!tpu.dma_semaphore, #tpu.memory_space<semaphore_mem>>)
    %scan3A = arith.constant 0 : i32
    %scan3A_14 = arith.constant 0 : i32
    %scan3A_15 = arith.constant 53 : i32
    %scan3A_16 = arith.addi %scan3A_14, %scan3A_15 : i32
    %scan3A_17 = arith.constant 1 : i32
    scf.for %scan3A_26 = %scan3A_14 to %scan3A_16 step %scan3A_17  : i32 {
      %mul3A_27 = arith.constant 3 : i32
      %mul3A_28 = arith.muli %mul3A_27, %scan3A_26 : i32
      %add3A = arith.constant 0 : i32
      %add3A_29 = arith.addi %mul3A_28, %add3A : i32
      %add3A_30 = arith.constant 2 : i32
      %add3A_31 = arith.addi %mul3A_28, %add3A_30 : i32
      %dma_start3A_32 = arith.constant 0 : i32
      %dma_start3A_33 = tpu.memref_slice %arg7[%add3A_31, %dma_start3A_32] : memref<160x128xi32, #tpu.memory_space<vmem>> -> memref<1x128xi32, #tpu.memory_space<vmem>>
      %dma_start3A_34 = tpu.memref_squeeze %dma_start3A_33 : memref<1x128xi32, #tpu.memory_space<vmem>> -> memref<128xi32, #tpu.memory_space<vmem>>
      %dma_start3A_35 = arith.constant 0 : i32
      %dma_start3A_36 = arith.constant 0 : i32
      %dma_start3A_37 = tpu.memref_slice %arg2[%dma_start3A_35, %dma_start3A_36] : memref<20480x80xbf16, #tpu.memory_space<hbm>> -> memref<20480x80xbf16, #tpu.memory_space<hbm>>
      tpu.enqueue_indirect_dma source(%dma_start3A_37 : memref<20480x80xbf16, #tpu.memory_space<hbm>>) target(%arg11 : memref<128x80xbf16, #tpu.memory_space<vmem>>) offsets(%dma_start3A_34 : memref<128xi32, #tpu.memory_space<vmem>>) semaphore(%arg14 : memref<!tpu.dma_semaphore, #tpu.memory_space<semaphore_mem>>)
      %dma_wait3A_38 = arith.constant 0 : i32
      %dma_wait3A_39 = tpu.memref_slice %arg7[%add3A_29, %dma_wait3A_38] : memref<160x128xi32, #tpu.memory_space<vmem>> -> memref<1x128xi32, #tpu.memory_space<vmem>>
      %dma_wait3A_40 = tpu.memref_squeeze %dma_wait3A_39 : memref<1x128xi32, #tpu.memory_space<vmem>> -> memref<128xi32, #tpu.memory_space<vmem>>
      %dma_wait3A_41 = arith.constant 0 : i32
      %dma_wait3A_42 = arith.constant 0 : i32
      %dma_wait3A_43 = tpu.memref_slice %arg2[%dma_wait3A_41, %dma_wait3A_42] : memref<20480x80xbf16, #tpu.memory_space<hbm>> -> memref<20480x80xbf16, #tpu.memory_space<hbm>>
      tpu.wait_indirect_dma semaphore(%arg12 : memref<!tpu.dma_semaphore, #tpu.memory_space<semaphore_mem>>) src(%dma_wait3A_43 : memref<20480x80xbf16, #tpu.memory_space<hbm>>) dst(%arg9 : memref<128x80xbf16, #tpu.memory_space<vmem>>)
      "tpu.region"() ({
        %run_scoped3A_75 = tpu.sem_alloc : memref<!tpu.dma_semaphore, #tpu.memory_space<semaphore_mem>>
        %dma_start3A_76 = arith.constant 0 : i32
        %dma_start3A_77 = tpu.memref_slice %arg8[%add3A_29, %dma_start3A_76] : memref<160x128xi32, #tpu.memory_space<vmem>> -> memref<1x128xi32, #tpu.memory_space<vmem>>
        %dma_start3A_78 = tpu.memref_squeeze %dma_start3A_77 : memref<1x128xi32, #tpu.memory_space<vmem>> -> memref<128xi32, #tpu.memory_space<vmem>>
        %dma_start3A_79 = arith.constant 0 : i32
        %dma_start3A_80 = arith.constant 0 : i32
        %dma_start3A_81 = tpu.memref_slice %arg15[%dma_start3A_79, %dma_start3A_80] : memref<10240x80xbf16, #tpu.memory_space<vmem_shared>> -> memref<10240x80xbf16, #tpu.memory_space<vmem_shared>>
        tpu.enqueue_indirect_dma source(%arg9 : memref<128x80xbf16, #tpu.memory_space<vmem>>) target(%dma_start3A_81 : memref<10240x80xbf16, #tpu.memory_space<vmem_shared>>) offsets(%dma_start3A_78 : memref<128xi32, #tpu.memory_space<vmem>>) semaphore(%run_scoped3A_75 : memref<!tpu.dma_semaphore, #tpu.memory_space<semaphore_mem>>) {add = true}
        %dma_wait3A_82 = arith.constant 0 : i32
        %dma_wait3A_83 = tpu.memref_slice %arg8[%add3A_29, %dma_wait3A_82] : memref<160x128xi32, #tpu.memory_space<vmem>> -> memref<1x128xi32, #tpu.memory_space<vmem>>
        %dma_wait3A_84 = tpu.memref_squeeze %dma_wait3A_83 : memref<1x128xi32, #tpu.memory_space<vmem>> -> memref<128xi32, #tpu.memory_space<vmem>>
        %dma_wait3A_85 = arith.constant 0 : i32
        %dma_wait3A_86 = arith.constant 0 : i32
        %dma_wait3A_87 = tpu.memref_slice %arg15[%dma_wait3A_85, %dma_wait3A_86] : memref<10240x80xbf16, #tpu.memory_space<vmem_shared>> -> memref<10240x80xbf16, #tpu.memory_space<vmem_shared>>
        tpu.wait_indirect_dma semaphore(%run_scoped3A_75 : memref<!tpu.dma_semaphore, #tpu.memory_space<semaphore_mem>>) src(%arg9 : memref<128x80xbf16, #tpu.memory_space<vmem>>) dst(%dma_wait3A_87 : memref<10240x80xbf16, #tpu.memory_space<vmem_shared>>)
        tpu.yield
      }) : () -> ()
      %add3A_44 = arith.constant 0 : i32
      %add3A_45 = arith.addi %mul3A_28, %add3A_44 : i32
      %add3A_46 = arith.constant 3 : i32
      %add3A_47 = arith.addi %add3A_45, %add3A_46 : i32
      %lt3A = arith.constant 160 : i32
      %lt3A_48 = arith.cmpi slt, %add3A_47, %lt3A : i32
      %convert_element_type3A = arith.extui %lt3A_48 : i1 to i32
      %cond3A = arith.constant 0 : i32
      %cond3A_49 = arith.cmpi ne, %convert_element_type3A, %cond3A : i32
      scf.if %cond3A_49 {
        %add3A_75 = arith.constant 0 : i32
        %add3A_76 = arith.addi %mul3A_28, %add3A_75 : i32
        %add3A_77 = arith.constant 3 : i32
        %add3A_78 = arith.addi %add3A_76, %add3A_77 : i32
        %dma_start3A_79 = arith.constant 0 : i32
        %dma_start3A_80 = tpu.memref_slice %arg7[%add3A_78, %dma_start3A_79] : memref<160x128xi32, #tpu.memory_space<vmem>> -> memref<1x128xi32, #tpu.memory_space<vmem>>
        %dma_start3A_81 = tpu.memref_squeeze %dma_start3A_80 : memref<1x128xi32, #tpu.memory_space<vmem>> -> memref<128xi32, #tpu.memory_space<vmem>>
        %dma_start3A_82 = arith.constant 0 : i32
        %dma_start3A_83 = arith.constant 0 : i32
        %dma_start3A_84 = tpu.memref_slice %arg2[%dma_start3A_82, %dma_start3A_83] : memref<20480x80xbf16, #tpu.memory_space<hbm>> -> memref<20480x80xbf16, #tpu.memory_space<hbm>>
        tpu.enqueue_indirect_dma source(%dma_start3A_84 : memref<20480x80xbf16, #tpu.memory_space<hbm>>) target(%arg9 : memref<128x80xbf16, #tpu.memory_space<vmem>>) offsets(%dma_start3A_81 : memref<128xi32, #tpu.memory_space<vmem>>) semaphore(%arg12 : memref<!tpu.dma_semaphore, #tpu.memory_space<semaphore_mem>>)
      } else {
      }
      %add3A_50 = arith.constant 1 : i32
      %add3A_51 = arith.addi %mul3A_28, %add3A_50 : i32
      %dma_wait3A_52 = arith.constant 0 : i32
      %dma_wait3A_53 = tpu.memref_slice %arg7[%add3A_51, %dma_wait3A_52] : memref<160x128xi32, #tpu.memory_space<vmem>> -> memref<1x128xi32, #tpu.memory_space<vmem>>
      %dma_wait3A_54 = tpu.memref_squeeze %dma_wait3A_53 : memref<1x128xi32, #tpu.memory_space<vmem>> -> memref<128xi32, #tpu.memory_space<vmem>>
      %dma_wait3A_55 = arith.constant 0 : i32
      %dma_wait3A_56 = arith.constant 0 : i32
      %dma_wait3A_57 = tpu.memref_slice %arg2[%dma_wait3A_55, %dma_wait3A_56] : memref<20480x80xbf16, #tpu.memory_space<hbm>> -> memref<20480x80xbf16, #tpu.memory_space<hbm>>
      tpu.wait_indirect_dma semaphore(%arg13 : memref<!tpu.dma_semaphore, #tpu.memory_space<semaphore_mem>>) src(%dma_wait3A_57 : memref<20480x80xbf16, #tpu.memory_space<hbm>>) dst(%arg10 : memref<128x80xbf16, #tpu.memory_space<vmem>>)
      "tpu.region"() ({
        %run_scoped3A_75 = tpu.sem_alloc : memref<!tpu.dma_semaphore, #tpu.memory_space<semaphore_mem>>
        %dma_start3A_76 = arith.constant 0 : i32
        %dma_start3A_77 = tpu.memref_slice %arg8[%add3A_51, %dma_start3A_76] : memref<160x128xi32, #tpu.memory_space<vmem>> -> memref<1x128xi32, #tpu.memory_space<vmem>>
        %dma_start3A_78 = tpu.memref_squeeze %dma_start3A_77 : memref<1x128xi32, #tpu.memory_space<vmem>> -> memref<128xi32, #tpu.memory_space<vmem>>
        %dma_start3A_79 = arith.constant 0 : i32
        %dma_start3A_80 = arith.constant 0 : i32
        %dma_start3A_81 = tpu.memref_slice %arg15[%dma_start3A_79, %dma_start3A_80] : memref<10240x80xbf16, #tpu.memory_space<vmem_shared>> -> memref<10240x80xbf16, #tpu.memory_space<vmem_shared>>
        tpu.enqueue_indirect_dma source(%arg10 : memref<128x80xbf16, #tpu.memory_space<vmem>>) target(%dma_start3A_81 : memref<10240x80xbf16, #tpu.memory_space<vmem_shared>>) offsets(%dma_start3A_78 : memref<128xi32, #tpu.memory_space<vmem>>) semaphore(%run_scoped3A_75 : memref<!tpu.dma_semaphore, #tpu.memory_space<semaphore_mem>>) {add = true}
        %dma_wait3A_82 = arith.constant 0 : i32
        %dma_wait3A_83 = tpu.memref_slice %arg8[%add3A_51, %dma_wait3A_82] : memref<160x128xi32, #tpu.memory_space<vmem>> -> memref<1x128xi32, #tpu.memory_space<vmem>>
        %dma_wait3A_84 = tpu.memref_squeeze %dma_wait3A_83 : memref<1x128xi32, #tpu.memory_space<vmem>> -> memref<128xi32, #tpu.memory_space<vmem>>
        %dma_wait3A_85 = arith.constant 0 : i32
        %dma_wait3A_86 = arith.constant 0 : i32
        %dma_wait3A_87 = tpu.memref_slice %arg15[%dma_wait3A_85, %dma_wait3A_86] : memref<10240x80xbf16, #tpu.memory_space<vmem_shared>> -> memref<10240x80xbf16, #tpu.memory_space<vmem_shared>>
        tpu.wait_indirect_dma semaphore(%run_scoped3A_75 : memref<!tpu.dma_semaphore, #tpu.memory_space<semaphore_mem>>) src(%arg10 : memref<128x80xbf16, #tpu.memory_space<vmem>>) dst(%dma_wait3A_87 : memref<10240x80xbf16, #tpu.memory_space<vmem_shared>>)
        tpu.yield
      }) : () -> ()
      %add3A_58 = arith.constant 1 : i32
      %add3A_59 = arith.addi %mul3A_28, %add3A_58 : i32
      %add3A_60 = arith.constant 3 : i32
      %add3A_61 = arith.addi %add3A_59, %add3A_60 : i32
      %lt3A_62 = arith.constant 160 : i32
      %lt3A_63 = arith.cmpi slt, %add3A_61, %lt3A_62 : i32
      %convert_element_type3A_64 = arith.extui %lt3A_63 : i1 to i32
      %cond3A_65 = arith.constant 0 : i32
      %cond3A_66 = arith.cmpi ne, %convert_element_type3A_64, %cond3A_65 : i32
      scf.if %cond3A_66 {
        %add3A_75 = arith.constant 1 : i32
        %add3A_76 = arith.addi %mul3A_28, %add3A_75 : i32
        %add3A_77 = arith.constant 3 : i32
        %add3A_78 = arith.addi %add3A_76, %add3A_77 : i32
        %dma_start3A_79 = arith.constant 0 : i32
        %dma_start3A_80 = tpu.memref_slice %arg7[%add3A_78, %dma_start3A_79] : memref<160x128xi32, #tpu.memory_space<vmem>> -> memref<1x128xi32, #tpu.memory_space<vmem>>
        %dma_start3A_81 = tpu.memref_squeeze %dma_start3A_80 : memref<1x128xi32, #tpu.memory_space<vmem>> -> memref<128xi32, #tpu.memory_space<vmem>>
        %dma_start3A_82 = arith.constant 0 : i32
        %dma_start3A_83 = arith.constant 0 : i32
        %dma_start3A_84 = tpu.memref_slice %arg2[%dma_start3A_82, %dma_start3A_83] : memref<20480x80xbf16, #tpu.memory_space<hbm>> -> memref<20480x80xbf16, #tpu.memory_space<hbm>>
        tpu.enqueue_indirect_dma source(%dma_start3A_84 : memref<20480x80xbf16, #tpu.memory_space<hbm>>) target(%arg10 : memref<128x80xbf16, #tpu.memory_space<vmem>>) offsets(%dma_start3A_81 : memref<128xi32, #tpu.memory_space<vmem>>) semaphore(%arg13 : memref<!tpu.dma_semaphore, #tpu.memory_space<semaphore_mem>>)
      } else {
      }
      %add3A_67 = arith.constant 2 : i32
      %add3A_68 = arith.addi %mul3A_28, %add3A_67 : i32
      %dma_wait3A_69 = arith.constant 0 : i32
      %dma_wait3A_70 = tpu.memref_slice %arg7[%add3A_68, %dma_wait3A_69] : memref<160x128xi32, #tpu.memory_space<vmem>> -> memref<1x128xi32, #tpu.memory_space<vmem>>
      %dma_wait3A_71 = tpu.memref_squeeze %dma_wait3A_70 : memref<1x128xi32, #tpu.memory_space<vmem>> -> memref<128xi32, #tpu.memory_space<vmem>>
      %dma_wait3A_72 = arith.constant 0 : i32
      %dma_wait3A_73 = arith.constant 0 : i32
      %dma_wait3A_74 = tpu.memref_slice %arg2[%dma_wait3A_72, %dma_wait3A_73] : memref<20480x80xbf16, #tpu.memory_space<hbm>> -> memref<20480x80xbf16, #tpu.memory_space<hbm>>
      tpu.wait_indirect_dma semaphore(%arg14 : memref<!tpu.dma_semaphore, #tpu.memory_space<semaphore_mem>>) src(%dma_wait3A_74 : memref<20480x80xbf16, #tpu.memory_space<hbm>>) dst(%arg11 : memref<128x80xbf16, #tpu.memory_space<vmem>>)
      "tpu.region"() ({
        %run_scoped3A_75 = tpu.sem_alloc : memref<!tpu.dma_semaphore, #tpu.memory_space<semaphore_mem>>
        %dma_start3A_76 = arith.constant 0 : i32
        %dma_start3A_77 = tpu.memref_slice %arg8[%add3A_68, %dma_start3A_76] : memref<160x128xi32, #tpu.memory_space<vmem>> -> memref<1x128xi32, #tpu.memory_space<vmem>>
        %dma_start3A_78 = tpu.memref_squeeze %dma_start3A_77 : memref<1x128xi32, #tpu.memory_space<vmem>> -> memref<128xi32, #tpu.memory_space<vmem>>
        %dma_start3A_79 = arith.constant 0 : i32
        %dma_start3A_80 = arith.constant 0 : i32
        %dma_start3A_81 = tpu.memref_slice %arg15[%dma_start3A_79, %dma_start3A_80] : memref<10240x80xbf16, #tpu.memory_space<vmem_shared>> -> memref<10240x80xbf16, #tpu.memory_space<vmem_shared>>
        tpu.enqueue_indirect_dma source(%arg11 : memref<128x80xbf16, #tpu.memory_space<vmem>>) target(%dma_start3A_81 : memref<10240x80xbf16, #tpu.memory_space<vmem_shared>>) offsets(%dma_start3A_78 : memref<128xi32, #tpu.memory_space<vmem>>) semaphore(%run_scoped3A_75 : memref<!tpu.dma_semaphore, #tpu.memory_space<semaphore_mem>>) {add = true}
        %dma_wait3A_82 = arith.constant 0 : i32
        %dma_wait3A_83 = tpu.memref_slice %arg8[%add3A_68, %dma_wait3A_82] : memref<160x128xi32, #tpu.memory_space<vmem>> -> memref<1x128xi32, #tpu.memory_space<vmem>>
        %dma_wait3A_84 = tpu.memref_squeeze %dma_wait3A_83 : memref<1x128xi32, #tpu.memory_space<vmem>> -> memref<128xi32, #tpu.memory_space<vmem>>
        %dma_wait3A_85 = arith.constant 0 : i32
        %dma_wait3A_86 = arith.constant 0 : i32
        %dma_wait3A_87 = tpu.memref_slice %arg15[%dma_wait3A_85, %dma_wait3A_86] : memref<10240x80xbf16, #tpu.memory_space<vmem_shared>> -> memref<10240x80xbf16, #tpu.memory_space<vmem_shared>>
        tpu.wait_indirect_dma semaphore(%run_scoped3A_75 : memref<!tpu.dma_semaphore, #tpu.memory_space<semaphore_mem>>) src(%arg11 : memref<128x80xbf16, #tpu.memory_space<vmem>>) dst(%dma_wait3A_87 : memref<10240x80xbf16, #tpu.memory_space<vmem_shared>>)
        tpu.yield
      }) : () -> ()
    }
    %scan3A_18 = arith.constant 53 : i32
    %dma_wait3A = arith.constant 159 : i32
    %dma_wait3A_19 = arith.constant 0 : i32
    %dma_wait3A_20 = tpu.memref_slice %arg7[%dma_wait3A, %dma_wait3A_19] : memref<160x128xi32, #tpu.memory_space<vmem>> -> memref<1x128xi32, #tpu.memory_space<vmem>>
    %dma_wait3A_21 = tpu.memref_squeeze %dma_wait3A_20 : memref<1x128xi32, #tpu.memory_space<vmem>> -> memref<128xi32, #tpu.memory_space<vmem>>
    %dma_wait3A_22 = arith.constant 0 : i32
    %dma_wait3A_23 = arith.constant 0 : i32
    %dma_wait3A_24 = tpu.memref_slice %arg2[%dma_wait3A_22, %dma_wait3A_23] : memref<20480x80xbf16, #tpu.memory_space<hbm>> -> memref<20480x80xbf16, #tpu.memory_space<hbm>>
    tpu.wait_indirect_dma semaphore(%arg12 : memref<!tpu.dma_semaphore, #tpu.memory_space<semaphore_mem>>) src(%dma_wait3A_24 : memref<20480x80xbf16, #tpu.memory_space<hbm>>) dst(%arg9 : memref<128x80xbf16, #tpu.memory_space<vmem>>)
    %run_scoped3A = arith.constant 159 : i32
    "tpu.region"() ({
      %run_scoped3A_26 = tpu.sem_alloc : memref<!tpu.dma_semaphore, #tpu.memory_space<semaphore_mem>>
      %dma_start3A_27 = arith.constant 0 : i32
      %dma_start3A_28 = tpu.memref_slice %arg8[%run_scoped3A, %dma_start3A_27] : memref<160x128xi32, #tpu.memory_space<vmem>> -> memref<1x128xi32, #tpu.memory_space<vmem>>
      %dma_start3A_29 = tpu.memref_squeeze %dma_start3A_28 : memref<1x128xi32, #tpu.memory_space<vmem>> -> memref<128xi32, #tpu.memory_space<vmem>>
      %dma_start3A_30 = arith.constant 0 : i32
      %dma_start3A_31 = arith.constant 0 : i32
      %dma_start3A_32 = tpu.memref_slice %arg15[%dma_start3A_30, %dma_start3A_31] : memref<10240x80xbf16, #tpu.memory_space<vmem_shared>> -> memref<10240x80xbf16, #tpu.memory_space<vmem_shared>>
      tpu.enqueue_indirect_dma source(%arg9 : memref<128x80xbf16, #tpu.memory_space<vmem>>) target(%dma_start3A_32 : memref<10240x80xbf16, #tpu.memory_space<vmem_shared>>) offsets(%dma_start3A_29 : memref<128xi32, #tpu.memory_space<vmem>>) semaphore(%run_scoped3A_26 : memref<!tpu.dma_semaphore, #tpu.memory_space<semaphore_mem>>) {add = true}
      %dma_wait3A_33 = arith.constant 0 : i32
      %dma_wait3A_34 = tpu.memref_slice %arg8[%run_scoped3A, %dma_wait3A_33] : memref<160x128xi32, #tpu.memory_space<vmem>> -> memref<1x128xi32, #tpu.memory_space<vmem>>
      %dma_wait3A_35 = tpu.memref_squeeze %dma_wait3A_34 : memref<1x128xi32, #tpu.memory_space<vmem>> -> memref<128xi32, #tpu.memory_space<vmem>>
      %dma_wait3A_36 = arith.constant 0 : i32
      %dma_wait3A_37 = arith.constant 0 : i32
      %dma_wait3A_38 = tpu.memref_slice %arg15[%dma_wait3A_36, %dma_wait3A_37] : memref<10240x80xbf16, #tpu.memory_space<vmem_shared>> -> memref<10240x80xbf16, #tpu.memory_space<vmem_shared>>
      tpu.wait_indirect_dma semaphore(%run_scoped3A_26 : memref<!tpu.dma_semaphore, #tpu.memory_space<semaphore_mem>>) src(%arg9 : memref<128x80xbf16, #tpu.memory_space<vmem>>) dst(%dma_wait3A_38 : memref<10240x80xbf16, #tpu.memory_space<vmem_shared>>)
      tpu.yield
    }) : () -> ()
    %barrier3A_25 = arith.constant 0 : index
    tpu.barrier barrier_id(%barrier3A_25)
    "tpu.region"() ({
      %run_scoped3A_26 = tpu.sem_alloc : memref<!tpu.dma_semaphore, #tpu.memory_space<semaphore_mem>>
      %dma_start3A_27 = arith.constant 0 : i32
      %dma_start3A_28 = tpu.memref_slice %arg6[%arg0, %mul3A_0, %dma_start3A_27] : memref<2x10240x80xbf16, #tpu.memory_space<hbm>> -> memref<1x640x80xbf16, #tpu.memory_space<hbm>>
      %dma_start3A_29 = tpu.memref_squeeze %dma_start3A_28 : memref<1x640x80xbf16, #tpu.memory_space<hbm>> -> memref<640x80xbf16, #tpu.memory_space<hbm>>
      %dma_start3A_30 = arith.constant 0 : i32
      %dma_start3A_31 = tpu.memref_slice %arg15[%mul3A_0, %dma_start3A_30] : memref<10240x80xbf16, #tpu.memory_space<vmem_shared>> -> memref<640x80xbf16, #tpu.memory_space<vmem_shared>>
      tpu.enqueue_dma source(%dma_start3A_31 : memref<640x80xbf16, #tpu.memory_space<vmem_shared>>) target(%dma_start3A_29 : memref<640x80xbf16, #tpu.memory_space<hbm>>) target_semaphore(%run_scoped3A_26 : memref<!tpu.dma_semaphore, #tpu.memory_space<semaphore_mem>>)
      %dma_wait3A_32 = arith.constant 0 : i32
      %dma_wait3A_33 = tpu.memref_slice %arg6[%arg0, %mul3A_0, %dma_wait3A_32] : memref<2x10240x80xbf16, #tpu.memory_space<hbm>> -> memref<1x640x80xbf16, #tpu.memory_space<hbm>>
      %dma_wait3A_34 = tpu.memref_squeeze %dma_wait3A_33 : memref<1x640x80xbf16, #tpu.memory_space<hbm>> -> memref<640x80xbf16, #tpu.memory_space<hbm>>
      %dma_wait3A_35 = arith.constant 0 : i32
      %dma_wait3A_36 = tpu.memref_slice %arg15[%mul3A_0, %dma_wait3A_35] : memref<10240x80xbf16, #tpu.memory_space<vmem_shared>> -> memref<640x80xbf16, #tpu.memory_space<vmem_shared>>
      tpu.wait_dma2 semaphore(%run_scoped3A_26 : memref<!tpu.dma_semaphore, #tpu.memory_space<semaphore_mem>>) src(%dma_wait3A_36 : memref<640x80xbf16, #tpu.memory_space<vmem_shared>>) dst(%dma_wait3A_34 : memref<640x80xbf16, #tpu.memory_space<hbm>>)
      tpu.yield
    }) : () -> ()
    return
  }
}

#map = affine_map<(d0, d1) -> (0, 0)>
#map1 = affine_map<(d0, d1) -> (0, 0, 0, 0)>
#map2 = affine_map<(d0, d1) -> (0, 0, 0)>
module attributes {stable_mosaic.version = 14 : i64} {
  func.func @_sc_aggregate_body(%arg0: i32, %arg1: i32, %arg2: memref<20480x80xbf16, #tpu.memory_space<hbm>>, %arg3: memref<2x16x160x128xi32, #tpu.memory_space<hbm>>, %arg4: memref<16x160x128xi32, #tpu.memory_space<hbm>>, %arg5: memref<640x80xbf16, #tpu.memory_space<hbm>>, %arg6: memref<2x10240x80xbf16, #tpu.memory_space<hbm>>, %arg7: memref<160x128xi32, #tpu.memory_space<vmem>>, %arg8: memref<160x128xi32, #tpu.memory_space<vmem>>, %arg9: memref<128x80xbf16, #tpu.memory_space<vmem>>, %arg10: memref<128x80xbf16, #tpu.memory_space<vmem>>, %arg11: memref<128x80xbf16, #tpu.memory_space<vmem>>, %arg12: memref<!tpu.dma_semaphore, #tpu.memory_space<semaphore_mem>>, %arg13: memref<!tpu.dma_semaphore, #tpu.memory_space<semaphore_mem>>, %arg14: memref<!tpu.dma_semaphore, #tpu.memory_space<semaphore_mem>>, %arg15: memref<10240x80xbf16, #tpu.memory_space<vmem_shared>>) attributes {dimension_semantics = [#tpu.dimension_semantics<core_parallel>, #tpu.dimension_semantics<subcore_parallel>], iteration_bounds = array<i64: 2, 16>, scalar_prefetch = 0 : i64, scratch_operands = 9 : i64, tpu.core_type = #tpu.core_type<sc_vector_subcore>, window_params = [{transform_indices = #map}, {transform_indices = #map1}, {transform_indices = #map2}, {transform_indices = #map}, {transform_indices = #map2}]} {
    %mul3A = arith.constant 640 : i32
    %mul3A_0 = arith.muli %arg1, %mul3A : i32
    "tpu.region"() ({
      %run_scoped3A_26 = tpu.sem_alloc : memref<!tpu.dma_semaphore, #tpu.memory_space<semaphore_mem>>
      %dma_start3A_27 = arith.constant 0 : i32
      %dma_start3A_28 = tpu.memref_slice %arg15[%mul3A_0, %dma_start3A_27] : memref<10240x80xbf16, #tpu.memory_space<vmem_shared>> -> memref<640x80xbf16, #tpu.memory_space<vmem_shared>>
      tpu.enqueue_dma source(%arg5 : memref<640x80xbf16, #tpu.memory_space<hbm>>) target(%dma_start3A_28 : memref<640x80xbf16, #tpu.memory_space<vmem_shared>>) target_semaphore(%run_scoped3A_26 : memref<!tpu.dma_semaphore, #tpu.memory_space<semaphore_mem>>)
      %dma_wait3A_29 = arith.constant 0 : i32
      %dma_wait3A_30 = tpu.memref_slice %arg15[%mul3A_0, %dma_wait3A_29] : memref<10240x80xbf16, #tpu.memory_space<vmem_shared>> -> memref<640x80xbf16, #tpu.memory_space<vmem_shared>>
      tpu.wait_dma2 semaphore(%run_scoped3A_26 : memref<!tpu.dma_semaphore, #tpu.memory_space<semaphore_mem>>) src(%arg5 : memref<640x80xbf16, #tpu.memory_space<hbm>>) dst(%dma_wait3A_30 : memref<640x80xbf16, #tpu.memory_space<vmem_shared>>)
      tpu.yield
    }) : () -> ()
    "tpu.region"() ({
      %run_scoped3A_26 = tpu.sem_alloc : memref<!tpu.dma_semaphore, #tpu.memory_space<semaphore_mem>>
      %dma_start3A_27 = arith.constant 0 : i32
      %dma_start3A_28 = arith.constant 0 : i32
      %dma_start3A_29 = tpu.memref_slice %arg3[%arg0, %arg1, %dma_start3A_27, %dma_start3A_28] : memref<2x16x160x128xi32, #tpu.memory_space<hbm>> -> memref<1x1x160x128xi32, #tpu.memory_space<hbm>>
      %dma_start3A_30 = tpu.memref_squeeze %dma_start3A_29 : memref<1x1x160x128xi32, #tpu.memory_space<hbm>> -> memref<160x128xi32, #tpu.memory_space<hbm>>
      %dma_start3A_31 = arith.constant 0 : i32
      %dma_start3A_32 = arith.constant 0 : i32
      %dma_start3A_33 = tpu.memref_slice %arg3[%arg0, %arg1, %dma_start3A_31, %dma_start3A_32] : memref<2x16x160x128xi32, #tpu.memory_space<hbm>> -> memref<1x1x160x128xi32, #tpu.memory_space<hbm>>
      %dma_start3A_34 = tpu.memref_squeeze %dma_start3A_33 : memref<1x1x160x128xi32, #tpu.memory_space<hbm>> -> memref<160x128xi32, #tpu.memory_space<hbm>>
      tpu.enqueue_dma source(%dma_start3A_34 : memref<160x128xi32, #tpu.memory_space<hbm>>) target(%arg7 : memref<160x128xi32, #tpu.memory_space<vmem>>) target_semaphore(%run_scoped3A_26 : memref<!tpu.dma_semaphore, #tpu.memory_space<semaphore_mem>>)
      %dma_wait3A_35 = arith.constant 0 : i32
      %dma_wait3A_36 = arith.constant 0 : i32
      %dma_wait3A_37 = tpu.memref_slice %arg3[%arg0, %arg1, %dma_wait3A_35, %dma_wait3A_36] : memref<2x16x160x128xi32, #tpu.memory_space<hbm>> -> memref<1x1x160x128xi32, #tpu.memory_space<hbm>>
      %dma_wait3A_38 = tpu.memref_squeeze %dma_wait3A_37 : memref<1x1x160x128xi32, #tpu.memory_space<hbm>> -> memref<160x128xi32, #tpu.memory_space<hbm>>
      %dma_wait3A_39 = arith.constant 0 : i32
      %dma_wait3A_40 = arith.constant 0 : i32
      %dma_wait3A_41 = tpu.memref_slice %arg3[%arg0, %arg1, %dma_wait3A_39, %dma_wait3A_40] : memref<2x16x160x128xi32, #tpu.memory_space<hbm>> -> memref<1x1x160x128xi32, #tpu.memory_space<hbm>>
      %dma_wait3A_42 = tpu.memref_squeeze %dma_wait3A_41 : memref<1x1x160x128xi32, #tpu.memory_space<hbm>> -> memref<160x128xi32, #tpu.memory_space<hbm>>
      tpu.wait_dma2 semaphore(%run_scoped3A_26 : memref<!tpu.dma_semaphore, #tpu.memory_space<semaphore_mem>>) src(%dma_wait3A_42 : memref<160x128xi32, #tpu.memory_space<hbm>>) dst(%arg7 : memref<160x128xi32, #tpu.memory_space<vmem>>)
      tpu.yield
    }) : () -> ()
    "tpu.region"() ({
      %run_scoped3A_26 = tpu.sem_alloc : memref<!tpu.dma_semaphore, #tpu.memory_space<semaphore_mem>>
      %dma_start3A_27 = arith.constant 0 : i32
      %dma_start3A_28 = arith.constant 0 : i32
      %dma_start3A_29 = tpu.memref_slice %arg4[%arg1, %dma_start3A_27, %dma_start3A_28] : memref<16x160x128xi32, #tpu.memory_space<hbm>> -> memref<1x160x128xi32, #tpu.memory_space<hbm>>
      %dma_start3A_30 = tpu.memref_squeeze %dma_start3A_29 : memref<1x160x128xi32, #tpu.memory_space<hbm>> -> memref<160x128xi32, #tpu.memory_space<hbm>>
      %dma_start3A_31 = arith.constant 0 : i32
      %dma_start3A_32 = arith.constant 0 : i32
      %dma_start3A_33 = tpu.memref_slice %arg4[%arg1, %dma_start3A_31, %dma_start3A_32] : memref<16x160x128xi32, #tpu.memory_space<hbm>> -> memref<1x160x128xi32, #tpu.memory_space<hbm>>
      %dma_start3A_34 = tpu.memref_squeeze %dma_start3A_33 : memref<1x160x128xi32, #tpu.memory_space<hbm>> -> memref<160x128xi32, #tpu.memory_space<hbm>>
      tpu.enqueue_dma source(%dma_start3A_34 : memref<160x128xi32, #tpu.memory_space<hbm>>) target(%arg8 : memref<160x128xi32, #tpu.memory_space<vmem>>) target_semaphore(%run_scoped3A_26 : memref<!tpu.dma_semaphore, #tpu.memory_space<semaphore_mem>>)
      %dma_wait3A_35 = arith.constant 0 : i32
      %dma_wait3A_36 = arith.constant 0 : i32
      %dma_wait3A_37 = tpu.memref_slice %arg4[%arg1, %dma_wait3A_35, %dma_wait3A_36] : memref<16x160x128xi32, #tpu.memory_space<hbm>> -> memref<1x160x128xi32, #tpu.memory_space<hbm>>
      %dma_wait3A_38 = tpu.memref_squeeze %dma_wait3A_37 : memref<1x160x128xi32, #tpu.memory_space<hbm>> -> memref<160x128xi32, #tpu.memory_space<hbm>>
      %dma_wait3A_39 = arith.constant 0 : i32
      %dma_wait3A_40 = arith.constant 0 : i32
      %dma_wait3A_41 = tpu.memref_slice %arg4[%arg1, %dma_wait3A_39, %dma_wait3A_40] : memref<16x160x128xi32, #tpu.memory_space<hbm>> -> memref<1x160x128xi32, #tpu.memory_space<hbm>>
      %dma_wait3A_42 = tpu.memref_squeeze %dma_wait3A_41 : memref<1x160x128xi32, #tpu.memory_space<hbm>> -> memref<160x128xi32, #tpu.memory_space<hbm>>
      tpu.wait_dma2 semaphore(%run_scoped3A_26 : memref<!tpu.dma_semaphore, #tpu.memory_space<semaphore_mem>>) src(%dma_wait3A_42 : memref<160x128xi32, #tpu.memory_space<hbm>>) dst(%arg8 : memref<160x128xi32, #tpu.memory_space<vmem>>)
      tpu.yield
    }) : () -> ()
    %barrier3A = arith.constant 0 : index
    tpu.barrier barrier_id(%barrier3A)
    %dma_start3A = arith.constant 0 : i32
    %dma_start3A_1 = arith.constant 0 : i32
    %dma_start3A_2 = tpu.memref_slice %arg7[%dma_start3A, %dma_start3A_1] : memref<160x128xi32, #tpu.memory_space<vmem>> -> memref<1x128xi32, #tpu.memory_space<vmem>>
    %dma_start3A_3 = tpu.memref_squeeze %dma_start3A_2 : memref<1x128xi32, #tpu.memory_space<vmem>> -> memref<128xi32, #tpu.memory_space<vmem>>
    %dma_start3A_4 = arith.constant 0 : i32
    %dma_start3A_5 = arith.constant 0 : i32
    %dma_start3A_6 = tpu.memref_slice %arg2[%dma_start3A_4, %dma_start3A_5] : memref<20480x80xbf16, #tpu.memory_space<hbm>> -> memref<20480x80xbf16, #tpu.memory_space<hbm>>
    tpu.enqueue_indirect_dma source(%dma_start3A_6 : memref<20480x80xbf16, #tpu.memory_space<hbm>>) target(%arg9 : memref<128x80xbf16, #tpu.memory_space<vmem>>) offsets(%dma_start3A_3 : memref<128xi32, #tpu.memory_space<vmem>>) semaphore(%arg12 : memref<!tpu.dma_semaphore, #tpu.memory_space<semaphore_mem>>)
    %dma_start3A_7 = arith.constant 1 : i32
    %dma_start3A_8 = arith.constant 0 : i32
    %dma_start3A_9 = tpu.memref_slice %arg7[%dma_start3A_7, %dma_start3A_8] : memref<160x128xi32, #tpu.memory_space<vmem>> -> memref<1x128xi32, #tpu.memory_space<vmem>>
    %dma_start3A_10 = tpu.memref_squeeze %dma_start3A_9 : memref<1x128xi32, #tpu.memory_space<vmem>> -> memref<128xi32, #tpu.memory_space<vmem>>
    %dma_start3A_11 = arith.constant 0 : i32
    %dma_start3A_12 = arith.constant 0 : i32
    %dma_start3A_13 = tpu.memref_slice %arg2[%dma_start3A_11, %dma_start3A_12] : memref<20480x80xbf16, #tpu.memory_space<hbm>> -> memref<20480x80xbf16, #tpu.memory_space<hbm>>
    tpu.enqueue_indirect_dma source(%dma_start3A_13 : memref<20480x80xbf16, #tpu.memory_space<hbm>>) target(%arg10 : memref<128x80xbf16, #tpu.memory_space<vmem>>) offsets(%dma_start3A_10 : memref<128xi32, #tpu.memory_space<vmem>>) semaphore(%arg13 : memref<!tpu.dma_semaphore, #tpu.memory_space<semaphore_mem>>)
    %scan3A = arith.constant 0 : i32
    %scan3A_14 = arith.constant 0 : i32
    %scan3A_15 = arith.constant 53 : i32
    %scan3A_16 = arith.addi %scan3A_14, %scan3A_15 : i32
    %scan3A_17 = arith.constant 1 : i32
    scf.for %scan3A_26 = %scan3A_14 to %scan3A_16 step %scan3A_17  : i32 {
      %mul3A_27 = arith.constant 3 : i32
      %mul3A_28 = arith.muli %mul3A_27, %scan3A_26 : i32
      %add3A = arith.constant 0 : i32
      %add3A_29 = arith.addi %mul3A_28, %add3A : i32
      %add3A_30 = arith.constant 2 : i32
      %add3A_31 = arith.addi %mul3A_28, %add3A_30 : i32
      %dma_start3A_32 = arith.constant 0 : i32
      %dma_start3A_33 = tpu.memref_slice %arg7[%add3A_31, %dma_start3A_32] : memref<160x128xi32, #tpu.memory_space<vmem>> -> memref<1x128xi32, #tpu.memory_space<vmem>>
      %dma_start3A_34 = tpu.memref_squeeze %dma_start3A_33 : memref<1x128xi32, #tpu.memory_space<vmem>> -> memref<128xi32, #tpu.memory_space<vmem>>
      %dma_start3A_35 = arith.constant 0 : i32
      %dma_start3A_36 = arith.constant 0 : i32
      %dma_start3A_37 = tpu.memref_slice %arg2[%dma_start3A_35, %dma_start3A_36] : memref<20480x80xbf16, #tpu.memory_space<hbm>> -> memref<20480x80xbf16, #tpu.memory_space<hbm>>
      tpu.enqueue_indirect_dma source(%dma_start3A_37 : memref<20480x80xbf16, #tpu.memory_space<hbm>>) target(%arg11 : memref<128x80xbf16, #tpu.memory_space<vmem>>) offsets(%dma_start3A_34 : memref<128xi32, #tpu.memory_space<vmem>>) semaphore(%arg14 : memref<!tpu.dma_semaphore, #tpu.memory_space<semaphore_mem>>)
      %dma_wait3A_38 = arith.constant 0 : i32
      %dma_wait3A_39 = tpu.memref_slice %arg7[%add3A_29, %dma_wait3A_38] : memref<160x128xi32, #tpu.memory_space<vmem>> -> memref<1x128xi32, #tpu.memory_space<vmem>>
      %dma_wait3A_40 = tpu.memref_squeeze %dma_wait3A_39 : memref<1x128xi32, #tpu.memory_space<vmem>> -> memref<128xi32, #tpu.memory_space<vmem>>
      %dma_wait3A_41 = arith.constant 0 : i32
      %dma_wait3A_42 = arith.constant 0 : i32
      %dma_wait3A_43 = tpu.memref_slice %arg2[%dma_wait3A_41, %dma_wait3A_42] : memref<20480x80xbf16, #tpu.memory_space<hbm>> -> memref<20480x80xbf16, #tpu.memory_space<hbm>>
      tpu.wait_indirect_dma semaphore(%arg12 : memref<!tpu.dma_semaphore, #tpu.memory_space<semaphore_mem>>) src(%dma_wait3A_43 : memref<20480x80xbf16, #tpu.memory_space<hbm>>) dst(%arg9 : memref<128x80xbf16, #tpu.memory_space<vmem>>)
      "tpu.region"() ({
        %run_scoped3A_75 = tpu.sem_alloc : memref<!tpu.dma_semaphore, #tpu.memory_space<semaphore_mem>>
        %dma_start3A_76 = arith.constant 0 : i32
        %dma_start3A_77 = tpu.memref_slice %arg8[%add3A_29, %dma_start3A_76] : memref<160x128xi32, #tpu.memory_space<vmem>> -> memref<1x128xi32, #tpu.memory_space<vmem>>
        %dma_start3A_78 = tpu.memref_squeeze %dma_start3A_77 : memref<1x128xi32, #tpu.memory_space<vmem>> -> memref<128xi32, #tpu.memory_space<vmem>>
        %dma_start3A_79 = arith.constant 0 : i32
        %dma_start3A_80 = arith.constant 0 : i32
        %dma_start3A_81 = tpu.memref_slice %arg15[%dma_start3A_79, %dma_start3A_80] : memref<10240x80xbf16, #tpu.memory_space<vmem_shared>> -> memref<10240x80xbf16, #tpu.memory_space<vmem_shared>>
        tpu.enqueue_indirect_dma source(%arg9 : memref<128x80xbf16, #tpu.memory_space<vmem>>) target(%dma_start3A_81 : memref<10240x80xbf16, #tpu.memory_space<vmem_shared>>) offsets(%dma_start3A_78 : memref<128xi32, #tpu.memory_space<vmem>>) semaphore(%run_scoped3A_75 : memref<!tpu.dma_semaphore, #tpu.memory_space<semaphore_mem>>) {add = true}
        %dma_wait3A_82 = arith.constant 0 : i32
        %dma_wait3A_83 = tpu.memref_slice %arg8[%add3A_29, %dma_wait3A_82] : memref<160x128xi32, #tpu.memory_space<vmem>> -> memref<1x128xi32, #tpu.memory_space<vmem>>
        %dma_wait3A_84 = tpu.memref_squeeze %dma_wait3A_83 : memref<1x128xi32, #tpu.memory_space<vmem>> -> memref<128xi32, #tpu.memory_space<vmem>>
        %dma_wait3A_85 = arith.constant 0 : i32
        %dma_wait3A_86 = arith.constant 0 : i32
        %dma_wait3A_87 = tpu.memref_slice %arg15[%dma_wait3A_85, %dma_wait3A_86] : memref<10240x80xbf16, #tpu.memory_space<vmem_shared>> -> memref<10240x80xbf16, #tpu.memory_space<vmem_shared>>
        tpu.wait_indirect_dma semaphore(%run_scoped3A_75 : memref<!tpu.dma_semaphore, #tpu.memory_space<semaphore_mem>>) src(%arg9 : memref<128x80xbf16, #tpu.memory_space<vmem>>) dst(%dma_wait3A_87 : memref<10240x80xbf16, #tpu.memory_space<vmem_shared>>)
        tpu.yield
      }) : () -> ()
      %add3A_44 = arith.constant 0 : i32
      %add3A_45 = arith.addi %mul3A_28, %add3A_44 : i32
      %add3A_46 = arith.constant 3 : i32
      %add3A_47 = arith.addi %add3A_45, %add3A_46 : i32
      %lt3A = arith.constant 160 : i32
      %lt3A_48 = arith.cmpi slt, %add3A_47, %lt3A : i32
      %convert_element_type3A = arith.extui %lt3A_48 : i1 to i32
      %cond3A = arith.constant 0 : i32
      %cond3A_49 = arith.cmpi ne, %convert_element_type3A, %cond3A : i32
      scf.if %cond3A_49 {
        %add3A_75 = arith.constant 0 : i32
        %add3A_76 = arith.addi %mul3A_28, %add3A_75 : i32
        %add3A_77 = arith.constant 3 : i32
        %add3A_78 = arith.addi %add3A_76, %add3A_77 : i32
        %dma_start3A_79 = arith.constant 0 : i32
        %dma_start3A_80 = tpu.memref_slice %arg7[%add3A_78, %dma_start3A_79] : memref<160x128xi32, #tpu.memory_space<vmem>> -> memref<1x128xi32, #tpu.memory_space<vmem>>
        %dma_start3A_81 = tpu.memref_squeeze %dma_start3A_80 : memref<1x128xi32, #tpu.memory_space<vmem>> -> memref<128xi32, #tpu.memory_space<vmem>>
        %dma_start3A_82 = arith.constant 0 : i32
        %dma_start3A_83 = arith.constant 0 : i32
        %dma_start3A_84 = tpu.memref_slice %arg2[%dma_start3A_82, %dma_start3A_83] : memref<20480x80xbf16, #tpu.memory_space<hbm>> -> memref<20480x80xbf16, #tpu.memory_space<hbm>>
        tpu.enqueue_indirect_dma source(%dma_start3A_84 : memref<20480x80xbf16, #tpu.memory_space<hbm>>) target(%arg9 : memref<128x80xbf16, #tpu.memory_space<vmem>>) offsets(%dma_start3A_81 : memref<128xi32, #tpu.memory_space<vmem>>) semaphore(%arg12 : memref<!tpu.dma_semaphore, #tpu.memory_space<semaphore_mem>>)
      } else {
      }
      %add3A_50 = arith.constant 1 : i32
      %add3A_51 = arith.addi %mul3A_28, %add3A_50 : i32
      %dma_wait3A_52 = arith.constant 0 : i32
      %dma_wait3A_53 = tpu.memref_slice %arg7[%add3A_51, %dma_wait3A_52] : memref<160x128xi32, #tpu.memory_space<vmem>> -> memref<1x128xi32, #tpu.memory_space<vmem>>
      %dma_wait3A_54 = tpu.memref_squeeze %dma_wait3A_53 : memref<1x128xi32, #tpu.memory_space<vmem>> -> memref<128xi32, #tpu.memory_space<vmem>>
      %dma_wait3A_55 = arith.constant 0 : i32
      %dma_wait3A_56 = arith.constant 0 : i32
      %dma_wait3A_57 = tpu.memref_slice %arg2[%dma_wait3A_55, %dma_wait3A_56] : memref<20480x80xbf16, #tpu.memory_space<hbm>> -> memref<20480x80xbf16, #tpu.memory_space<hbm>>
      tpu.wait_indirect_dma semaphore(%arg13 : memref<!tpu.dma_semaphore, #tpu.memory_space<semaphore_mem>>) src(%dma_wait3A_57 : memref<20480x80xbf16, #tpu.memory_space<hbm>>) dst(%arg10 : memref<128x80xbf16, #tpu.memory_space<vmem>>)
      "tpu.region"() ({
        %run_scoped3A_75 = tpu.sem_alloc : memref<!tpu.dma_semaphore, #tpu.memory_space<semaphore_mem>>
        %dma_start3A_76 = arith.constant 0 : i32
        %dma_start3A_77 = tpu.memref_slice %arg8[%add3A_51, %dma_start3A_76] : memref<160x128xi32, #tpu.memory_space<vmem>> -> memref<1x128xi32, #tpu.memory_space<vmem>>
        %dma_start3A_78 = tpu.memref_squeeze %dma_start3A_77 : memref<1x128xi32, #tpu.memory_space<vmem>> -> memref<128xi32, #tpu.memory_space<vmem>>
        %dma_start3A_79 = arith.constant 0 : i32
        %dma_start3A_80 = arith.constant 0 : i32
        %dma_start3A_81 = tpu.memref_slice %arg15[%dma_start3A_79, %dma_start3A_80] : memref<10240x80xbf16, #tpu.memory_space<vmem_shared>> -> memref<10240x80xbf16, #tpu.memory_space<vmem_shared>>
        tpu.enqueue_indirect_dma source(%arg10 : memref<128x80xbf16, #tpu.memory_space<vmem>>) target(%dma_start3A_81 : memref<10240x80xbf16, #tpu.memory_space<vmem_shared>>) offsets(%dma_start3A_78 : memref<128xi32, #tpu.memory_space<vmem>>) semaphore(%run_scoped3A_75 : memref<!tpu.dma_semaphore, #tpu.memory_space<semaphore_mem>>) {add = true}
        %dma_wait3A_82 = arith.constant 0 : i32
        %dma_wait3A_83 = tpu.memref_slice %arg8[%add3A_51, %dma_wait3A_82] : memref<160x128xi32, #tpu.memory_space<vmem>> -> memref<1x128xi32, #tpu.memory_space<vmem>>
        %dma_wait3A_84 = tpu.memref_squeeze %dma_wait3A_83 : memref<1x128xi32, #tpu.memory_space<vmem>> -> memref<128xi32, #tpu.memory_space<vmem>>
        %dma_wait3A_85 = arith.constant 0 : i32
        %dma_wait3A_86 = arith.constant 0 : i32
        %dma_wait3A_87 = tpu.memref_slice %arg15[%dma_wait3A_85, %dma_wait3A_86] : memref<10240x80xbf16, #tpu.memory_space<vmem_shared>> -> memref<10240x80xbf16, #tpu.memory_space<vmem_shared>>
        tpu.wait_indirect_dma semaphore(%run_scoped3A_75 : memref<!tpu.dma_semaphore, #tpu.memory_space<semaphore_mem>>) src(%arg10 : memref<128x80xbf16, #tpu.memory_space<vmem>>) dst(%dma_wait3A_87 : memref<10240x80xbf16, #tpu.memory_space<vmem_shared>>)
        tpu.yield
      }) : () -> ()
      %add3A_58 = arith.constant 1 : i32
      %add3A_59 = arith.addi %mul3A_28, %add3A_58 : i32
      %add3A_60 = arith.constant 3 : i32
      %add3A_61 = arith.addi %add3A_59, %add3A_60 : i32
      %lt3A_62 = arith.constant 160 : i32
      %lt3A_63 = arith.cmpi slt, %add3A_61, %lt3A_62 : i32
      %convert_element_type3A_64 = arith.extui %lt3A_63 : i1 to i32
      %cond3A_65 = arith.constant 0 : i32
      %cond3A_66 = arith.cmpi ne, %convert_element_type3A_64, %cond3A_65 : i32
      scf.if %cond3A_66 {
        %add3A_75 = arith.constant 1 : i32
        %add3A_76 = arith.addi %mul3A_28, %add3A_75 : i32
        %add3A_77 = arith.constant 3 : i32
        %add3A_78 = arith.addi %add3A_76, %add3A_77 : i32
        %dma_start3A_79 = arith.constant 0 : i32
        %dma_start3A_80 = tpu.memref_slice %arg7[%add3A_78, %dma_start3A_79] : memref<160x128xi32, #tpu.memory_space<vmem>> -> memref<1x128xi32, #tpu.memory_space<vmem>>
        %dma_start3A_81 = tpu.memref_squeeze %dma_start3A_80 : memref<1x128xi32, #tpu.memory_space<vmem>> -> memref<128xi32, #tpu.memory_space<vmem>>
        %dma_start3A_82 = arith.constant 0 : i32
        %dma_start3A_83 = arith.constant 0 : i32
        %dma_start3A_84 = tpu.memref_slice %arg2[%dma_start3A_82, %dma_start3A_83] : memref<20480x80xbf16, #tpu.memory_space<hbm>> -> memref<20480x80xbf16, #tpu.memory_space<hbm>>
        tpu.enqueue_indirect_dma source(%dma_start3A_84 : memref<20480x80xbf16, #tpu.memory_space<hbm>>) target(%arg10 : memref<128x80xbf16, #tpu.memory_space<vmem>>) offsets(%dma_start3A_81 : memref<128xi32, #tpu.memory_space<vmem>>) semaphore(%arg13 : memref<!tpu.dma_semaphore, #tpu.memory_space<semaphore_mem>>)
      } else {
      }
      %add3A_67 = arith.constant 2 : i32
      %add3A_68 = arith.addi %mul3A_28, %add3A_67 : i32
      %dma_wait3A_69 = arith.constant 0 : i32
      %dma_wait3A_70 = tpu.memref_slice %arg7[%add3A_68, %dma_wait3A_69] : memref<160x128xi32, #tpu.memory_space<vmem>> -> memref<1x128xi32, #tpu.memory_space<vmem>>
      %dma_wait3A_71 = tpu.memref_squeeze %dma_wait3A_70 : memref<1x128xi32, #tpu.memory_space<vmem>> -> memref<128xi32, #tpu.memory_space<vmem>>
      %dma_wait3A_72 = arith.constant 0 : i32
      %dma_wait3A_73 = arith.constant 0 : i32
      %dma_wait3A_74 = tpu.memref_slice %arg2[%dma_wait3A_72, %dma_wait3A_73] : memref<20480x80xbf16, #tpu.memory_space<hbm>> -> memref<20480x80xbf16, #tpu.memory_space<hbm>>
      tpu.wait_indirect_dma semaphore(%arg14 : memref<!tpu.dma_semaphore, #tpu.memory_space<semaphore_mem>>) src(%dma_wait3A_74 : memref<20480x80xbf16, #tpu.memory_space<hbm>>) dst(%arg11 : memref<128x80xbf16, #tpu.memory_space<vmem>>)
      "tpu.region"() ({
        %run_scoped3A_75 = tpu.sem_alloc : memref<!tpu.dma_semaphore, #tpu.memory_space<semaphore_mem>>
        %dma_start3A_76 = arith.constant 0 : i32
        %dma_start3A_77 = tpu.memref_slice %arg8[%add3A_68, %dma_start3A_76] : memref<160x128xi32, #tpu.memory_space<vmem>> -> memref<1x128xi32, #tpu.memory_space<vmem>>
        %dma_start3A_78 = tpu.memref_squeeze %dma_start3A_77 : memref<1x128xi32, #tpu.memory_space<vmem>> -> memref<128xi32, #tpu.memory_space<vmem>>
        %dma_start3A_79 = arith.constant 0 : i32
        %dma_start3A_80 = arith.constant 0 : i32
        %dma_start3A_81 = tpu.memref_slice %arg15[%dma_start3A_79, %dma_start3A_80] : memref<10240x80xbf16, #tpu.memory_space<vmem_shared>> -> memref<10240x80xbf16, #tpu.memory_space<vmem_shared>>
        tpu.enqueue_indirect_dma source(%arg11 : memref<128x80xbf16, #tpu.memory_space<vmem>>) target(%dma_start3A_81 : memref<10240x80xbf16, #tpu.memory_space<vmem_shared>>) offsets(%dma_start3A_78 : memref<128xi32, #tpu.memory_space<vmem>>) semaphore(%run_scoped3A_75 : memref<!tpu.dma_semaphore, #tpu.memory_space<semaphore_mem>>) {add = true}
        %dma_wait3A_82 = arith.constant 0 : i32
        %dma_wait3A_83 = tpu.memref_slice %arg8[%add3A_68, %dma_wait3A_82] : memref<160x128xi32, #tpu.memory_space<vmem>> -> memref<1x128xi32, #tpu.memory_space<vmem>>
        %dma_wait3A_84 = tpu.memref_squeeze %dma_wait3A_83 : memref<1x128xi32, #tpu.memory_space<vmem>> -> memref<128xi32, #tpu.memory_space<vmem>>
        %dma_wait3A_85 = arith.constant 0 : i32
        %dma_wait3A_86 = arith.constant 0 : i32
        %dma_wait3A_87 = tpu.memref_slice %arg15[%dma_wait3A_85, %dma_wait3A_86] : memref<10240x80xbf16, #tpu.memory_space<vmem_shared>> -> memref<10240x80xbf16, #tpu.memory_space<vmem_shared>>
        tpu.wait_indirect_dma semaphore(%run_scoped3A_75 : memref<!tpu.dma_semaphore, #tpu.memory_space<semaphore_mem>>) src(%arg11 : memref<128x80xbf16, #tpu.memory_space<vmem>>) dst(%dma_wait3A_87 : memref<10240x80xbf16, #tpu.memory_space<vmem_shared>>)
        tpu.yield
      }) : () -> ()
    }
    %scan3A_18 = arith.constant 53 : i32
    %dma_wait3A = arith.constant 159 : i32
    %dma_wait3A_19 = arith.constant 0 : i32
    %dma_wait3A_20 = tpu.memref_slice %arg7[%dma_wait3A, %dma_wait3A_19] : memref<160x128xi32, #tpu.memory_space<vmem>> -> memref<1x128xi32, #tpu.memory_space<vmem>>
    %dma_wait3A_21 = tpu.memref_squeeze %dma_wait3A_20 : memref<1x128xi32, #tpu.memory_space<vmem>> -> memref<128xi32, #tpu.memory_space<vmem>>
    %dma_wait3A_22 = arith.constant 0 : i32
    %dma_wait3A_23 = arith.constant 0 : i32
    %dma_wait3A_24 = tpu.memref_slice %arg2[%dma_wait3A_22, %dma_wait3A_23] : memref<20480x80xbf16, #tpu.memory_space<hbm>> -> memref<20480x80xbf16, #tpu.memory_space<hbm>>
    tpu.wait_indirect_dma semaphore(%arg12 : memref<!tpu.dma_semaphore, #tpu.memory_space<semaphore_mem>>) src(%dma_wait3A_24 : memref<20480x80xbf16, #tpu.memory_space<hbm>>) dst(%arg9 : memref<128x80xbf16, #tpu.memory_space<vmem>>)
    %run_scoped3A = arith.constant 159 : i32
    "tpu.region"() ({
      %run_scoped3A_26 = tpu.sem_alloc : memref<!tpu.dma_semaphore, #tpu.memory_space<semaphore_mem>>
      %dma_start3A_27 = arith.constant 0 : i32
      %dma_start3A_28 = tpu.memref_slice %arg8[%run_scoped3A, %dma_start3A_27] : memref<160x128xi32, #tpu.memory_space<vmem>> -> memref<1x128xi32, #tpu.memory_space<vmem>>
      %dma_start3A_29 = tpu.memref_squeeze %dma_start3A_28 : memref<1x128xi32, #tpu.memory_space<vmem>> -> memref<128xi32, #tpu.memory_space<vmem>>
      %dma_start3A_30 = arith.constant 0 : i32
      %dma_start3A_31 = arith.constant 0 : i32
      %dma_start3A_32 = tpu.memref_slice %arg15[%dma_start3A_30, %dma_start3A_31] : memref<10240x80xbf16, #tpu.memory_space<vmem_shared>> -> memref<10240x80xbf16, #tpu.memory_space<vmem_shared>>
      tpu.enqueue_indirect_dma source(%arg9 : memref<128x80xbf16, #tpu.memory_space<vmem>>) target(%dma_start3A_32 : memref<10240x80xbf16, #tpu.memory_space<vmem_shared>>) offsets(%dma_start3A_29 : memref<128xi32, #tpu.memory_space<vmem>>) semaphore(%run_scoped3A_26 : memref<!tpu.dma_semaphore, #tpu.memory_space<semaphore_mem>>) {add = true}
      %dma_wait3A_33 = arith.constant 0 : i32
      %dma_wait3A_34 = tpu.memref_slice %arg8[%run_scoped3A, %dma_wait3A_33] : memref<160x128xi32, #tpu.memory_space<vmem>> -> memref<1x128xi32, #tpu.memory_space<vmem>>
      %dma_wait3A_35 = tpu.memref_squeeze %dma_wait3A_34 : memref<1x128xi32, #tpu.memory_space<vmem>> -> memref<128xi32, #tpu.memory_space<vmem>>
      %dma_wait3A_36 = arith.constant 0 : i32
      %dma_wait3A_37 = arith.constant 0 : i32
      %dma_wait3A_38 = tpu.memref_slice %arg15[%dma_wait3A_36, %dma_wait3A_37] : memref<10240x80xbf16, #tpu.memory_space<vmem_shared>> -> memref<10240x80xbf16, #tpu.memory_space<vmem_shared>>
      tpu.wait_indirect_dma semaphore(%run_scoped3A_26 : memref<!tpu.dma_semaphore, #tpu.memory_space<semaphore_mem>>) src(%arg9 : memref<128x80xbf16, #tpu.memory_space<vmem>>) dst(%dma_wait3A_38 : memref<10240x80xbf16, #tpu.memory_space<vmem_shared>>)
      tpu.yield
    }) : () -> ()
    %barrier3A_25 = arith.constant 0 : index
    tpu.barrier barrier_id(%barrier3A_25)
    "tpu.region"() ({
      %run_scoped3A_26 = tpu.sem_alloc : memref<!tpu.dma_semaphore, #tpu.memory_space<semaphore_mem>>
      %dma_start3A_27 = arith.constant 0 : i32
      %dma_start3A_28 = tpu.memref_slice %arg6[%arg0, %mul3A_0, %dma_start3A_27] : memref<2x10240x80xbf16, #tpu.memory_space<hbm>> -> memref<1x640x80xbf16, #tpu.memory_space<hbm>>
      %dma_start3A_29 = tpu.memref_squeeze %dma_start3A_28 : memref<1x640x80xbf16, #tpu.memory_space<hbm>> -> memref<640x80xbf16, #tpu.memory_space<hbm>>
      %dma_start3A_30 = arith.constant 0 : i32
      %dma_start3A_31 = tpu.memref_slice %arg15[%mul3A_0, %dma_start3A_30] : memref<10240x80xbf16, #tpu.memory_space<vmem_shared>> -> memref<640x80xbf16, #tpu.memory_space<vmem_shared>>
      tpu.enqueue_dma source(%dma_start3A_31 : memref<640x80xbf16, #tpu.memory_space<vmem_shared>>) target(%dma_start3A_29 : memref<640x80xbf16, #tpu.memory_space<hbm>>) target_semaphore(%run_scoped3A_26 : memref<!tpu.dma_semaphore, #tpu.memory_space<semaphore_mem>>)
      %dma_wait3A_32 = arith.constant 0 : i32
      %dma_wait3A_33 = tpu.memref_slice %arg6[%arg0, %mul3A_0, %dma_wait3A_32] : memref<2x10240x80xbf16, #tpu.memory_space<hbm>> -> memref<1x640x80xbf16, #tpu.memory_space<hbm>>
      %dma_wait3A_34 = tpu.memref_squeeze %dma_wait3A_33 : memref<1x640x80xbf16, #tpu.memory_space<hbm>> -> memref<640x80xbf16, #tpu.memory_space<hbm>>
      %dma_wait3A_35 = arith.constant 0 : i32
      %dma_wait3A_36 = tpu.memref_slice %arg15[%mul3A_0, %dma_wait3A_35] : memref<10240x80xbf16, #tpu.memory_space<vmem_shared>> -> memref<640x80xbf16, #tpu.memory_space<vmem_shared>>
      tpu.wait_dma2 semaphore(%run_scoped3A_26 : memref<!tpu.dma_semaphore, #tpu.memory_space<semaphore_mem>>) src(%dma_wait3A_36 : memref<640x80xbf16, #tpu.memory_space<vmem_shared>>) dst(%dma_wait3A_34 : memref<640x80xbf16, #tpu.memory_space<hbm>>)
      tpu.yield
    }) : () -> ()
    return
  }
}

#map = affine_map<(d0, d1) -> (0, 0, 0)>
#map1 = affine_map<(d0, d1) -> (0, 0)>
#map2 = affine_map<(d0, d1) -> (0, 0, 0, 0)>
module attributes {stable_mosaic.version = 14 : i64} {
  func.func @_sc_degrees_body(%arg0: i32, %arg1: i32, %arg2: memref<32x80x128xi32, #tpu.memory_space<hbm>>, %arg3: memref<32x80x128xi32, #tpu.memory_space<hbm>>, %arg4: memref<128x8xf32, #tpu.memory_space<hbm>>, %arg5: memref<10240x8xf32, #tpu.memory_space<hbm>>, %arg6: memref<2x2x10240x8xf32, #tpu.memory_space<hbm>>, %arg7: memref<80x128xi32, #tpu.memory_space<vmem>>, %arg8: memref<80x128xi32, #tpu.memory_space<vmem>>, %arg9: memref<128x8xf32, #tpu.memory_space<vmem>>, %arg10: memref<10240x8xf32, #tpu.memory_space<vmem_shared>>, %arg11: memref<10240x8xf32, #tpu.memory_space<vmem_shared>>) attributes {dimension_semantics = [#tpu.dimension_semantics<core_parallel>, #tpu.dimension_semantics<subcore_parallel>], iteration_bounds = array<i64: 2, 16>, scalar_prefetch = 0 : i64, scratch_operands = 5 : i64, tpu.core_type = #tpu.core_type<sc_vector_subcore>, window_params = [{transform_indices = #map}, {transform_indices = #map}, {transform_indices = #map1}, {transform_indices = #map1}, {transform_indices = #map2}]} {
    %mul3A = arith.constant 2 : i32
    %mul3A_0 = arith.muli %arg1, %mul3A : i32
    %add3A = arith.addi %mul3A_0, %arg0 : i32
    %mul3A_1 = arith.constant 640 : i32
    %mul3A_2 = arith.muli %arg1, %mul3A_1 : i32
    "tpu.region"() ({
      %run_scoped3A_10 = tpu.sem_alloc : memref<!tpu.dma_semaphore, #tpu.memory_space<semaphore_mem>>
      tpu.enqueue_dma source(%arg4 : memref<128x8xf32, #tpu.memory_space<hbm>>) target(%arg9 : memref<128x8xf32, #tpu.memory_space<vmem>>) target_semaphore(%run_scoped3A_10 : memref<!tpu.dma_semaphore, #tpu.memory_space<semaphore_mem>>)
      tpu.wait_dma2 semaphore(%run_scoped3A_10 : memref<!tpu.dma_semaphore, #tpu.memory_space<semaphore_mem>>) src(%arg4 : memref<128x8xf32, #tpu.memory_space<hbm>>) dst(%arg9 : memref<128x8xf32, #tpu.memory_space<vmem>>)
      tpu.yield
    }) : () -> ()
    "tpu.region"() ({
      %run_scoped3A_10 = tpu.sem_alloc : memref<!tpu.dma_semaphore, #tpu.memory_space<semaphore_mem>>
      %dma_start3A = arith.constant 0 : i32
      %dma_start3A_11 = tpu.memref_slice %arg10[%mul3A_2, %dma_start3A] : memref<10240x8xf32, #tpu.memory_space<vmem_shared>> -> memref<640x8xf32, #tpu.memory_space<vmem_shared>>
      %dma_start3A_12 = arith.constant 0 : i32
      %dma_start3A_13 = tpu.memref_slice %arg5[%mul3A_2, %dma_start3A_12] : memref<10240x8xf32, #tpu.memory_space<hbm>> -> memref<640x8xf32, #tpu.memory_space<hbm>>
      tpu.enqueue_dma source(%dma_start3A_13 : memref<640x8xf32, #tpu.memory_space<hbm>>) target(%dma_start3A_11 : memref<640x8xf32, #tpu.memory_space<vmem_shared>>) target_semaphore(%run_scoped3A_10 : memref<!tpu.dma_semaphore, #tpu.memory_space<semaphore_mem>>)
      %dma_wait3A = arith.constant 0 : i32
      %dma_wait3A_14 = tpu.memref_slice %arg10[%mul3A_2, %dma_wait3A] : memref<10240x8xf32, #tpu.memory_space<vmem_shared>> -> memref<640x8xf32, #tpu.memory_space<vmem_shared>>
      %dma_wait3A_15 = arith.constant 0 : i32
      %dma_wait3A_16 = tpu.memref_slice %arg5[%mul3A_2, %dma_wait3A_15] : memref<10240x8xf32, #tpu.memory_space<hbm>> -> memref<640x8xf32, #tpu.memory_space<hbm>>
      tpu.wait_dma2 semaphore(%run_scoped3A_10 : memref<!tpu.dma_semaphore, #tpu.memory_space<semaphore_mem>>) src(%dma_wait3A_16 : memref<640x8xf32, #tpu.memory_space<hbm>>) dst(%dma_wait3A_14 : memref<640x8xf32, #tpu.memory_space<vmem_shared>>)
      tpu.yield
    }) : () -> ()
    "tpu.region"() ({
      %run_scoped3A_10 = tpu.sem_alloc : memref<!tpu.dma_semaphore, #tpu.memory_space<semaphore_mem>>
      %dma_start3A = arith.constant 0 : i32
      %dma_start3A_11 = tpu.memref_slice %arg11[%mul3A_2, %dma_start3A] : memref<10240x8xf32, #tpu.memory_space<vmem_shared>> -> memref<640x8xf32, #tpu.memory_space<vmem_shared>>
      %dma_start3A_12 = arith.constant 0 : i32
      %dma_start3A_13 = tpu.memref_slice %arg5[%mul3A_2, %dma_start3A_12] : memref<10240x8xf32, #tpu.memory_space<hbm>> -> memref<640x8xf32, #tpu.memory_space<hbm>>
      tpu.enqueue_dma source(%dma_start3A_13 : memref<640x8xf32, #tpu.memory_space<hbm>>) target(%dma_start3A_11 : memref<640x8xf32, #tpu.memory_space<vmem_shared>>) target_semaphore(%run_scoped3A_10 : memref<!tpu.dma_semaphore, #tpu.memory_space<semaphore_mem>>)
      %dma_wait3A = arith.constant 0 : i32
      %dma_wait3A_14 = tpu.memref_slice %arg11[%mul3A_2, %dma_wait3A] : memref<10240x8xf32, #tpu.memory_space<vmem_shared>> -> memref<640x8xf32, #tpu.memory_space<vmem_shared>>
      %dma_wait3A_15 = arith.constant 0 : i32
      %dma_wait3A_16 = tpu.memref_slice %arg5[%mul3A_2, %dma_wait3A_15] : memref<10240x8xf32, #tpu.memory_space<hbm>> -> memref<640x8xf32, #tpu.memory_space<hbm>>
      tpu.wait_dma2 semaphore(%run_scoped3A_10 : memref<!tpu.dma_semaphore, #tpu.memory_space<semaphore_mem>>) src(%dma_wait3A_16 : memref<640x8xf32, #tpu.memory_space<hbm>>) dst(%dma_wait3A_14 : memref<640x8xf32, #tpu.memory_space<vmem_shared>>)
      tpu.yield
    }) : () -> ()
    "tpu.region"() ({
      %run_scoped3A_10 = tpu.sem_alloc : memref<!tpu.dma_semaphore, #tpu.memory_space<semaphore_mem>>
      %dma_start3A = arith.constant 0 : i32
      %dma_start3A_11 = arith.constant 0 : i32
      %dma_start3A_12 = tpu.memref_slice %arg2[%add3A, %dma_start3A, %dma_start3A_11] : memref<32x80x128xi32, #tpu.memory_space<hbm>> -> memref<1x80x128xi32, #tpu.memory_space<hbm>>
      %dma_start3A_13 = tpu.memref_squeeze %dma_start3A_12 : memref<1x80x128xi32, #tpu.memory_space<hbm>> -> memref<80x128xi32, #tpu.memory_space<hbm>>
      %dma_start3A_14 = arith.constant 0 : i32
      %dma_start3A_15 = arith.constant 0 : i32
      %dma_start3A_16 = tpu.memref_slice %arg2[%add3A, %dma_start3A_14, %dma_start3A_15] : memref<32x80x128xi32, #tpu.memory_space<hbm>> -> memref<1x80x128xi32, #tpu.memory_space<hbm>>
      %dma_start3A_17 = tpu.memref_squeeze %dma_start3A_16 : memref<1x80x128xi32, #tpu.memory_space<hbm>> -> memref<80x128xi32, #tpu.memory_space<hbm>>
      tpu.enqueue_dma source(%dma_start3A_17 : memref<80x128xi32, #tpu.memory_space<hbm>>) target(%arg7 : memref<80x128xi32, #tpu.memory_space<vmem>>) target_semaphore(%run_scoped3A_10 : memref<!tpu.dma_semaphore, #tpu.memory_space<semaphore_mem>>)
      %dma_wait3A = arith.constant 0 : i32
      %dma_wait3A_18 = arith.constant 0 : i32
      %dma_wait3A_19 = tpu.memref_slice %arg2[%add3A, %dma_wait3A, %dma_wait3A_18] : memref<32x80x128xi32, #tpu.memory_space<hbm>> -> memref<1x80x128xi32, #tpu.memory_space<hbm>>
      %dma_wait3A_20 = tpu.memref_squeeze %dma_wait3A_19 : memref<1x80x128xi32, #tpu.memory_space<hbm>> -> memref<80x128xi32, #tpu.memory_space<hbm>>
      %dma_wait3A_21 = arith.constant 0 : i32
      %dma_wait3A_22 = arith.constant 0 : i32
      %dma_wait3A_23 = tpu.memref_slice %arg2[%add3A, %dma_wait3A_21, %dma_wait3A_22] : memref<32x80x128xi32, #tpu.memory_space<hbm>> -> memref<1x80x128xi32, #tpu.memory_space<hbm>>
      %dma_wait3A_24 = tpu.memref_squeeze %dma_wait3A_23 : memref<1x80x128xi32, #tpu.memory_space<hbm>> -> memref<80x128xi32, #tpu.memory_space<hbm>>
      tpu.wait_dma2 semaphore(%run_scoped3A_10 : memref<!tpu.dma_semaphore, #tpu.memory_space<semaphore_mem>>) src(%dma_wait3A_24 : memref<80x128xi32, #tpu.memory_space<hbm>>) dst(%arg7 : memref<80x128xi32, #tpu.memory_space<vmem>>)
      tpu.yield
    }) : () -> ()
    "tpu.region"() ({
      %run_scoped3A_10 = tpu.sem_alloc : memref<!tpu.dma_semaphore, #tpu.memory_space<semaphore_mem>>
      %dma_start3A = arith.constant 0 : i32
      %dma_start3A_11 = arith.constant 0 : i32
      %dma_start3A_12 = tpu.memref_slice %arg3[%add3A, %dma_start3A, %dma_start3A_11] : memref<32x80x128xi32, #tpu.memory_space<hbm>> -> memref<1x80x128xi32, #tpu.memory_space<hbm>>
      %dma_start3A_13 = tpu.memref_squeeze %dma_start3A_12 : memref<1x80x128xi32, #tpu.memory_space<hbm>> -> memref<80x128xi32, #tpu.memory_space<hbm>>
      %dma_start3A_14 = arith.constant 0 : i32
      %dma_start3A_15 = arith.constant 0 : i32
      %dma_start3A_16 = tpu.memref_slice %arg3[%add3A, %dma_start3A_14, %dma_start3A_15] : memref<32x80x128xi32, #tpu.memory_space<hbm>> -> memref<1x80x128xi32, #tpu.memory_space<hbm>>
      %dma_start3A_17 = tpu.memref_squeeze %dma_start3A_16 : memref<1x80x128xi32, #tpu.memory_space<hbm>> -> memref<80x128xi32, #tpu.memory_space<hbm>>
      tpu.enqueue_dma source(%dma_start3A_17 : memref<80x128xi32, #tpu.memory_space<hbm>>) target(%arg8 : memref<80x128xi32, #tpu.memory_space<vmem>>) target_semaphore(%run_scoped3A_10 : memref<!tpu.dma_semaphore, #tpu.memory_space<semaphore_mem>>)
      %dma_wait3A = arith.constant 0 : i32
      %dma_wait3A_18 = arith.constant 0 : i32
      %dma_wait3A_19 = tpu.memref_slice %arg3[%add3A, %dma_wait3A, %dma_wait3A_18] : memref<32x80x128xi32, #tpu.memory_space<hbm>> -> memref<1x80x128xi32, #tpu.memory_space<hbm>>
      %dma_wait3A_20 = tpu.memref_squeeze %dma_wait3A_19 : memref<1x80x128xi32, #tpu.memory_space<hbm>> -> memref<80x128xi32, #tpu.memory_space<hbm>>
      %dma_wait3A_21 = arith.constant 0 : i32
      %dma_wait3A_22 = arith.constant 0 : i32
      %dma_wait3A_23 = tpu.memref_slice %arg3[%add3A, %dma_wait3A_21, %dma_wait3A_22] : memref<32x80x128xi32, #tpu.memory_space<hbm>> -> memref<1x80x128xi32, #tpu.memory_space<hbm>>
      %dma_wait3A_24 = tpu.memref_squeeze %dma_wait3A_23 : memref<1x80x128xi32, #tpu.memory_space<hbm>> -> memref<80x128xi32, #tpu.memory_space<hbm>>
      tpu.wait_dma2 semaphore(%run_scoped3A_10 : memref<!tpu.dma_semaphore, #tpu.memory_space<semaphore_mem>>) src(%dma_wait3A_24 : memref<80x128xi32, #tpu.memory_space<hbm>>) dst(%arg8 : memref<80x128xi32, #tpu.memory_space<vmem>>)
      tpu.yield
    }) : () -> ()
    %barrier3A = arith.constant 0 : index
    tpu.barrier barrier_id(%barrier3A)
    %scan3A = arith.constant 0 : i32
    %scan3A_3 = arith.constant 0 : i32
    %scan3A_4 = arith.constant 80 : i32
    %scan3A_5 = arith.addi %scan3A_3, %scan3A_4 : i32
    %scan3A_6 = arith.constant 1 : i32
    scf.for %scan3A_10 = %scan3A_3 to %scan3A_5 step %scan3A_6  : i32 {
      "tpu.region"() ({
        %run_scoped3A_11 = tpu.sem_alloc : memref<!tpu.dma_semaphore, #tpu.memory_space<semaphore_mem>>
        %dma_start3A = arith.constant 0 : i32
        %dma_start3A_12 = tpu.memref_slice %arg7[%scan3A_10, %dma_start3A] : memref<80x128xi32, #tpu.memory_space<vmem>> -> memref<1x128xi32, #tpu.memory_space<vmem>>
        %dma_start3A_13 = tpu.memref_squeeze %dma_start3A_12 : memref<1x128xi32, #tpu.memory_space<vmem>> -> memref<128xi32, #tpu.memory_space<vmem>>
        %dma_start3A_14 = arith.constant 0 : i32
        %dma_start3A_15 = arith.constant 0 : i32
        %dma_start3A_16 = tpu.memref_slice %arg10[%dma_start3A_14, %dma_start3A_15] : memref<10240x8xf32, #tpu.memory_space<vmem_shared>> -> memref<10240x8xf32, #tpu.memory_space<vmem_shared>>
        tpu.enqueue_indirect_dma source(%arg9 : memref<128x8xf32, #tpu.memory_space<vmem>>) target(%dma_start3A_16 : memref<10240x8xf32, #tpu.memory_space<vmem_shared>>) offsets(%dma_start3A_13 : memref<128xi32, #tpu.memory_space<vmem>>) semaphore(%run_scoped3A_11 : memref<!tpu.dma_semaphore, #tpu.memory_space<semaphore_mem>>) {add = true}
        %dma_wait3A = arith.constant 0 : i32
        %dma_wait3A_17 = tpu.memref_slice %arg7[%scan3A_10, %dma_wait3A] : memref<80x128xi32, #tpu.memory_space<vmem>> -> memref<1x128xi32, #tpu.memory_space<vmem>>
        %dma_wait3A_18 = tpu.memref_squeeze %dma_wait3A_17 : memref<1x128xi32, #tpu.memory_space<vmem>> -> memref<128xi32, #tpu.memory_space<vmem>>
        %dma_wait3A_19 = arith.constant 0 : i32
        %dma_wait3A_20 = arith.constant 0 : i32
        %dma_wait3A_21 = tpu.memref_slice %arg10[%dma_wait3A_19, %dma_wait3A_20] : memref<10240x8xf32, #tpu.memory_space<vmem_shared>> -> memref<10240x8xf32, #tpu.memory_space<vmem_shared>>
        tpu.wait_indirect_dma semaphore(%run_scoped3A_11 : memref<!tpu.dma_semaphore, #tpu.memory_space<semaphore_mem>>) src(%arg9 : memref<128x8xf32, #tpu.memory_space<vmem>>) dst(%dma_wait3A_21 : memref<10240x8xf32, #tpu.memory_space<vmem_shared>>)
        tpu.yield
      }) : () -> ()
      "tpu.region"() ({
        %run_scoped3A_11 = tpu.sem_alloc : memref<!tpu.dma_semaphore, #tpu.memory_space<semaphore_mem>>
        %dma_start3A = arith.constant 0 : i32
        %dma_start3A_12 = tpu.memref_slice %arg8[%scan3A_10, %dma_start3A] : memref<80x128xi32, #tpu.memory_space<vmem>> -> memref<1x128xi32, #tpu.memory_space<vmem>>
        %dma_start3A_13 = tpu.memref_squeeze %dma_start3A_12 : memref<1x128xi32, #tpu.memory_space<vmem>> -> memref<128xi32, #tpu.memory_space<vmem>>
        %dma_start3A_14 = arith.constant 0 : i32
        %dma_start3A_15 = arith.constant 0 : i32
        %dma_start3A_16 = tpu.memref_slice %arg11[%dma_start3A_14, %dma_start3A_15] : memref<10240x8xf32, #tpu.memory_space<vmem_shared>> -> memref<10240x8xf32, #tpu.memory_space<vmem_shared>>
        tpu.enqueue_indirect_dma source(%arg9 : memref<128x8xf32, #tpu.memory_space<vmem>>) target(%dma_start3A_16 : memref<10240x8xf32, #tpu.memory_space<vmem_shared>>) offsets(%dma_start3A_13 : memref<128xi32, #tpu.memory_space<vmem>>) semaphore(%run_scoped3A_11 : memref<!tpu.dma_semaphore, #tpu.memory_space<semaphore_mem>>) {add = true}
        %dma_wait3A = arith.constant 0 : i32
        %dma_wait3A_17 = tpu.memref_slice %arg8[%scan3A_10, %dma_wait3A] : memref<80x128xi32, #tpu.memory_space<vmem>> -> memref<1x128xi32, #tpu.memory_space<vmem>>
        %dma_wait3A_18 = tpu.memref_squeeze %dma_wait3A_17 : memref<1x128xi32, #tpu.memory_space<vmem>> -> memref<128xi32, #tpu.memory_space<vmem>>
        %dma_wait3A_19 = arith.constant 0 : i32
        %dma_wait3A_20 = arith.constant 0 : i32
        %dma_wait3A_21 = tpu.memref_slice %arg11[%dma_wait3A_19, %dma_wait3A_20] : memref<10240x8xf32, #tpu.memory_space<vmem_shared>> -> memref<10240x8xf32, #tpu.memory_space<vmem_shared>>
        tpu.wait_indirect_dma semaphore(%run_scoped3A_11 : memref<!tpu.dma_semaphore, #tpu.memory_space<semaphore_mem>>) src(%arg9 : memref<128x8xf32, #tpu.memory_space<vmem>>) dst(%dma_wait3A_21 : memref<10240x8xf32, #tpu.memory_space<vmem_shared>>)
        tpu.yield
      }) : () -> ()
    }
    %scan3A_7 = arith.constant 80 : i32
    %barrier3A_8 = arith.constant 0 : index
    tpu.barrier barrier_id(%barrier3A_8)
    %run_scoped3A = arith.constant 0 : i32
    "tpu.region"() ({
      %run_scoped3A_10 = tpu.sem_alloc : memref<!tpu.dma_semaphore, #tpu.memory_space<semaphore_mem>>
      %dma_start3A = arith.constant 0 : i32
      %dma_start3A_11 = tpu.memref_slice %arg6[%arg0, %run_scoped3A, %mul3A_2, %dma_start3A] : memref<2x2x10240x8xf32, #tpu.memory_space<hbm>> -> memref<1x1x640x8xf32, #tpu.memory_space<hbm>>
      %dma_start3A_12 = tpu.memref_squeeze %dma_start3A_11 : memref<1x1x640x8xf32, #tpu.memory_space<hbm>> -> memref<640x8xf32, #tpu.memory_space<hbm>>
      %dma_start3A_13 = arith.constant 0 : i32
      %dma_start3A_14 = tpu.memref_slice %arg10[%mul3A_2, %dma_start3A_13] : memref<10240x8xf32, #tpu.memory_space<vmem_shared>> -> memref<640x8xf32, #tpu.memory_space<vmem_shared>>
      tpu.enqueue_dma source(%dma_start3A_14 : memref<640x8xf32, #tpu.memory_space<vmem_shared>>) target(%dma_start3A_12 : memref<640x8xf32, #tpu.memory_space<hbm>>) target_semaphore(%run_scoped3A_10 : memref<!tpu.dma_semaphore, #tpu.memory_space<semaphore_mem>>)
      %dma_wait3A = arith.constant 0 : i32
      %dma_wait3A_15 = tpu.memref_slice %arg6[%arg0, %run_scoped3A, %mul3A_2, %dma_wait3A] : memref<2x2x10240x8xf32, #tpu.memory_space<hbm>> -> memref<1x1x640x8xf32, #tpu.memory_space<hbm>>
      %dma_wait3A_16 = tpu.memref_squeeze %dma_wait3A_15 : memref<1x1x640x8xf32, #tpu.memory_space<hbm>> -> memref<640x8xf32, #tpu.memory_space<hbm>>
      %dma_wait3A_17 = arith.constant 0 : i32
      %dma_wait3A_18 = tpu.memref_slice %arg10[%mul3A_2, %dma_wait3A_17] : memref<10240x8xf32, #tpu.memory_space<vmem_shared>> -> memref<640x8xf32, #tpu.memory_space<vmem_shared>>
      tpu.wait_dma2 semaphore(%run_scoped3A_10 : memref<!tpu.dma_semaphore, #tpu.memory_space<semaphore_mem>>) src(%dma_wait3A_18 : memref<640x8xf32, #tpu.memory_space<vmem_shared>>) dst(%dma_wait3A_16 : memref<640x8xf32, #tpu.memory_space<hbm>>)
      tpu.yield
    }) : () -> ()
    %run_scoped3A_9 = arith.constant 1 : i32
    "tpu.region"() ({
      %run_scoped3A_10 = tpu.sem_alloc : memref<!tpu.dma_semaphore, #tpu.memory_space<semaphore_mem>>
      %dma_start3A = arith.constant 0 : i32
      %dma_start3A_11 = tpu.memref_slice %arg6[%arg0, %run_scoped3A_9, %mul3A_2, %dma_start3A] : memref<2x2x10240x8xf32, #tpu.memory_space<hbm>> -> memref<1x1x640x8xf32, #tpu.memory_space<hbm>>
      %dma_start3A_12 = tpu.memref_squeeze %dma_start3A_11 : memref<1x1x640x8xf32, #tpu.memory_space<hbm>> -> memref<640x8xf32, #tpu.memory_space<hbm>>
      %dma_start3A_13 = arith.constant 0 : i32
      %dma_start3A_14 = tpu.memref_slice %arg11[%mul3A_2, %dma_start3A_13] : memref<10240x8xf32, #tpu.memory_space<vmem_shared>> -> memref<640x8xf32, #tpu.memory_space<vmem_shared>>
      tpu.enqueue_dma source(%dma_start3A_14 : memref<640x8xf32, #tpu.memory_space<vmem_shared>>) target(%dma_start3A_12 : memref<640x8xf32, #tpu.memory_space<hbm>>) target_semaphore(%run_scoped3A_10 : memref<!tpu.dma_semaphore, #tpu.memory_space<semaphore_mem>>)
      %dma_wait3A = arith.constant 0 : i32
      %dma_wait3A_15 = tpu.memref_slice %arg6[%arg0, %run_scoped3A_9, %mul3A_2, %dma_wait3A] : memref<2x2x10240x8xf32, #tpu.memory_space<hbm>> -> memref<1x1x640x8xf32, #tpu.memory_space<hbm>>
      %dma_wait3A_16 = tpu.memref_squeeze %dma_wait3A_15 : memref<1x1x640x8xf32, #tpu.memory_space<hbm>> -> memref<640x8xf32, #tpu.memory_space<hbm>>
      %dma_wait3A_17 = arith.constant 0 : i32
      %dma_wait3A_18 = tpu.memref_slice %arg11[%mul3A_2, %dma_wait3A_17] : memref<10240x8xf32, #tpu.memory_space<vmem_shared>> -> memref<640x8xf32, #tpu.memory_space<vmem_shared>>
      tpu.wait_dma2 semaphore(%run_scoped3A_10 : memref<!tpu.dma_semaphore, #tpu.memory_space<semaphore_mem>>) src(%dma_wait3A_18 : memref<640x8xf32, #tpu.memory_space<vmem_shared>>) dst(%dma_wait3A_16 : memref<640x8xf32, #tpu.memory_space<hbm>>)
      tpu.yield
    }) : () -> ()
    return
  }
}

#map = affine_map<(d0, d1) -> (0, 0)>
#map1 = affine_map<(d0, d1) -> (0, 0, 0, 0)>
#map2 = affine_map<(d0, d1) -> (0, 0, 0)>
module attributes {stable_mosaic.version = 14 : i64} {
  func.func @_sc_aggregate_body(%arg0: i32, %arg1: i32, %arg2: memref<20480x80xbf16, #tpu.memory_space<hbm>>, %arg3: memref<2x16x160x128xi32, #tpu.memory_space<hbm>>, %arg4: memref<16x160x128xi32, #tpu.memory_space<hbm>>, %arg5: memref<640x80xbf16, #tpu.memory_space<hbm>>, %arg6: memref<2x10240x80xbf16, #tpu.memory_space<hbm>>, %arg7: memref<160x128xi32, #tpu.memory_space<vmem>>, %arg8: memref<160x128xi32, #tpu.memory_space<vmem>>, %arg9: memref<128x80xbf16, #tpu.memory_space<vmem>>, %arg10: memref<128x80xbf16, #tpu.memory_space<vmem>>, %arg11: memref<128x80xbf16, #tpu.memory_space<vmem>>, %arg12: memref<!tpu.dma_semaphore, #tpu.memory_space<semaphore_mem>>, %arg13: memref<!tpu.dma_semaphore, #tpu.memory_space<semaphore_mem>>, %arg14: memref<!tpu.dma_semaphore, #tpu.memory_space<semaphore_mem>>, %arg15: memref<10240x80xbf16, #tpu.memory_space<vmem_shared>>) attributes {dimension_semantics = [#tpu.dimension_semantics<core_parallel>, #tpu.dimension_semantics<subcore_parallel>], iteration_bounds = array<i64: 2, 16>, scalar_prefetch = 0 : i64, scratch_operands = 9 : i64, tpu.core_type = #tpu.core_type<sc_vector_subcore>, window_params = [{transform_indices = #map}, {transform_indices = #map1}, {transform_indices = #map2}, {transform_indices = #map}, {transform_indices = #map2}]} {
    %mul3A = arith.constant 640 : i32
    %mul3A_0 = arith.muli %arg1, %mul3A : i32
    "tpu.region"() ({
      %run_scoped3A_26 = tpu.sem_alloc : memref<!tpu.dma_semaphore, #tpu.memory_space<semaphore_mem>>
      %dma_start3A_27 = arith.constant 0 : i32
      %dma_start3A_28 = tpu.memref_slice %arg15[%mul3A_0, %dma_start3A_27] : memref<10240x80xbf16, #tpu.memory_space<vmem_shared>> -> memref<640x80xbf16, #tpu.memory_space<vmem_shared>>
      tpu.enqueue_dma source(%arg5 : memref<640x80xbf16, #tpu.memory_space<hbm>>) target(%dma_start3A_28 : memref<640x80xbf16, #tpu.memory_space<vmem_shared>>) target_semaphore(%run_scoped3A_26 : memref<!tpu.dma_semaphore, #tpu.memory_space<semaphore_mem>>)
      %dma_wait3A_29 = arith.constant 0 : i32
      %dma_wait3A_30 = tpu.memref_slice %arg15[%mul3A_0, %dma_wait3A_29] : memref<10240x80xbf16, #tpu.memory_space<vmem_shared>> -> memref<640x80xbf16, #tpu.memory_space<vmem_shared>>
      tpu.wait_dma2 semaphore(%run_scoped3A_26 : memref<!tpu.dma_semaphore, #tpu.memory_space<semaphore_mem>>) src(%arg5 : memref<640x80xbf16, #tpu.memory_space<hbm>>) dst(%dma_wait3A_30 : memref<640x80xbf16, #tpu.memory_space<vmem_shared>>)
      tpu.yield
    }) : () -> ()
    "tpu.region"() ({
      %run_scoped3A_26 = tpu.sem_alloc : memref<!tpu.dma_semaphore, #tpu.memory_space<semaphore_mem>>
      %dma_start3A_27 = arith.constant 0 : i32
      %dma_start3A_28 = arith.constant 0 : i32
      %dma_start3A_29 = tpu.memref_slice %arg3[%arg0, %arg1, %dma_start3A_27, %dma_start3A_28] : memref<2x16x160x128xi32, #tpu.memory_space<hbm>> -> memref<1x1x160x128xi32, #tpu.memory_space<hbm>>
      %dma_start3A_30 = tpu.memref_squeeze %dma_start3A_29 : memref<1x1x160x128xi32, #tpu.memory_space<hbm>> -> memref<160x128xi32, #tpu.memory_space<hbm>>
      %dma_start3A_31 = arith.constant 0 : i32
      %dma_start3A_32 = arith.constant 0 : i32
      %dma_start3A_33 = tpu.memref_slice %arg3[%arg0, %arg1, %dma_start3A_31, %dma_start3A_32] : memref<2x16x160x128xi32, #tpu.memory_space<hbm>> -> memref<1x1x160x128xi32, #tpu.memory_space<hbm>>
      %dma_start3A_34 = tpu.memref_squeeze %dma_start3A_33 : memref<1x1x160x128xi32, #tpu.memory_space<hbm>> -> memref<160x128xi32, #tpu.memory_space<hbm>>
      tpu.enqueue_dma source(%dma_start3A_34 : memref<160x128xi32, #tpu.memory_space<hbm>>) target(%arg7 : memref<160x128xi32, #tpu.memory_space<vmem>>) target_semaphore(%run_scoped3A_26 : memref<!tpu.dma_semaphore, #tpu.memory_space<semaphore_mem>>)
      %dma_wait3A_35 = arith.constant 0 : i32
      %dma_wait3A_36 = arith.constant 0 : i32
      %dma_wait3A_37 = tpu.memref_slice %arg3[%arg0, %arg1, %dma_wait3A_35, %dma_wait3A_36] : memref<2x16x160x128xi32, #tpu.memory_space<hbm>> -> memref<1x1x160x128xi32, #tpu.memory_space<hbm>>
      %dma_wait3A_38 = tpu.memref_squeeze %dma_wait3A_37 : memref<1x1x160x128xi32, #tpu.memory_space<hbm>> -> memref<160x128xi32, #tpu.memory_space<hbm>>
      %dma_wait3A_39 = arith.constant 0 : i32
      %dma_wait3A_40 = arith.constant 0 : i32
      %dma_wait3A_41 = tpu.memref_slice %arg3[%arg0, %arg1, %dma_wait3A_39, %dma_wait3A_40] : memref<2x16x160x128xi32, #tpu.memory_space<hbm>> -> memref<1x1x160x128xi32, #tpu.memory_space<hbm>>
      %dma_wait3A_42 = tpu.memref_squeeze %dma_wait3A_41 : memref<1x1x160x128xi32, #tpu.memory_space<hbm>> -> memref<160x128xi32, #tpu.memory_space<hbm>>
      tpu.wait_dma2 semaphore(%run_scoped3A_26 : memref<!tpu.dma_semaphore, #tpu.memory_space<semaphore_mem>>) src(%dma_wait3A_42 : memref<160x128xi32, #tpu.memory_space<hbm>>) dst(%arg7 : memref<160x128xi32, #tpu.memory_space<vmem>>)
      tpu.yield
    }) : () -> ()
    "tpu.region"() ({
      %run_scoped3A_26 = tpu.sem_alloc : memref<!tpu.dma_semaphore, #tpu.memory_space<semaphore_mem>>
      %dma_start3A_27 = arith.constant 0 : i32
      %dma_start3A_28 = arith.constant 0 : i32
      %dma_start3A_29 = tpu.memref_slice %arg4[%arg1, %dma_start3A_27, %dma_start3A_28] : memref<16x160x128xi32, #tpu.memory_space<hbm>> -> memref<1x160x128xi32, #tpu.memory_space<hbm>>
      %dma_start3A_30 = tpu.memref_squeeze %dma_start3A_29 : memref<1x160x128xi32, #tpu.memory_space<hbm>> -> memref<160x128xi32, #tpu.memory_space<hbm>>
      %dma_start3A_31 = arith.constant 0 : i32
      %dma_start3A_32 = arith.constant 0 : i32
      %dma_start3A_33 = tpu.memref_slice %arg4[%arg1, %dma_start3A_31, %dma_start3A_32] : memref<16x160x128xi32, #tpu.memory_space<hbm>> -> memref<1x160x128xi32, #tpu.memory_space<hbm>>
      %dma_start3A_34 = tpu.memref_squeeze %dma_start3A_33 : memref<1x160x128xi32, #tpu.memory_space<hbm>> -> memref<160x128xi32, #tpu.memory_space<hbm>>
      tpu.enqueue_dma source(%dma_start3A_34 : memref<160x128xi32, #tpu.memory_space<hbm>>) target(%arg8 : memref<160x128xi32, #tpu.memory_space<vmem>>) target_semaphore(%run_scoped3A_26 : memref<!tpu.dma_semaphore, #tpu.memory_space<semaphore_mem>>)
      %dma_wait3A_35 = arith.constant 0 : i32
      %dma_wait3A_36 = arith.constant 0 : i32
      %dma_wait3A_37 = tpu.memref_slice %arg4[%arg1, %dma_wait3A_35, %dma_wait3A_36] : memref<16x160x128xi32, #tpu.memory_space<hbm>> -> memref<1x160x128xi32, #tpu.memory_space<hbm>>
      %dma_wait3A_38 = tpu.memref_squeeze %dma_wait3A_37 : memref<1x160x128xi32, #tpu.memory_space<hbm>> -> memref<160x128xi32, #tpu.memory_space<hbm>>
      %dma_wait3A_39 = arith.constant 0 : i32
      %dma_wait3A_40 = arith.constant 0 : i32
      %dma_wait3A_41 = tpu.memref_slice %arg4[%arg1, %dma_wait3A_39, %dma_wait3A_40] : memref<16x160x128xi32, #tpu.memory_space<hbm>> -> memref<1x160x128xi32, #tpu.memory_space<hbm>>
      %dma_wait3A_42 = tpu.memref_squeeze %dma_wait3A_41 : memref<1x160x128xi32, #tpu.memory_space<hbm>> -> memref<160x128xi32, #tpu.memory_space<hbm>>
      tpu.wait_dma2 semaphore(%run_scoped3A_26 : memref<!tpu.dma_semaphore, #tpu.memory_space<semaphore_mem>>) src(%dma_wait3A_42 : memref<160x128xi32, #tpu.memory_space<hbm>>) dst(%arg8 : memref<160x128xi32, #tpu.memory_space<vmem>>)
      tpu.yield
    }) : () -> ()
    %barrier3A = arith.constant 0 : index
    tpu.barrier barrier_id(%barrier3A)
    %dma_start3A = arith.constant 0 : i32
    %dma_start3A_1 = arith.constant 0 : i32
    %dma_start3A_2 = tpu.memref_slice %arg7[%dma_start3A, %dma_start3A_1] : memref<160x128xi32, #tpu.memory_space<vmem>> -> memref<1x128xi32, #tpu.memory_space<vmem>>
    %dma_start3A_3 = tpu.memref_squeeze %dma_start3A_2 : memref<1x128xi32, #tpu.memory_space<vmem>> -> memref<128xi32, #tpu.memory_space<vmem>>
    %dma_start3A_4 = arith.constant 0 : i32
    %dma_start3A_5 = arith.constant 0 : i32
    %dma_start3A_6 = tpu.memref_slice %arg2[%dma_start3A_4, %dma_start3A_5] : memref<20480x80xbf16, #tpu.memory_space<hbm>> -> memref<20480x80xbf16, #tpu.memory_space<hbm>>
    tpu.enqueue_indirect_dma source(%dma_start3A_6 : memref<20480x80xbf16, #tpu.memory_space<hbm>>) target(%arg9 : memref<128x80xbf16, #tpu.memory_space<vmem>>) offsets(%dma_start3A_3 : memref<128xi32, #tpu.memory_space<vmem>>) semaphore(%arg12 : memref<!tpu.dma_semaphore, #tpu.memory_space<semaphore_mem>>)
    %dma_start3A_7 = arith.constant 1 : i32
    %dma_start3A_8 = arith.constant 0 : i32
    %dma_start3A_9 = tpu.memref_slice %arg7[%dma_start3A_7, %dma_start3A_8] : memref<160x128xi32, #tpu.memory_space<vmem>> -> memref<1x128xi32, #tpu.memory_space<vmem>>
    %dma_start3A_10 = tpu.memref_squeeze %dma_start3A_9 : memref<1x128xi32, #tpu.memory_space<vmem>> -> memref<128xi32, #tpu.memory_space<vmem>>
    %dma_start3A_11 = arith.constant 0 : i32
    %dma_start3A_12 = arith.constant 0 : i32
    %dma_start3A_13 = tpu.memref_slice %arg2[%dma_start3A_11, %dma_start3A_12] : memref<20480x80xbf16, #tpu.memory_space<hbm>> -> memref<20480x80xbf16, #tpu.memory_space<hbm>>
    tpu.enqueue_indirect_dma source(%dma_start3A_13 : memref<20480x80xbf16, #tpu.memory_space<hbm>>) target(%arg10 : memref<128x80xbf16, #tpu.memory_space<vmem>>) offsets(%dma_start3A_10 : memref<128xi32, #tpu.memory_space<vmem>>) semaphore(%arg13 : memref<!tpu.dma_semaphore, #tpu.memory_space<semaphore_mem>>)
    %scan3A = arith.constant 0 : i32
    %scan3A_14 = arith.constant 0 : i32
    %scan3A_15 = arith.constant 53 : i32
    %scan3A_16 = arith.addi %scan3A_14, %scan3A_15 : i32
    %scan3A_17 = arith.constant 1 : i32
    scf.for %scan3A_26 = %scan3A_14 to %scan3A_16 step %scan3A_17  : i32 {
      %mul3A_27 = arith.constant 3 : i32
      %mul3A_28 = arith.muli %mul3A_27, %scan3A_26 : i32
      %add3A = arith.constant 0 : i32
      %add3A_29 = arith.addi %mul3A_28, %add3A : i32
      %add3A_30 = arith.constant 2 : i32
      %add3A_31 = arith.addi %mul3A_28, %add3A_30 : i32
      %dma_start3A_32 = arith.constant 0 : i32
      %dma_start3A_33 = tpu.memref_slice %arg7[%add3A_31, %dma_start3A_32] : memref<160x128xi32, #tpu.memory_space<vmem>> -> memref<1x128xi32, #tpu.memory_space<vmem>>
      %dma_start3A_34 = tpu.memref_squeeze %dma_start3A_33 : memref<1x128xi32, #tpu.memory_space<vmem>> -> memref<128xi32, #tpu.memory_space<vmem>>
      %dma_start3A_35 = arith.constant 0 : i32
      %dma_start3A_36 = arith.constant 0 : i32
      %dma_start3A_37 = tpu.memref_slice %arg2[%dma_start3A_35, %dma_start3A_36] : memref<20480x80xbf16, #tpu.memory_space<hbm>> -> memref<20480x80xbf16, #tpu.memory_space<hbm>>
      tpu.enqueue_indirect_dma source(%dma_start3A_37 : memref<20480x80xbf16, #tpu.memory_space<hbm>>) target(%arg11 : memref<128x80xbf16, #tpu.memory_space<vmem>>) offsets(%dma_start3A_34 : memref<128xi32, #tpu.memory_space<vmem>>) semaphore(%arg14 : memref<!tpu.dma_semaphore, #tpu.memory_space<semaphore_mem>>)
      %dma_wait3A_38 = arith.constant 0 : i32
      %dma_wait3A_39 = tpu.memref_slice %arg7[%add3A_29, %dma_wait3A_38] : memref<160x128xi32, #tpu.memory_space<vmem>> -> memref<1x128xi32, #tpu.memory_space<vmem>>
      %dma_wait3A_40 = tpu.memref_squeeze %dma_wait3A_39 : memref<1x128xi32, #tpu.memory_space<vmem>> -> memref<128xi32, #tpu.memory_space<vmem>>
      %dma_wait3A_41 = arith.constant 0 : i32
      %dma_wait3A_42 = arith.constant 0 : i32
      %dma_wait3A_43 = tpu.memref_slice %arg2[%dma_wait3A_41, %dma_wait3A_42] : memref<20480x80xbf16, #tpu.memory_space<hbm>> -> memref<20480x80xbf16, #tpu.memory_space<hbm>>
      tpu.wait_indirect_dma semaphore(%arg12 : memref<!tpu.dma_semaphore, #tpu.memory_space<semaphore_mem>>) src(%dma_wait3A_43 : memref<20480x80xbf16, #tpu.memory_space<hbm>>) dst(%arg9 : memref<128x80xbf16, #tpu.memory_space<vmem>>)
      "tpu.region"() ({
        %run_scoped3A_75 = tpu.sem_alloc : memref<!tpu.dma_semaphore, #tpu.memory_space<semaphore_mem>>
        %dma_start3A_76 = arith.constant 0 : i32
        %dma_start3A_77 = tpu.memref_slice %arg8[%add3A_29, %dma_start3A_76] : memref<160x128xi32, #tpu.memory_space<vmem>> -> memref<1x128xi32, #tpu.memory_space<vmem>>
        %dma_start3A_78 = tpu.memref_squeeze %dma_start3A_77 : memref<1x128xi32, #tpu.memory_space<vmem>> -> memref<128xi32, #tpu.memory_space<vmem>>
        %dma_start3A_79 = arith.constant 0 : i32
        %dma_start3A_80 = arith.constant 0 : i32
        %dma_start3A_81 = tpu.memref_slice %arg15[%dma_start3A_79, %dma_start3A_80] : memref<10240x80xbf16, #tpu.memory_space<vmem_shared>> -> memref<10240x80xbf16, #tpu.memory_space<vmem_shared>>
        tpu.enqueue_indirect_dma source(%arg9 : memref<128x80xbf16, #tpu.memory_space<vmem>>) target(%dma_start3A_81 : memref<10240x80xbf16, #tpu.memory_space<vmem_shared>>) offsets(%dma_start3A_78 : memref<128xi32, #tpu.memory_space<vmem>>) semaphore(%run_scoped3A_75 : memref<!tpu.dma_semaphore, #tpu.memory_space<semaphore_mem>>) {add = true}
        %dma_wait3A_82 = arith.constant 0 : i32
        %dma_wait3A_83 = tpu.memref_slice %arg8[%add3A_29, %dma_wait3A_82] : memref<160x128xi32, #tpu.memory_space<vmem>> -> memref<1x128xi32, #tpu.memory_space<vmem>>
        %dma_wait3A_84 = tpu.memref_squeeze %dma_wait3A_83 : memref<1x128xi32, #tpu.memory_space<vmem>> -> memref<128xi32, #tpu.memory_space<vmem>>
        %dma_wait3A_85 = arith.constant 0 : i32
        %dma_wait3A_86 = arith.constant 0 : i32
        %dma_wait3A_87 = tpu.memref_slice %arg15[%dma_wait3A_85, %dma_wait3A_86] : memref<10240x80xbf16, #tpu.memory_space<vmem_shared>> -> memref<10240x80xbf16, #tpu.memory_space<vmem_shared>>
        tpu.wait_indirect_dma semaphore(%run_scoped3A_75 : memref<!tpu.dma_semaphore, #tpu.memory_space<semaphore_mem>>) src(%arg9 : memref<128x80xbf16, #tpu.memory_space<vmem>>) dst(%dma_wait3A_87 : memref<10240x80xbf16, #tpu.memory_space<vmem_shared>>)
        tpu.yield
      }) : () -> ()
      %add3A_44 = arith.constant 0 : i32
      %add3A_45 = arith.addi %mul3A_28, %add3A_44 : i32
      %add3A_46 = arith.constant 3 : i32
      %add3A_47 = arith.addi %add3A_45, %add3A_46 : i32
      %lt3A = arith.constant 160 : i32
      %lt3A_48 = arith.cmpi slt, %add3A_47, %lt3A : i32
      %convert_element_type3A = arith.extui %lt3A_48 : i1 to i32
      %cond3A = arith.constant 0 : i32
      %cond3A_49 = arith.cmpi ne, %convert_element_type3A, %cond3A : i32
      scf.if %cond3A_49 {
        %add3A_75 = arith.constant 0 : i32
        %add3A_76 = arith.addi %mul3A_28, %add3A_75 : i32
        %add3A_77 = arith.constant 3 : i32
        %add3A_78 = arith.addi %add3A_76, %add3A_77 : i32
        %dma_start3A_79 = arith.constant 0 : i32
        %dma_start3A_80 = tpu.memref_slice %arg7[%add3A_78, %dma_start3A_79] : memref<160x128xi32, #tpu.memory_space<vmem>> -> memref<1x128xi32, #tpu.memory_space<vmem>>
        %dma_start3A_81 = tpu.memref_squeeze %dma_start3A_80 : memref<1x128xi32, #tpu.memory_space<vmem>> -> memref<128xi32, #tpu.memory_space<vmem>>
        %dma_start3A_82 = arith.constant 0 : i32
        %dma_start3A_83 = arith.constant 0 : i32
        %dma_start3A_84 = tpu.memref_slice %arg2[%dma_start3A_82, %dma_start3A_83] : memref<20480x80xbf16, #tpu.memory_space<hbm>> -> memref<20480x80xbf16, #tpu.memory_space<hbm>>
        tpu.enqueue_indirect_dma source(%dma_start3A_84 : memref<20480x80xbf16, #tpu.memory_space<hbm>>) target(%arg9 : memref<128x80xbf16, #tpu.memory_space<vmem>>) offsets(%dma_start3A_81 : memref<128xi32, #tpu.memory_space<vmem>>) semaphore(%arg12 : memref<!tpu.dma_semaphore, #tpu.memory_space<semaphore_mem>>)
      } else {
      }
      %add3A_50 = arith.constant 1 : i32
      %add3A_51 = arith.addi %mul3A_28, %add3A_50 : i32
      %dma_wait3A_52 = arith.constant 0 : i32
      %dma_wait3A_53 = tpu.memref_slice %arg7[%add3A_51, %dma_wait3A_52] : memref<160x128xi32, #tpu.memory_space<vmem>> -> memref<1x128xi32, #tpu.memory_space<vmem>>
      %dma_wait3A_54 = tpu.memref_squeeze %dma_wait3A_53 : memref<1x128xi32, #tpu.memory_space<vmem>> -> memref<128xi32, #tpu.memory_space<vmem>>
      %dma_wait3A_55 = arith.constant 0 : i32
      %dma_wait3A_56 = arith.constant 0 : i32
      %dma_wait3A_57 = tpu.memref_slice %arg2[%dma_wait3A_55, %dma_wait3A_56] : memref<20480x80xbf16, #tpu.memory_space<hbm>> -> memref<20480x80xbf16, #tpu.memory_space<hbm>>
      tpu.wait_indirect_dma semaphore(%arg13 : memref<!tpu.dma_semaphore, #tpu.memory_space<semaphore_mem>>) src(%dma_wait3A_57 : memref<20480x80xbf16, #tpu.memory_space<hbm>>) dst(%arg10 : memref<128x80xbf16, #tpu.memory_space<vmem>>)
      "tpu.region"() ({
        %run_scoped3A_75 = tpu.sem_alloc : memref<!tpu.dma_semaphore, #tpu.memory_space<semaphore_mem>>
        %dma_start3A_76 = arith.constant 0 : i32
        %dma_start3A_77 = tpu.memref_slice %arg8[%add3A_51, %dma_start3A_76] : memref<160x128xi32, #tpu.memory_space<vmem>> -> memref<1x128xi32, #tpu.memory_space<vmem>>
        %dma_start3A_78 = tpu.memref_squeeze %dma_start3A_77 : memref<1x128xi32, #tpu.memory_space<vmem>> -> memref<128xi32, #tpu.memory_space<vmem>>
        %dma_start3A_79 = arith.constant 0 : i32
        %dma_start3A_80 = arith.constant 0 : i32
        %dma_start3A_81 = tpu.memref_slice %arg15[%dma_start3A_79, %dma_start3A_80] : memref<10240x80xbf16, #tpu.memory_space<vmem_shared>> -> memref<10240x80xbf16, #tpu.memory_space<vmem_shared>>
        tpu.enqueue_indirect_dma source(%arg10 : memref<128x80xbf16, #tpu.memory_space<vmem>>) target(%dma_start3A_81 : memref<10240x80xbf16, #tpu.memory_space<vmem_shared>>) offsets(%dma_start3A_78 : memref<128xi32, #tpu.memory_space<vmem>>) semaphore(%run_scoped3A_75 : memref<!tpu.dma_semaphore, #tpu.memory_space<semaphore_mem>>) {add = true}
        %dma_wait3A_82 = arith.constant 0 : i32
        %dma_wait3A_83 = tpu.memref_slice %arg8[%add3A_51, %dma_wait3A_82] : memref<160x128xi32, #tpu.memory_space<vmem>> -> memref<1x128xi32, #tpu.memory_space<vmem>>
        %dma_wait3A_84 = tpu.memref_squeeze %dma_wait3A_83 : memref<1x128xi32, #tpu.memory_space<vmem>> -> memref<128xi32, #tpu.memory_space<vmem>>
        %dma_wait3A_85 = arith.constant 0 : i32
        %dma_wait3A_86 = arith.constant 0 : i32
        %dma_wait3A_87 = tpu.memref_slice %arg15[%dma_wait3A_85, %dma_wait3A_86] : memref<10240x80xbf16, #tpu.memory_space<vmem_shared>> -> memref<10240x80xbf16, #tpu.memory_space<vmem_shared>>
        tpu.wait_indirect_dma semaphore(%run_scoped3A_75 : memref<!tpu.dma_semaphore, #tpu.memory_space<semaphore_mem>>) src(%arg10 : memref<128x80xbf16, #tpu.memory_space<vmem>>) dst(%dma_wait3A_87 : memref<10240x80xbf16, #tpu.memory_space<vmem_shared>>)
        tpu.yield
      }) : () -> ()
      %add3A_58 = arith.constant 1 : i32
      %add3A_59 = arith.addi %mul3A_28, %add3A_58 : i32
      %add3A_60 = arith.constant 3 : i32
      %add3A_61 = arith.addi %add3A_59, %add3A_60 : i32
      %lt3A_62 = arith.constant 160 : i32
      %lt3A_63 = arith.cmpi slt, %add3A_61, %lt3A_62 : i32
      %convert_element_type3A_64 = arith.extui %lt3A_63 : i1 to i32
      %cond3A_65 = arith.constant 0 : i32
      %cond3A_66 = arith.cmpi ne, %convert_element_type3A_64, %cond3A_65 : i32
      scf.if %cond3A_66 {
        %add3A_75 = arith.constant 1 : i32
        %add3A_76 = arith.addi %mul3A_28, %add3A_75 : i32
        %add3A_77 = arith.constant 3 : i32
        %add3A_78 = arith.addi %add3A_76, %add3A_77 : i32
        %dma_start3A_79 = arith.constant 0 : i32
        %dma_start3A_80 = tpu.memref_slice %arg7[%add3A_78, %dma_start3A_79] : memref<160x128xi32, #tpu.memory_space<vmem>> -> memref<1x128xi32, #tpu.memory_space<vmem>>
        %dma_start3A_81 = tpu.memref_squeeze %dma_start3A_80 : memref<1x128xi32, #tpu.memory_space<vmem>> -> memref<128xi32, #tpu.memory_space<vmem>>
        %dma_start3A_82 = arith.constant 0 : i32
        %dma_start3A_83 = arith.constant 0 : i32
        %dma_start3A_84 = tpu.memref_slice %arg2[%dma_start3A_82, %dma_start3A_83] : memref<20480x80xbf16, #tpu.memory_space<hbm>> -> memref<20480x80xbf16, #tpu.memory_space<hbm>>
        tpu.enqueue_indirect_dma source(%dma_start3A_84 : memref<20480x80xbf16, #tpu.memory_space<hbm>>) target(%arg10 : memref<128x80xbf16, #tpu.memory_space<vmem>>) offsets(%dma_start3A_81 : memref<128xi32, #tpu.memory_space<vmem>>) semaphore(%arg13 : memref<!tpu.dma_semaphore, #tpu.memory_space<semaphore_mem>>)
      } else {
      }
      %add3A_67 = arith.constant 2 : i32
      %add3A_68 = arith.addi %mul3A_28, %add3A_67 : i32
      %dma_wait3A_69 = arith.constant 0 : i32
      %dma_wait3A_70 = tpu.memref_slice %arg7[%add3A_68, %dma_wait3A_69] : memref<160x128xi32, #tpu.memory_space<vmem>> -> memref<1x128xi32, #tpu.memory_space<vmem>>
      %dma_wait3A_71 = tpu.memref_squeeze %dma_wait3A_70 : memref<1x128xi32, #tpu.memory_space<vmem>> -> memref<128xi32, #tpu.memory_space<vmem>>
      %dma_wait3A_72 = arith.constant 0 : i32
      %dma_wait3A_73 = arith.constant 0 : i32
      %dma_wait3A_74 = tpu.memref_slice %arg2[%dma_wait3A_72, %dma_wait3A_73] : memref<20480x80xbf16, #tpu.memory_space<hbm>> -> memref<20480x80xbf16, #tpu.memory_space<hbm>>
      tpu.wait_indirect_dma semaphore(%arg14 : memref<!tpu.dma_semaphore, #tpu.memory_space<semaphore_mem>>) src(%dma_wait3A_74 : memref<20480x80xbf16, #tpu.memory_space<hbm>>) dst(%arg11 : memref<128x80xbf16, #tpu.memory_space<vmem>>)
      "tpu.region"() ({
        %run_scoped3A_75 = tpu.sem_alloc : memref<!tpu.dma_semaphore, #tpu.memory_space<semaphore_mem>>
        %dma_start3A_76 = arith.constant 0 : i32
        %dma_start3A_77 = tpu.memref_slice %arg8[%add3A_68, %dma_start3A_76] : memref<160x128xi32, #tpu.memory_space<vmem>> -> memref<1x128xi32, #tpu.memory_space<vmem>>
        %dma_start3A_78 = tpu.memref_squeeze %dma_start3A_77 : memref<1x128xi32, #tpu.memory_space<vmem>> -> memref<128xi32, #tpu.memory_space<vmem>>
        %dma_start3A_79 = arith.constant 0 : i32
        %dma_start3A_80 = arith.constant 0 : i32
        %dma_start3A_81 = tpu.memref_slice %arg15[%dma_start3A_79, %dma_start3A_80] : memref<10240x80xbf16, #tpu.memory_space<vmem_shared>> -> memref<10240x80xbf16, #tpu.memory_space<vmem_shared>>
        tpu.enqueue_indirect_dma source(%arg11 : memref<128x80xbf16, #tpu.memory_space<vmem>>) target(%dma_start3A_81 : memref<10240x80xbf16, #tpu.memory_space<vmem_shared>>) offsets(%dma_start3A_78 : memref<128xi32, #tpu.memory_space<vmem>>) semaphore(%run_scoped3A_75 : memref<!tpu.dma_semaphore, #tpu.memory_space<semaphore_mem>>) {add = true}
        %dma_wait3A_82 = arith.constant 0 : i32
        %dma_wait3A_83 = tpu.memref_slice %arg8[%add3A_68, %dma_wait3A_82] : memref<160x128xi32, #tpu.memory_space<vmem>> -> memref<1x128xi32, #tpu.memory_space<vmem>>
        %dma_wait3A_84 = tpu.memref_squeeze %dma_wait3A_83 : memref<1x128xi32, #tpu.memory_space<vmem>> -> memref<128xi32, #tpu.memory_space<vmem>>
        %dma_wait3A_85 = arith.constant 0 : i32
        %dma_wait3A_86 = arith.constant 0 : i32
        %dma_wait3A_87 = tpu.memref_slice %arg15[%dma_wait3A_85, %dma_wait3A_86] : memref<10240x80xbf16, #tpu.memory_space<vmem_shared>> -> memref<10240x80xbf16, #tpu.memory_space<vmem_shared>>
        tpu.wait_indirect_dma semaphore(%run_scoped3A_75 : memref<!tpu.dma_semaphore, #tpu.memory_space<semaphore_mem>>) src(%arg11 : memref<128x80xbf16, #tpu.memory_space<vmem>>) dst(%dma_wait3A_87 : memref<10240x80xbf16, #tpu.memory_space<vmem_shared>>)
        tpu.yield
      }) : () -> ()
    }
    %scan3A_18 = arith.constant 53 : i32
    %dma_wait3A = arith.constant 159 : i32
    %dma_wait3A_19 = arith.constant 0 : i32
    %dma_wait3A_20 = tpu.memref_slice %arg7[%dma_wait3A, %dma_wait3A_19] : memref<160x128xi32, #tpu.memory_space<vmem>> -> memref<1x128xi32, #tpu.memory_space<vmem>>
    %dma_wait3A_21 = tpu.memref_squeeze %dma_wait3A_20 : memref<1x128xi32, #tpu.memory_space<vmem>> -> memref<128xi32, #tpu.memory_space<vmem>>
    %dma_wait3A_22 = arith.constant 0 : i32
    %dma_wait3A_23 = arith.constant 0 : i32
    %dma_wait3A_24 = tpu.memref_slice %arg2[%dma_wait3A_22, %dma_wait3A_23] : memref<20480x80xbf16, #tpu.memory_space<hbm>> -> memref<20480x80xbf16, #tpu.memory_space<hbm>>
    tpu.wait_indirect_dma semaphore(%arg12 : memref<!tpu.dma_semaphore, #tpu.memory_space<semaphore_mem>>) src(%dma_wait3A_24 : memref<20480x80xbf16, #tpu.memory_space<hbm>>) dst(%arg9 : memref<128x80xbf16, #tpu.memory_space<vmem>>)
    %run_scoped3A = arith.constant 159 : i32
    "tpu.region"() ({
      %run_scoped3A_26 = tpu.sem_alloc : memref<!tpu.dma_semaphore, #tpu.memory_space<semaphore_mem>>
      %dma_start3A_27 = arith.constant 0 : i32
      %dma_start3A_28 = tpu.memref_slice %arg8[%run_scoped3A, %dma_start3A_27] : memref<160x128xi32, #tpu.memory_space<vmem>> -> memref<1x128xi32, #tpu.memory_space<vmem>>
      %dma_start3A_29 = tpu.memref_squeeze %dma_start3A_28 : memref<1x128xi32, #tpu.memory_space<vmem>> -> memref<128xi32, #tpu.memory_space<vmem>>
      %dma_start3A_30 = arith.constant 0 : i32
      %dma_start3A_31 = arith.constant 0 : i32
      %dma_start3A_32 = tpu.memref_slice %arg15[%dma_start3A_30, %dma_start3A_31] : memref<10240x80xbf16, #tpu.memory_space<vmem_shared>> -> memref<10240x80xbf16, #tpu.memory_space<vmem_shared>>
      tpu.enqueue_indirect_dma source(%arg9 : memref<128x80xbf16, #tpu.memory_space<vmem>>) target(%dma_start3A_32 : memref<10240x80xbf16, #tpu.memory_space<vmem_shared>>) offsets(%dma_start3A_29 : memref<128xi32, #tpu.memory_space<vmem>>) semaphore(%run_scoped3A_26 : memref<!tpu.dma_semaphore, #tpu.memory_space<semaphore_mem>>) {add = true}
      %dma_wait3A_33 = arith.constant 0 : i32
      %dma_wait3A_34 = tpu.memref_slice %arg8[%run_scoped3A, %dma_wait3A_33] : memref<160x128xi32, #tpu.memory_space<vmem>> -> memref<1x128xi32, #tpu.memory_space<vmem>>
      %dma_wait3A_35 = tpu.memref_squeeze %dma_wait3A_34 : memref<1x128xi32, #tpu.memory_space<vmem>> -> memref<128xi32, #tpu.memory_space<vmem>>
      %dma_wait3A_36 = arith.constant 0 : i32
      %dma_wait3A_37 = arith.constant 0 : i32
      %dma_wait3A_38 = tpu.memref_slice %arg15[%dma_wait3A_36, %dma_wait3A_37] : memref<10240x80xbf16, #tpu.memory_space<vmem_shared>> -> memref<10240x80xbf16, #tpu.memory_space<vmem_shared>>
      tpu.wait_indirect_dma semaphore(%run_scoped3A_26 : memref<!tpu.dma_semaphore, #tpu.memory_space<semaphore_mem>>) src(%arg9 : memref<128x80xbf16, #tpu.memory_space<vmem>>) dst(%dma_wait3A_38 : memref<10240x80xbf16, #tpu.memory_space<vmem_shared>>)
      tpu.yield
    }) : () -> ()
    %barrier3A_25 = arith.constant 0 : index
    tpu.barrier barrier_id(%barrier3A_25)
    "tpu.region"() ({
      %run_scoped3A_26 = tpu.sem_alloc : memref<!tpu.dma_semaphore, #tpu.memory_space<semaphore_mem>>
      %dma_start3A_27 = arith.constant 0 : i32
      %dma_start3A_28 = tpu.memref_slice %arg6[%arg0, %mul3A_0, %dma_start3A_27] : memref<2x10240x80xbf16, #tpu.memory_space<hbm>> -> memref<1x640x80xbf16, #tpu.memory_space<hbm>>
      %dma_start3A_29 = tpu.memref_squeeze %dma_start3A_28 : memref<1x640x80xbf16, #tpu.memory_space<hbm>> -> memref<640x80xbf16, #tpu.memory_space<hbm>>
      %dma_start3A_30 = arith.constant 0 : i32
      %dma_start3A_31 = tpu.memref_slice %arg15[%mul3A_0, %dma_start3A_30] : memref<10240x80xbf16, #tpu.memory_space<vmem_shared>> -> memref<640x80xbf16, #tpu.memory_space<vmem_shared>>
      tpu.enqueue_dma source(%dma_start3A_31 : memref<640x80xbf16, #tpu.memory_space<vmem_shared>>) target(%dma_start3A_29 : memref<640x80xbf16, #tpu.memory_space<hbm>>) target_semaphore(%run_scoped3A_26 : memref<!tpu.dma_semaphore, #tpu.memory_space<semaphore_mem>>)
      %dma_wait3A_32 = arith.constant 0 : i32
      %dma_wait3A_33 = tpu.memref_slice %arg6[%arg0, %mul3A_0, %dma_wait3A_32] : memref<2x10240x80xbf16, #tpu.memory_space<hbm>> -> memref<1x640x80xbf16, #tpu.memory_space<hbm>>
      %dma_wait3A_34 = tpu.memref_squeeze %dma_wait3A_33 : memref<1x640x80xbf16, #tpu.memory_space<hbm>> -> memref<640x80xbf16, #tpu.memory_space<hbm>>
      %dma_wait3A_35 = arith.constant 0 : i32
      %dma_wait3A_36 = tpu.memref_slice %arg15[%mul3A_0, %dma_wait3A_35] : memref<10240x80xbf16, #tpu.memory_space<vmem_shared>> -> memref<640x80xbf16, #tpu.memory_space<vmem_shared>>
      tpu.wait_dma2 semaphore(%run_scoped3A_26 : memref<!tpu.dma_semaphore, #tpu.memory_space<semaphore_mem>>) src(%dma_wait3A_36 : memref<640x80xbf16, #tpu.memory_space<vmem_shared>>) dst(%dma_wait3A_34 : memref<640x80xbf16, #tpu.memory_space<hbm>>)
      tpu.yield
    }) : () -> ()
    return
  }
}

#map = affine_map<(d0, d1) -> (0, 0)>
#map1 = affine_map<(d0, d1) -> (0, 0, 0, 0)>
#map2 = affine_map<(d0, d1) -> (0, 0, 0)>
module attributes {stable_mosaic.version = 14 : i64} {
  func.func @_sc_aggregate_body(%arg0: i32, %arg1: i32, %arg2: memref<20480x80xbf16, #tpu.memory_space<hbm>>, %arg3: memref<2x16x160x128xi32, #tpu.memory_space<hbm>>, %arg4: memref<16x160x128xi32, #tpu.memory_space<hbm>>, %arg5: memref<640x80xbf16, #tpu.memory_space<hbm>>, %arg6: memref<2x10240x80xbf16, #tpu.memory_space<hbm>>, %arg7: memref<160x128xi32, #tpu.memory_space<vmem>>, %arg8: memref<160x128xi32, #tpu.memory_space<vmem>>, %arg9: memref<128x80xbf16, #tpu.memory_space<vmem>>, %arg10: memref<128x80xbf16, #tpu.memory_space<vmem>>, %arg11: memref<128x80xbf16, #tpu.memory_space<vmem>>, %arg12: memref<!tpu.dma_semaphore, #tpu.memory_space<semaphore_mem>>, %arg13: memref<!tpu.dma_semaphore, #tpu.memory_space<semaphore_mem>>, %arg14: memref<!tpu.dma_semaphore, #tpu.memory_space<semaphore_mem>>, %arg15: memref<10240x80xbf16, #tpu.memory_space<vmem_shared>>) attributes {dimension_semantics = [#tpu.dimension_semantics<core_parallel>, #tpu.dimension_semantics<subcore_parallel>], iteration_bounds = array<i64: 2, 16>, scalar_prefetch = 0 : i64, scratch_operands = 9 : i64, tpu.core_type = #tpu.core_type<sc_vector_subcore>, window_params = [{transform_indices = #map}, {transform_indices = #map1}, {transform_indices = #map2}, {transform_indices = #map}, {transform_indices = #map2}]} {
    %mul3A = arith.constant 640 : i32
    %mul3A_0 = arith.muli %arg1, %mul3A : i32
    "tpu.region"() ({
      %run_scoped3A_26 = tpu.sem_alloc : memref<!tpu.dma_semaphore, #tpu.memory_space<semaphore_mem>>
      %dma_start3A_27 = arith.constant 0 : i32
      %dma_start3A_28 = tpu.memref_slice %arg15[%mul3A_0, %dma_start3A_27] : memref<10240x80xbf16, #tpu.memory_space<vmem_shared>> -> memref<640x80xbf16, #tpu.memory_space<vmem_shared>>
      tpu.enqueue_dma source(%arg5 : memref<640x80xbf16, #tpu.memory_space<hbm>>) target(%dma_start3A_28 : memref<640x80xbf16, #tpu.memory_space<vmem_shared>>) target_semaphore(%run_scoped3A_26 : memref<!tpu.dma_semaphore, #tpu.memory_space<semaphore_mem>>)
      %dma_wait3A_29 = arith.constant 0 : i32
      %dma_wait3A_30 = tpu.memref_slice %arg15[%mul3A_0, %dma_wait3A_29] : memref<10240x80xbf16, #tpu.memory_space<vmem_shared>> -> memref<640x80xbf16, #tpu.memory_space<vmem_shared>>
      tpu.wait_dma2 semaphore(%run_scoped3A_26 : memref<!tpu.dma_semaphore, #tpu.memory_space<semaphore_mem>>) src(%arg5 : memref<640x80xbf16, #tpu.memory_space<hbm>>) dst(%dma_wait3A_30 : memref<640x80xbf16, #tpu.memory_space<vmem_shared>>)
      tpu.yield
    }) : () -> ()
    "tpu.region"() ({
      %run_scoped3A_26 = tpu.sem_alloc : memref<!tpu.dma_semaphore, #tpu.memory_space<semaphore_mem>>
      %dma_start3A_27 = arith.constant 0 : i32
      %dma_start3A_28 = arith.constant 0 : i32
      %dma_start3A_29 = tpu.memref_slice %arg3[%arg0, %arg1, %dma_start3A_27, %dma_start3A_28] : memref<2x16x160x128xi32, #tpu.memory_space<hbm>> -> memref<1x1x160x128xi32, #tpu.memory_space<hbm>>
      %dma_start3A_30 = tpu.memref_squeeze %dma_start3A_29 : memref<1x1x160x128xi32, #tpu.memory_space<hbm>> -> memref<160x128xi32, #tpu.memory_space<hbm>>
      %dma_start3A_31 = arith.constant 0 : i32
      %dma_start3A_32 = arith.constant 0 : i32
      %dma_start3A_33 = tpu.memref_slice %arg3[%arg0, %arg1, %dma_start3A_31, %dma_start3A_32] : memref<2x16x160x128xi32, #tpu.memory_space<hbm>> -> memref<1x1x160x128xi32, #tpu.memory_space<hbm>>
      %dma_start3A_34 = tpu.memref_squeeze %dma_start3A_33 : memref<1x1x160x128xi32, #tpu.memory_space<hbm>> -> memref<160x128xi32, #tpu.memory_space<hbm>>
      tpu.enqueue_dma source(%dma_start3A_34 : memref<160x128xi32, #tpu.memory_space<hbm>>) target(%arg7 : memref<160x128xi32, #tpu.memory_space<vmem>>) target_semaphore(%run_scoped3A_26 : memref<!tpu.dma_semaphore, #tpu.memory_space<semaphore_mem>>)
      %dma_wait3A_35 = arith.constant 0 : i32
      %dma_wait3A_36 = arith.constant 0 : i32
      %dma_wait3A_37 = tpu.memref_slice %arg3[%arg0, %arg1, %dma_wait3A_35, %dma_wait3A_36] : memref<2x16x160x128xi32, #tpu.memory_space<hbm>> -> memref<1x1x160x128xi32, #tpu.memory_space<hbm>>
      %dma_wait3A_38 = tpu.memref_squeeze %dma_wait3A_37 : memref<1x1x160x128xi32, #tpu.memory_space<hbm>> -> memref<160x128xi32, #tpu.memory_space<hbm>>
      %dma_wait3A_39 = arith.constant 0 : i32
      %dma_wait3A_40 = arith.constant 0 : i32
      %dma_wait3A_41 = tpu.memref_slice %arg3[%arg0, %arg1, %dma_wait3A_39, %dma_wait3A_40] : memref<2x16x160x128xi32, #tpu.memory_space<hbm>> -> memref<1x1x160x128xi32, #tpu.memory_space<hbm>>
      %dma_wait3A_42 = tpu.memref_squeeze %dma_wait3A_41 : memref<1x1x160x128xi32, #tpu.memory_space<hbm>> -> memref<160x128xi32, #tpu.memory_space<hbm>>
      tpu.wait_dma2 semaphore(%run_scoped3A_26 : memref<!tpu.dma_semaphore, #tpu.memory_space<semaphore_mem>>) src(%dma_wait3A_42 : memref<160x128xi32, #tpu.memory_space<hbm>>) dst(%arg7 : memref<160x128xi32, #tpu.memory_space<vmem>>)
      tpu.yield
    }) : () -> ()
    "tpu.region"() ({
      %run_scoped3A_26 = tpu.sem_alloc : memref<!tpu.dma_semaphore, #tpu.memory_space<semaphore_mem>>
      %dma_start3A_27 = arith.constant 0 : i32
      %dma_start3A_28 = arith.constant 0 : i32
      %dma_start3A_29 = tpu.memref_slice %arg4[%arg1, %dma_start3A_27, %dma_start3A_28] : memref<16x160x128xi32, #tpu.memory_space<hbm>> -> memref<1x160x128xi32, #tpu.memory_space<hbm>>
      %dma_start3A_30 = tpu.memref_squeeze %dma_start3A_29 : memref<1x160x128xi32, #tpu.memory_space<hbm>> -> memref<160x128xi32, #tpu.memory_space<hbm>>
      %dma_start3A_31 = arith.constant 0 : i32
      %dma_start3A_32 = arith.constant 0 : i32
      %dma_start3A_33 = tpu.memref_slice %arg4[%arg1, %dma_start3A_31, %dma_start3A_32] : memref<16x160x128xi32, #tpu.memory_space<hbm>> -> memref<1x160x128xi32, #tpu.memory_space<hbm>>
      %dma_start3A_34 = tpu.memref_squeeze %dma_start3A_33 : memref<1x160x128xi32, #tpu.memory_space<hbm>> -> memref<160x128xi32, #tpu.memory_space<hbm>>
      tpu.enqueue_dma source(%dma_start3A_34 : memref<160x128xi32, #tpu.memory_space<hbm>>) target(%arg8 : memref<160x128xi32, #tpu.memory_space<vmem>>) target_semaphore(%run_scoped3A_26 : memref<!tpu.dma_semaphore, #tpu.memory_space<semaphore_mem>>)
      %dma_wait3A_35 = arith.constant 0 : i32
      %dma_wait3A_36 = arith.constant 0 : i32
      %dma_wait3A_37 = tpu.memref_slice %arg4[%arg1, %dma_wait3A_35, %dma_wait3A_36] : memref<16x160x128xi32, #tpu.memory_space<hbm>> -> memref<1x160x128xi32, #tpu.memory_space<hbm>>
      %dma_wait3A_38 = tpu.memref_squeeze %dma_wait3A_37 : memref<1x160x128xi32, #tpu.memory_space<hbm>> -> memref<160x128xi32, #tpu.memory_space<hbm>>
      %dma_wait3A_39 = arith.constant 0 : i32
      %dma_wait3A_40 = arith.constant 0 : i32
      %dma_wait3A_41 = tpu.memref_slice %arg4[%arg1, %dma_wait3A_39, %dma_wait3A_40] : memref<16x160x128xi32, #tpu.memory_space<hbm>> -> memref<1x160x128xi32, #tpu.memory_space<hbm>>
      %dma_wait3A_42 = tpu.memref_squeeze %dma_wait3A_41 : memref<1x160x128xi32, #tpu.memory_space<hbm>> -> memref<160x128xi32, #tpu.memory_space<hbm>>
      tpu.wait_dma2 semaphore(%run_scoped3A_26 : memref<!tpu.dma_semaphore, #tpu.memory_space<semaphore_mem>>) src(%dma_wait3A_42 : memref<160x128xi32, #tpu.memory_space<hbm>>) dst(%arg8 : memref<160x128xi32, #tpu.memory_space<vmem>>)
      tpu.yield
    }) : () -> ()
    %barrier3A = arith.constant 0 : index
    tpu.barrier barrier_id(%barrier3A)
    %dma_start3A = arith.constant 0 : i32
    %dma_start3A_1 = arith.constant 0 : i32
    %dma_start3A_2 = tpu.memref_slice %arg7[%dma_start3A, %dma_start3A_1] : memref<160x128xi32, #tpu.memory_space<vmem>> -> memref<1x128xi32, #tpu.memory_space<vmem>>
    %dma_start3A_3 = tpu.memref_squeeze %dma_start3A_2 : memref<1x128xi32, #tpu.memory_space<vmem>> -> memref<128xi32, #tpu.memory_space<vmem>>
    %dma_start3A_4 = arith.constant 0 : i32
    %dma_start3A_5 = arith.constant 0 : i32
    %dma_start3A_6 = tpu.memref_slice %arg2[%dma_start3A_4, %dma_start3A_5] : memref<20480x80xbf16, #tpu.memory_space<hbm>> -> memref<20480x80xbf16, #tpu.memory_space<hbm>>
    tpu.enqueue_indirect_dma source(%dma_start3A_6 : memref<20480x80xbf16, #tpu.memory_space<hbm>>) target(%arg9 : memref<128x80xbf16, #tpu.memory_space<vmem>>) offsets(%dma_start3A_3 : memref<128xi32, #tpu.memory_space<vmem>>) semaphore(%arg12 : memref<!tpu.dma_semaphore, #tpu.memory_space<semaphore_mem>>)
    %dma_start3A_7 = arith.constant 1 : i32
    %dma_start3A_8 = arith.constant 0 : i32
    %dma_start3A_9 = tpu.memref_slice %arg7[%dma_start3A_7, %dma_start3A_8] : memref<160x128xi32, #tpu.memory_space<vmem>> -> memref<1x128xi32, #tpu.memory_space<vmem>>
    %dma_start3A_10 = tpu.memref_squeeze %dma_start3A_9 : memref<1x128xi32, #tpu.memory_space<vmem>> -> memref<128xi32, #tpu.memory_space<vmem>>
    %dma_start3A_11 = arith.constant 0 : i32
    %dma_start3A_12 = arith.constant 0 : i32
    %dma_start3A_13 = tpu.memref_slice %arg2[%dma_start3A_11, %dma_start3A_12] : memref<20480x80xbf16, #tpu.memory_space<hbm>> -> memref<20480x80xbf16, #tpu.memory_space<hbm>>
    tpu.enqueue_indirect_dma source(%dma_start3A_13 : memref<20480x80xbf16, #tpu.memory_space<hbm>>) target(%arg10 : memref<128x80xbf16, #tpu.memory_space<vmem>>) offsets(%dma_start3A_10 : memref<128xi32, #tpu.memory_space<vmem>>) semaphore(%arg13 : memref<!tpu.dma_semaphore, #tpu.memory_space<semaphore_mem>>)
    %scan3A = arith.constant 0 : i32
    %scan3A_14 = arith.constant 0 : i32
    %scan3A_15 = arith.constant 53 : i32
    %scan3A_16 = arith.addi %scan3A_14, %scan3A_15 : i32
    %scan3A_17 = arith.constant 1 : i32
    scf.for %scan3A_26 = %scan3A_14 to %scan3A_16 step %scan3A_17  : i32 {
      %mul3A_27 = arith.constant 3 : i32
      %mul3A_28 = arith.muli %mul3A_27, %scan3A_26 : i32
      %add3A = arith.constant 0 : i32
      %add3A_29 = arith.addi %mul3A_28, %add3A : i32
      %add3A_30 = arith.constant 2 : i32
      %add3A_31 = arith.addi %mul3A_28, %add3A_30 : i32
      %dma_start3A_32 = arith.constant 0 : i32
      %dma_start3A_33 = tpu.memref_slice %arg7[%add3A_31, %dma_start3A_32] : memref<160x128xi32, #tpu.memory_space<vmem>> -> memref<1x128xi32, #tpu.memory_space<vmem>>
      %dma_start3A_34 = tpu.memref_squeeze %dma_start3A_33 : memref<1x128xi32, #tpu.memory_space<vmem>> -> memref<128xi32, #tpu.memory_space<vmem>>
      %dma_start3A_35 = arith.constant 0 : i32
      %dma_start3A_36 = arith.constant 0 : i32
      %dma_start3A_37 = tpu.memref_slice %arg2[%dma_start3A_35, %dma_start3A_36] : memref<20480x80xbf16, #tpu.memory_space<hbm>> -> memref<20480x80xbf16, #tpu.memory_space<hbm>>
      tpu.enqueue_indirect_dma source(%dma_start3A_37 : memref<20480x80xbf16, #tpu.memory_space<hbm>>) target(%arg11 : memref<128x80xbf16, #tpu.memory_space<vmem>>) offsets(%dma_start3A_34 : memref<128xi32, #tpu.memory_space<vmem>>) semaphore(%arg14 : memref<!tpu.dma_semaphore, #tpu.memory_space<semaphore_mem>>)
      %dma_wait3A_38 = arith.constant 0 : i32
      %dma_wait3A_39 = tpu.memref_slice %arg7[%add3A_29, %dma_wait3A_38] : memref<160x128xi32, #tpu.memory_space<vmem>> -> memref<1x128xi32, #tpu.memory_space<vmem>>
      %dma_wait3A_40 = tpu.memref_squeeze %dma_wait3A_39 : memref<1x128xi32, #tpu.memory_space<vmem>> -> memref<128xi32, #tpu.memory_space<vmem>>
      %dma_wait3A_41 = arith.constant 0 : i32
      %dma_wait3A_42 = arith.constant 0 : i32
      %dma_wait3A_43 = tpu.memref_slice %arg2[%dma_wait3A_41, %dma_wait3A_42] : memref<20480x80xbf16, #tpu.memory_space<hbm>> -> memref<20480x80xbf16, #tpu.memory_space<hbm>>
      tpu.wait_indirect_dma semaphore(%arg12 : memref<!tpu.dma_semaphore, #tpu.memory_space<semaphore_mem>>) src(%dma_wait3A_43 : memref<20480x80xbf16, #tpu.memory_space<hbm>>) dst(%arg9 : memref<128x80xbf16, #tpu.memory_space<vmem>>)
      "tpu.region"() ({
        %run_scoped3A_75 = tpu.sem_alloc : memref<!tpu.dma_semaphore, #tpu.memory_space<semaphore_mem>>
        %dma_start3A_76 = arith.constant 0 : i32
        %dma_start3A_77 = tpu.memref_slice %arg8[%add3A_29, %dma_start3A_76] : memref<160x128xi32, #tpu.memory_space<vmem>> -> memref<1x128xi32, #tpu.memory_space<vmem>>
        %dma_start3A_78 = tpu.memref_squeeze %dma_start3A_77 : memref<1x128xi32, #tpu.memory_space<vmem>> -> memref<128xi32, #tpu.memory_space<vmem>>
        %dma_start3A_79 = arith.constant 0 : i32
        %dma_start3A_80 = arith.constant 0 : i32
        %dma_start3A_81 = tpu.memref_slice %arg15[%dma_start3A_79, %dma_start3A_80] : memref<10240x80xbf16, #tpu.memory_space<vmem_shared>> -> memref<10240x80xbf16, #tpu.memory_space<vmem_shared>>
        tpu.enqueue_indirect_dma source(%arg9 : memref<128x80xbf16, #tpu.memory_space<vmem>>) target(%dma_start3A_81 : memref<10240x80xbf16, #tpu.memory_space<vmem_shared>>) offsets(%dma_start3A_78 : memref<128xi32, #tpu.memory_space<vmem>>) semaphore(%run_scoped3A_75 : memref<!tpu.dma_semaphore, #tpu.memory_space<semaphore_mem>>) {add = true}
        %dma_wait3A_82 = arith.constant 0 : i32
        %dma_wait3A_83 = tpu.memref_slice %arg8[%add3A_29, %dma_wait3A_82] : memref<160x128xi32, #tpu.memory_space<vmem>> -> memref<1x128xi32, #tpu.memory_space<vmem>>
        %dma_wait3A_84 = tpu.memref_squeeze %dma_wait3A_83 : memref<1x128xi32, #tpu.memory_space<vmem>> -> memref<128xi32, #tpu.memory_space<vmem>>
        %dma_wait3A_85 = arith.constant 0 : i32
        %dma_wait3A_86 = arith.constant 0 : i32
        %dma_wait3A_87 = tpu.memref_slice %arg15[%dma_wait3A_85, %dma_wait3A_86] : memref<10240x80xbf16, #tpu.memory_space<vmem_shared>> -> memref<10240x80xbf16, #tpu.memory_space<vmem_shared>>
        tpu.wait_indirect_dma semaphore(%run_scoped3A_75 : memref<!tpu.dma_semaphore, #tpu.memory_space<semaphore_mem>>) src(%arg9 : memref<128x80xbf16, #tpu.memory_space<vmem>>) dst(%dma_wait3A_87 : memref<10240x80xbf16, #tpu.memory_space<vmem_shared>>)
        tpu.yield
      }) : () -> ()
      %add3A_44 = arith.constant 0 : i32
      %add3A_45 = arith.addi %mul3A_28, %add3A_44 : i32
      %add3A_46 = arith.constant 3 : i32
      %add3A_47 = arith.addi %add3A_45, %add3A_46 : i32
      %lt3A = arith.constant 160 : i32
      %lt3A_48 = arith.cmpi slt, %add3A_47, %lt3A : i32
      %convert_element_type3A = arith.extui %lt3A_48 : i1 to i32
      %cond3A = arith.constant 0 : i32
      %cond3A_49 = arith.cmpi ne, %convert_element_type3A, %cond3A : i32
      scf.if %cond3A_49 {
        %add3A_75 = arith.constant 0 : i32
        %add3A_76 = arith.addi %mul3A_28, %add3A_75 : i32
        %add3A_77 = arith.constant 3 : i32
        %add3A_78 = arith.addi %add3A_76, %add3A_77 : i32
        %dma_start3A_79 = arith.constant 0 : i32
        %dma_start3A_80 = tpu.memref_slice %arg7[%add3A_78, %dma_start3A_79] : memref<160x128xi32, #tpu.memory_space<vmem>> -> memref<1x128xi32, #tpu.memory_space<vmem>>
        %dma_start3A_81 = tpu.memref_squeeze %dma_start3A_80 : memref<1x128xi32, #tpu.memory_space<vmem>> -> memref<128xi32, #tpu.memory_space<vmem>>
        %dma_start3A_82 = arith.constant 0 : i32
        %dma_start3A_83 = arith.constant 0 : i32
        %dma_start3A_84 = tpu.memref_slice %arg2[%dma_start3A_82, %dma_start3A_83] : memref<20480x80xbf16, #tpu.memory_space<hbm>> -> memref<20480x80xbf16, #tpu.memory_space<hbm>>
        tpu.enqueue_indirect_dma source(%dma_start3A_84 : memref<20480x80xbf16, #tpu.memory_space<hbm>>) target(%arg9 : memref<128x80xbf16, #tpu.memory_space<vmem>>) offsets(%dma_start3A_81 : memref<128xi32, #tpu.memory_space<vmem>>) semaphore(%arg12 : memref<!tpu.dma_semaphore, #tpu.memory_space<semaphore_mem>>)
      } else {
      }
      %add3A_50 = arith.constant 1 : i32
      %add3A_51 = arith.addi %mul3A_28, %add3A_50 : i32
      %dma_wait3A_52 = arith.constant 0 : i32
      %dma_wait3A_53 = tpu.memref_slice %arg7[%add3A_51, %dma_wait3A_52] : memref<160x128xi32, #tpu.memory_space<vmem>> -> memref<1x128xi32, #tpu.memory_space<vmem>>
      %dma_wait3A_54 = tpu.memref_squeeze %dma_wait3A_53 : memref<1x128xi32, #tpu.memory_space<vmem>> -> memref<128xi32, #tpu.memory_space<vmem>>
      %dma_wait3A_55 = arith.constant 0 : i32
      %dma_wait3A_56 = arith.constant 0 : i32
      %dma_wait3A_57 = tpu.memref_slice %arg2[%dma_wait3A_55, %dma_wait3A_56] : memref<20480x80xbf16, #tpu.memory_space<hbm>> -> memref<20480x80xbf16, #tpu.memory_space<hbm>>
      tpu.wait_indirect_dma semaphore(%arg13 : memref<!tpu.dma_semaphore, #tpu.memory_space<semaphore_mem>>) src(%dma_wait3A_57 : memref<20480x80xbf16, #tpu.memory_space<hbm>>) dst(%arg10 : memref<128x80xbf16, #tpu.memory_space<vmem>>)
      "tpu.region"() ({
        %run_scoped3A_75 = tpu.sem_alloc : memref<!tpu.dma_semaphore, #tpu.memory_space<semaphore_mem>>
        %dma_start3A_76 = arith.constant 0 : i32
        %dma_start3A_77 = tpu.memref_slice %arg8[%add3A_51, %dma_start3A_76] : memref<160x128xi32, #tpu.memory_space<vmem>> -> memref<1x128xi32, #tpu.memory_space<vmem>>
        %dma_start3A_78 = tpu.memref_squeeze %dma_start3A_77 : memref<1x128xi32, #tpu.memory_space<vmem>> -> memref<128xi32, #tpu.memory_space<vmem>>
        %dma_start3A_79 = arith.constant 0 : i32
        %dma_start3A_80 = arith.constant 0 : i32
        %dma_start3A_81 = tpu.memref_slice %arg15[%dma_start3A_79, %dma_start3A_80] : memref<10240x80xbf16, #tpu.memory_space<vmem_shared>> -> memref<10240x80xbf16, #tpu.memory_space<vmem_shared>>
        tpu.enqueue_indirect_dma source(%arg10 : memref<128x80xbf16, #tpu.memory_space<vmem>>) target(%dma_start3A_81 : memref<10240x80xbf16, #tpu.memory_space<vmem_shared>>) offsets(%dma_start3A_78 : memref<128xi32, #tpu.memory_space<vmem>>) semaphore(%run_scoped3A_75 : memref<!tpu.dma_semaphore, #tpu.memory_space<semaphore_mem>>) {add = true}
        %dma_wait3A_82 = arith.constant 0 : i32
        %dma_wait3A_83 = tpu.memref_slice %arg8[%add3A_51, %dma_wait3A_82] : memref<160x128xi32, #tpu.memory_space<vmem>> -> memref<1x128xi32, #tpu.memory_space<vmem>>
        %dma_wait3A_84 = tpu.memref_squeeze %dma_wait3A_83 : memref<1x128xi32, #tpu.memory_space<vmem>> -> memref<128xi32, #tpu.memory_space<vmem>>
        %dma_wait3A_85 = arith.constant 0 : i32
        %dma_wait3A_86 = arith.constant 0 : i32
        %dma_wait3A_87 = tpu.memref_slice %arg15[%dma_wait3A_85, %dma_wait3A_86] : memref<10240x80xbf16, #tpu.memory_space<vmem_shared>> -> memref<10240x80xbf16, #tpu.memory_space<vmem_shared>>
        tpu.wait_indirect_dma semaphore(%run_scoped3A_75 : memref<!tpu.dma_semaphore, #tpu.memory_space<semaphore_mem>>) src(%arg10 : memref<128x80xbf16, #tpu.memory_space<vmem>>) dst(%dma_wait3A_87 : memref<10240x80xbf16, #tpu.memory_space<vmem_shared>>)
        tpu.yield
      }) : () -> ()
      %add3A_58 = arith.constant 1 : i32
      %add3A_59 = arith.addi %mul3A_28, %add3A_58 : i32
      %add3A_60 = arith.constant 3 : i32
      %add3A_61 = arith.addi %add3A_59, %add3A_60 : i32
      %lt3A_62 = arith.constant 160 : i32
      %lt3A_63 = arith.cmpi slt, %add3A_61, %lt3A_62 : i32
      %convert_element_type3A_64 = arith.extui %lt3A_63 : i1 to i32
      %cond3A_65 = arith.constant 0 : i32
      %cond3A_66 = arith.cmpi ne, %convert_element_type3A_64, %cond3A_65 : i32
      scf.if %cond3A_66 {
        %add3A_75 = arith.constant 1 : i32
        %add3A_76 = arith.addi %mul3A_28, %add3A_75 : i32
        %add3A_77 = arith.constant 3 : i32
        %add3A_78 = arith.addi %add3A_76, %add3A_77 : i32
        %dma_start3A_79 = arith.constant 0 : i32
        %dma_start3A_80 = tpu.memref_slice %arg7[%add3A_78, %dma_start3A_79] : memref<160x128xi32, #tpu.memory_space<vmem>> -> memref<1x128xi32, #tpu.memory_space<vmem>>
        %dma_start3A_81 = tpu.memref_squeeze %dma_start3A_80 : memref<1x128xi32, #tpu.memory_space<vmem>> -> memref<128xi32, #tpu.memory_space<vmem>>
        %dma_start3A_82 = arith.constant 0 : i32
        %dma_start3A_83 = arith.constant 0 : i32
        %dma_start3A_84 = tpu.memref_slice %arg2[%dma_start3A_82, %dma_start3A_83] : memref<20480x80xbf16, #tpu.memory_space<hbm>> -> memref<20480x80xbf16, #tpu.memory_space<hbm>>
        tpu.enqueue_indirect_dma source(%dma_start3A_84 : memref<20480x80xbf16, #tpu.memory_space<hbm>>) target(%arg10 : memref<128x80xbf16, #tpu.memory_space<vmem>>) offsets(%dma_start3A_81 : memref<128xi32, #tpu.memory_space<vmem>>) semaphore(%arg13 : memref<!tpu.dma_semaphore, #tpu.memory_space<semaphore_mem>>)
      } else {
      }
      %add3A_67 = arith.constant 2 : i32
      %add3A_68 = arith.addi %mul3A_28, %add3A_67 : i32
      %dma_wait3A_69 = arith.constant 0 : i32
      %dma_wait3A_70 = tpu.memref_slice %arg7[%add3A_68, %dma_wait3A_69] : memref<160x128xi32, #tpu.memory_space<vmem>> -> memref<1x128xi32, #tpu.memory_space<vmem>>
      %dma_wait3A_71 = tpu.memref_squeeze %dma_wait3A_70 : memref<1x128xi32, #tpu.memory_space<vmem>> -> memref<128xi32, #tpu.memory_space<vmem>>
      %dma_wait3A_72 = arith.constant 0 : i32
      %dma_wait3A_73 = arith.constant 0 : i32
      %dma_wait3A_74 = tpu.memref_slice %arg2[%dma_wait3A_72, %dma_wait3A_73] : memref<20480x80xbf16, #tpu.memory_space<hbm>> -> memref<20480x80xbf16, #tpu.memory_space<hbm>>
      tpu.wait_indirect_dma semaphore(%arg14 : memref<!tpu.dma_semaphore, #tpu.memory_space<semaphore_mem>>) src(%dma_wait3A_74 : memref<20480x80xbf16, #tpu.memory_space<hbm>>) dst(%arg11 : memref<128x80xbf16, #tpu.memory_space<vmem>>)
      "tpu.region"() ({
        %run_scoped3A_75 = tpu.sem_alloc : memref<!tpu.dma_semaphore, #tpu.memory_space<semaphore_mem>>
        %dma_start3A_76 = arith.constant 0 : i32
        %dma_start3A_77 = tpu.memref_slice %arg8[%add3A_68, %dma_start3A_76] : memref<160x128xi32, #tpu.memory_space<vmem>> -> memref<1x128xi32, #tpu.memory_space<vmem>>
        %dma_start3A_78 = tpu.memref_squeeze %dma_start3A_77 : memref<1x128xi32, #tpu.memory_space<vmem>> -> memref<128xi32, #tpu.memory_space<vmem>>
        %dma_start3A_79 = arith.constant 0 : i32
        %dma_start3A_80 = arith.constant 0 : i32
        %dma_start3A_81 = tpu.memref_slice %arg15[%dma_start3A_79, %dma_start3A_80] : memref<10240x80xbf16, #tpu.memory_space<vmem_shared>> -> memref<10240x80xbf16, #tpu.memory_space<vmem_shared>>
        tpu.enqueue_indirect_dma source(%arg11 : memref<128x80xbf16, #tpu.memory_space<vmem>>) target(%dma_start3A_81 : memref<10240x80xbf16, #tpu.memory_space<vmem_shared>>) offsets(%dma_start3A_78 : memref<128xi32, #tpu.memory_space<vmem>>) semaphore(%run_scoped3A_75 : memref<!tpu.dma_semaphore, #tpu.memory_space<semaphore_mem>>) {add = true}
        %dma_wait3A_82 = arith.constant 0 : i32
        %dma_wait3A_83 = tpu.memref_slice %arg8[%add3A_68, %dma_wait3A_82] : memref<160x128xi32, #tpu.memory_space<vmem>> -> memref<1x128xi32, #tpu.memory_space<vmem>>
        %dma_wait3A_84 = tpu.memref_squeeze %dma_wait3A_83 : memref<1x128xi32, #tpu.memory_space<vmem>> -> memref<128xi32, #tpu.memory_space<vmem>>
        %dma_wait3A_85 = arith.constant 0 : i32
        %dma_wait3A_86 = arith.constant 0 : i32
        %dma_wait3A_87 = tpu.memref_slice %arg15[%dma_wait3A_85, %dma_wait3A_86] : memref<10240x80xbf16, #tpu.memory_space<vmem_shared>> -> memref<10240x80xbf16, #tpu.memory_space<vmem_shared>>
        tpu.wait_indirect_dma semaphore(%run_scoped3A_75 : memref<!tpu.dma_semaphore, #tpu.memory_space<semaphore_mem>>) src(%arg11 : memref<128x80xbf16, #tpu.memory_space<vmem>>) dst(%dma_wait3A_87 : memref<10240x80xbf16, #tpu.memory_space<vmem_shared>>)
        tpu.yield
      }) : () -> ()
    }
    %scan3A_18 = arith.constant 53 : i32
    %dma_wait3A = arith.constant 159 : i32
    %dma_wait3A_19 = arith.constant 0 : i32
    %dma_wait3A_20 = tpu.memref_slice %arg7[%dma_wait3A, %dma_wait3A_19] : memref<160x128xi32, #tpu.memory_space<vmem>> -> memref<1x128xi32, #tpu.memory_space<vmem>>
    %dma_wait3A_21 = tpu.memref_squeeze %dma_wait3A_20 : memref<1x128xi32, #tpu.memory_space<vmem>> -> memref<128xi32, #tpu.memory_space<vmem>>
    %dma_wait3A_22 = arith.constant 0 : i32
    %dma_wait3A_23 = arith.constant 0 : i32
    %dma_wait3A_24 = tpu.memref_slice %arg2[%dma_wait3A_22, %dma_wait3A_23] : memref<20480x80xbf16, #tpu.memory_space<hbm>> -> memref<20480x80xbf16, #tpu.memory_space<hbm>>
    tpu.wait_indirect_dma semaphore(%arg12 : memref<!tpu.dma_semaphore, #tpu.memory_space<semaphore_mem>>) src(%dma_wait3A_24 : memref<20480x80xbf16, #tpu.memory_space<hbm>>) dst(%arg9 : memref<128x80xbf16, #tpu.memory_space<vmem>>)
    %run_scoped3A = arith.constant 159 : i32
    "tpu.region"() ({
      %run_scoped3A_26 = tpu.sem_alloc : memref<!tpu.dma_semaphore, #tpu.memory_space<semaphore_mem>>
      %dma_start3A_27 = arith.constant 0 : i32
      %dma_start3A_28 = tpu.memref_slice %arg8[%run_scoped3A, %dma_start3A_27] : memref<160x128xi32, #tpu.memory_space<vmem>> -> memref<1x128xi32, #tpu.memory_space<vmem>>
      %dma_start3A_29 = tpu.memref_squeeze %dma_start3A_28 : memref<1x128xi32, #tpu.memory_space<vmem>> -> memref<128xi32, #tpu.memory_space<vmem>>
      %dma_start3A_30 = arith.constant 0 : i32
      %dma_start3A_31 = arith.constant 0 : i32
      %dma_start3A_32 = tpu.memref_slice %arg15[%dma_start3A_30, %dma_start3A_31] : memref<10240x80xbf16, #tpu.memory_space<vmem_shared>> -> memref<10240x80xbf16, #tpu.memory_space<vmem_shared>>
      tpu.enqueue_indirect_dma source(%arg9 : memref<128x80xbf16, #tpu.memory_space<vmem>>) target(%dma_start3A_32 : memref<10240x80xbf16, #tpu.memory_space<vmem_shared>>) offsets(%dma_start3A_29 : memref<128xi32, #tpu.memory_space<vmem>>) semaphore(%run_scoped3A_26 : memref<!tpu.dma_semaphore, #tpu.memory_space<semaphore_mem>>) {add = true}
      %dma_wait3A_33 = arith.constant 0 : i32
      %dma_wait3A_34 = tpu.memref_slice %arg8[%run_scoped3A, %dma_wait3A_33] : memref<160x128xi32, #tpu.memory_space<vmem>> -> memref<1x128xi32, #tpu.memory_space<vmem>>
      %dma_wait3A_35 = tpu.memref_squeeze %dma_wait3A_34 : memref<1x128xi32, #tpu.memory_space<vmem>> -> memref<128xi32, #tpu.memory_space<vmem>>
      %dma_wait3A_36 = arith.constant 0 : i32
      %dma_wait3A_37 = arith.constant 0 : i32
      %dma_wait3A_38 = tpu.memref_slice %arg15[%dma_wait3A_36, %dma_wait3A_37] : memref<10240x80xbf16, #tpu.memory_space<vmem_shared>> -> memref<10240x80xbf16, #tpu.memory_space<vmem_shared>>
      tpu.wait_indirect_dma semaphore(%run_scoped3A_26 : memref<!tpu.dma_semaphore, #tpu.memory_space<semaphore_mem>>) src(%arg9 : memref<128x80xbf16, #tpu.memory_space<vmem>>) dst(%dma_wait3A_38 : memref<10240x80xbf16, #tpu.memory_space<vmem_shared>>)
      tpu.yield
    }) : () -> ()
    %barrier3A_25 = arith.constant 0 : index
    tpu.barrier barrier_id(%barrier3A_25)
    "tpu.region"() ({
      %run_scoped3A_26 = tpu.sem_alloc : memref<!tpu.dma_semaphore, #tpu.memory_space<semaphore_mem>>
      %dma_start3A_27 = arith.constant 0 : i32
      %dma_start3A_28 = tpu.memref_slice %arg6[%arg0, %mul3A_0, %dma_start3A_27] : memref<2x10240x80xbf16, #tpu.memory_space<hbm>> -> memref<1x640x80xbf16, #tpu.memory_space<hbm>>
      %dma_start3A_29 = tpu.memref_squeeze %dma_start3A_28 : memref<1x640x80xbf16, #tpu.memory_space<hbm>> -> memref<640x80xbf16, #tpu.memory_space<hbm>>
      %dma_start3A_30 = arith.constant 0 : i32
      %dma_start3A_31 = tpu.memref_slice %arg15[%mul3A_0, %dma_start3A_30] : memref<10240x80xbf16, #tpu.memory_space<vmem_shared>> -> memref<640x80xbf16, #tpu.memory_space<vmem_shared>>
      tpu.enqueue_dma source(%dma_start3A_31 : memref<640x80xbf16, #tpu.memory_space<vmem_shared>>) target(%dma_start3A_29 : memref<640x80xbf16, #tpu.memory_space<hbm>>) target_semaphore(%run_scoped3A_26 : memref<!tpu.dma_semaphore, #tpu.memory_space<semaphore_mem>>)
      %dma_wait3A_32 = arith.constant 0 : i32
      %dma_wait3A_33 = tpu.memref_slice %arg6[%arg0, %mul3A_0, %dma_wait3A_32] : memref<2x10240x80xbf16, #tpu.memory_space<hbm>> -> memref<1x640x80xbf16, #tpu.memory_space<hbm>>
      %dma_wait3A_34 = tpu.memref_squeeze %dma_wait3A_33 : memref<1x640x80xbf16, #tpu.memory_space<hbm>> -> memref<640x80xbf16, #tpu.memory_space<hbm>>
      %dma_wait3A_35 = arith.constant 0 : i32
      %dma_wait3A_36 = tpu.memref_slice %arg15[%mul3A_0, %dma_wait3A_35] : memref<10240x80xbf16, #tpu.memory_space<vmem_shared>> -> memref<640x80xbf16, #tpu.memory_space<vmem_shared>>
      tpu.wait_dma2 semaphore(%run_scoped3A_26 : memref<!tpu.dma_semaphore, #tpu.memory_space<semaphore_mem>>) src(%dma_wait3A_36 : memref<640x80xbf16, #tpu.memory_space<vmem_shared>>) dst(%dma_wait3A_34 : memref<640x80xbf16, #tpu.memory_space<hbm>>)
      tpu.yield
    }) : () -> ()
    return
  }
}

module attributes {stable_mosaic.version = 14 : i64} {
  func.func @_embed_body(%arg0: i32, %arg1: memref<2048x160xf32, #tpu.memory_space<vmem>>, %arg2: memref<160x160xf32, #tpu.memory_space<vmem>>, %arg3: memref<1x160xf32, #tpu.memory_space<vmem>>, %arg4: memref<2x2x2048x8xf32, #tpu.memory_space<vmem>>, %arg5: memref<2048x160xf32, #tpu.memory_space<vmem>>, %arg6: memref<2x2048x80xbf16, #tpu.memory_space<vmem>>, %arg7: memref<2048x1xf32, #tpu.memory_space<vmem>>, %arg8: memref<2048x1xf32, #tpu.memory_space<vmem>>) attributes {dimension_semantics = [#tpu.dimension_semantics<arbitrary>], iteration_bounds = array<i64: 5>, scalar_prefetch = 0 : i64, scratch_operands = 0 : i64, tpu.core_type = #tpu.core_type<tc>, window_params = [{transform_indices = @transform_0, window_bounds = array<i64: 2048, 160>}, {pipeline_mode = #tpu.pipeline_mode<synchronous>, transform_indices = @transform_1, window_bounds = array<i64: 160, 160>}, {pipeline_mode = #tpu.pipeline_mode<synchronous>, transform_indices = @transform_2, window_bounds = array<i64: 1, 160>}, {transform_indices = @transform_3, window_bounds = array<i64: 2, 2, 2048, 8>}, {transform_indices = @transform_4, window_bounds = array<i64: 2048, 160>}, {transform_indices = @transform_5, window_bounds = array<i64: 2, 2048, 80>}, {transform_indices = @transform_6, window_bounds = array<i64: 2048, 1>}, {transform_indices = @transform_7, window_bounds = array<i64: 2048, 1>}]} {
    %get3A = arith.constant 0 : index
    %get3A_0 = arith.constant 0 : index
    %get3A_1 = vector.load %arg1[%get3A, %get3A_0] : memref<2048x160xf32, #tpu.memory_space<vmem>>, vector<2048x160xf32>
    %get3A_2 = arith.constant 0 : index
    %get3A_3 = arith.constant 0 : index
    %get3A_4 = vector.load %arg2[%get3A_2, %get3A_3] : memref<160x160xf32, #tpu.memory_space<vmem>>, vector<160x160xf32>
    %dot_general3A = arith.constant dense<0.000000e+00> : vector<2048x160xf32>
    %dot_general3A_5 = tpu.matmul %get3A_1, %get3A_4, %dot_general3A {dimension_numbers = #tpu.dot_dimension_numbers<[1], [0], [0], [1], [0, 0, 1, 1], [], []>, transpose_lhs_hint = false} : vector<2048x160xf32>, vector<160x160xf32>, vector<2048x160xf32> -> vector<2048x160xf32>
    %get3A_6 = arith.constant 0 : index
    %get3A_7 = arith.constant 0 : index
    %get3A_8 = vector.load %arg3[%get3A_6, %get3A_7] : memref<1x160xf32, #tpu.memory_space<vmem>>, vector<1x160xf32>
    %add3A = vector.broadcast %get3A_8 : vector<1x160xf32> to vector<2048x160xf32>
    %add3A_9 = arith.addf %dot_general3A_5, %add3A : vector<2048x160xf32>
    %get3A_10 = arith.constant 0 : index
    %get3A_11 = arith.constant 0 : index
    %get3A_12 = arith.constant 0 : index
    %get3A_13 = arith.constant 0 : index
    %get3A_14 = vector.load %arg4[%get3A_10, %get3A_11, %get3A_12, %get3A_13] : memref<2x2x2048x8xf32, #tpu.memory_space<vmem>>, vector<1x1x2048x1xf32>
    %get3A_15 = vector.shape_cast %get3A_14 : vector<1x1x2048x1xf32> to vector<2048x1xf32>
    %get3A_16 = arith.constant 1 : index
    %get3A_17 = arith.constant 0 : index
    %get3A_18 = arith.constant 0 : index
    %get3A_19 = arith.constant 0 : index
    %get3A_20 = vector.load %arg4[%get3A_16, %get3A_17, %get3A_18, %get3A_19] : memref<2x2x2048x8xf32, #tpu.memory_space<vmem>>, vector<1x1x2048x1xf32>
    %get3A_21 = vector.shape_cast %get3A_20 : vector<1x1x2048x1xf32> to vector<2048x1xf32>
    %add3A_22 = arith.addf %get3A_15, %get3A_21 : vector<2048x1xf32>
    %get3A_23 = arith.constant 0 : index
    %get3A_24 = arith.constant 1 : index
    %get3A_25 = arith.constant 0 : index
    %get3A_26 = arith.constant 0 : index
    %get3A_27 = vector.load %arg4[%get3A_23, %get3A_24, %get3A_25, %get3A_26] : memref<2x2x2048x8xf32, #tpu.memory_space<vmem>>, vector<1x1x2048x1xf32>
    %get3A_28 = vector.shape_cast %get3A_27 : vector<1x1x2048x1xf32> to vector<2048x1xf32>
    %get3A_29 = arith.constant 1 : index
    %get3A_30 = arith.constant 1 : index
    %get3A_31 = arith.constant 0 : index
    %get3A_32 = arith.constant 0 : index
    %get3A_33 = vector.load %arg4[%get3A_29, %get3A_30, %get3A_31, %get3A_32] : memref<2x2x2048x8xf32, #tpu.memory_space<vmem>>, vector<1x1x2048x1xf32>
    %get3A_34 = vector.shape_cast %get3A_33 : vector<1x1x2048x1xf32> to vector<2048x1xf32>
    %add3A_35 = arith.addf %get3A_28, %get3A_34 : vector<2048x1xf32>
    %max3A = arith.constant 1.000000e+00 : f32
    %max3A_36 = vector.broadcast %max3A : f32 to vector<2048x1xf32>
    %max3A_37 = arith.maximumf %add3A_22, %max3A_36 : vector<2048x1xf32>
    %rsqrt3A = math.rsqrt %max3A_37 : vector<2048x1xf32>
    %max3A_38 = arith.constant 1.000000e+00 : f32
    %max3A_39 = vector.broadcast %max3A_38 : f32 to vector<2048x1xf32>
    %max3A_40 = arith.maximumf %add3A_35, %max3A_39 : vector<2048x1xf32>
    %rsqrt3A_41 = math.rsqrt %max3A_40 : vector<2048x1xf32>
    %swap3A = arith.constant 0 : index
    %swap3A_42 = arith.constant 0 : index
    %swap3A_43 = vector.load %arg5[%swap3A, %swap3A_42] : memref<2048x160xf32, #tpu.memory_space<vmem>>, vector<2048x160xf32>
    tpu.vector_store %arg5[%swap3A, %swap3A_42], %add3A_9 {strides = array<i32>} : memref<2048x160xf32, #tpu.memory_space<vmem>>, vector<2048x160xf32>,
    %mul3A = vector.broadcast %rsqrt3A : vector<2048x1xf32> to vector<2048x160xf32>
    %mul3A_44 = arith.mulf %add3A_9, %mul3A : vector<2048x160xf32>
    %convert_element_type3A = arith.truncf %mul3A_44 : vector<2048x160xf32> to vector<2048x160xbf16>
    %slice3A = vector.extract_strided_slice %convert_element_type3A {offsets = [0, 0], sizes = [2048, 80], strides = [1, 1]} : vector<2048x160xbf16> to vector<2048x80xbf16>
    %swap3A_45 = arith.constant 0 : index
    %swap3A_46 = arith.constant 0 : index
    %swap3A_47 = arith.constant 0 : index
    %swap3A_48 = vector.load %arg6[%swap3A_45, %swap3A_46, %swap3A_47] : memref<2x2048x80xbf16, #tpu.memory_space<vmem>>, vector<1x2048x80xbf16>
    %swap3A_49 = vector.shape_cast %swap3A_48 : vector<1x2048x80xbf16> to vector<2048x80xbf16>
    %swap3A_50 = vector.shape_cast %slice3A : vector<2048x80xbf16> to vector<1x2048x80xbf16>
    tpu.vector_store %arg6[%swap3A_45, %swap3A_46, %swap3A_47], %swap3A_50 {strides = array<i32>} : memref<2x2048x80xbf16, #tpu.memory_space<vmem>>, vector<1x2048x80xbf16>,
    %slice3A_51 = vector.extract_strided_slice %convert_element_type3A {offsets = [0, 80], sizes = [2048, 80], strides = [1, 1]} : vector<2048x160xbf16> to vector<2048x80xbf16>
    %swap3A_52 = arith.constant 1 : index
    %swap3A_53 = arith.constant 0 : index
    %swap3A_54 = arith.constant 0 : index
    %swap3A_55 = vector.load %arg6[%swap3A_52, %swap3A_53, %swap3A_54] : memref<2x2048x80xbf16, #tpu.memory_space<vmem>>, vector<1x2048x80xbf16>
    %swap3A_56 = vector.shape_cast %swap3A_55 : vector<1x2048x80xbf16> to vector<2048x80xbf16>
    %swap3A_57 = vector.shape_cast %slice3A_51 : vector<2048x80xbf16> to vector<1x2048x80xbf16>
    tpu.vector_store %arg6[%swap3A_52, %swap3A_53, %swap3A_54], %swap3A_57 {strides = array<i32>} : memref<2x2048x80xbf16, #tpu.memory_space<vmem>>, vector<1x2048x80xbf16>,
    %swap3A_58 = arith.constant 0 : index
    %swap3A_59 = arith.constant 0 : index
    %swap3A_60 = vector.load %arg7[%swap3A_58, %swap3A_59] : memref<2048x1xf32, #tpu.memory_space<vmem>>, vector<2048x1xf32>
    tpu.vector_store %arg7[%swap3A_58, %swap3A_59], %rsqrt3A {strides = array<i32>} : memref<2048x1xf32, #tpu.memory_space<vmem>>, vector<2048x1xf32>,
    %swap3A_61 = arith.constant 0 : index
    %swap3A_62 = arith.constant 0 : index
    %swap3A_63 = vector.load %arg8[%swap3A_61, %swap3A_62] : memref<2048x1xf32, #tpu.memory_space<vmem>>, vector<2048x1xf32>
    tpu.vector_store %arg8[%swap3A_61, %swap3A_62], %rsqrt3A_41 {strides = array<i32>} : memref<2048x1xf32, #tpu.memory_space<vmem>>, vector<2048x1xf32>,
    return
  }
  func.func @transform_0(%arg0: i32) -> (i32, i32) {
    %c0_i32 = arith.constant 0 : i32
    %c0_i32_0 = arith.constant 0 : i32
    return %arg0, %c0_i32 : i32, i32
  }
  func.func @transform_1(%arg0: i32) -> (i32, i32) {
    %c0_i32 = arith.constant 0 : i32
    %c0_i32_0 = arith.constant 0 : i32
    %c0_i32_1 = arith.constant 0 : i32
    return %c0_i32, %c0_i32_0 : i32, i32
  }
  func.func @transform_2(%arg0: i32) -> (i32, i32) {
    %c0_i32 = arith.constant 0 : i32
    %c0_i32_0 = arith.constant 0 : i32
    %c0_i32_1 = arith.constant 0 : i32
    return %c0_i32, %c0_i32_0 : i32, i32
  }
  func.func @transform_3(%arg0: i32) -> (i32, i32, i32, i32) {
    %c0_i32 = arith.constant 0 : i32
    %c0_i32_0 = arith.constant 0 : i32
    %c0_i32_1 = arith.constant 0 : i32
    %c0_i32_2 = arith.constant 0 : i32
    return %c0_i32, %c0_i32_0, %arg0, %c0_i32_1 : i32, i32, i32, i32
  }
  func.func @transform_4(%arg0: i32) -> (i32, i32) {
    %c0_i32 = arith.constant 0 : i32
    %c0_i32_0 = arith.constant 0 : i32
    return %arg0, %c0_i32 : i32, i32
  }
  func.func @transform_5(%arg0: i32) -> (i32, i32, i32) {
    %c0_i32 = arith.constant 0 : i32
    %c0_i32_0 = arith.constant 0 : i32
    %c0_i32_1 = arith.constant 0 : i32
    return %c0_i32, %arg0, %c0_i32_0 : i32, i32, i32
  }
  func.func @transform_6(%arg0: i32) -> (i32, i32) {
    %c0_i32 = arith.constant 0 : i32
    %c0_i32_0 = arith.constant 0 : i32
    return %arg0, %c0_i32 : i32, i32
  }
  func.func @transform_7(%arg0: i32) -> (i32, i32) {
    %c0_i32 = arith.constant 0 : i32
    %c0_i32_0 = arith.constant 0 : i32
    return %arg0, %c0_i32 : i32, i32
  }
}

module attributes {stable_mosaic.version = 14 : i64} {
  func.func @_pre_body(%arg0: i32, %arg1: memref<2x2048x80xbf16, #tpu.memory_space<vmem>>, %arg2: memref<2048x1xf32, #tpu.memory_space<vmem>>, %arg3: memref<2048x1xf32, #tpu.memory_space<vmem>>, %arg4: memref<160x160xf32, #tpu.memory_space<vmem>>, %arg5: memref<1x160xf32, #tpu.memory_space<vmem>>, %arg6: memref<2048x160xf32, #tpu.memory_space<vmem>>, %arg7: memref<1x160xf32, #tpu.memory_space<vmem>>, %arg8: memref<1x160xf32, #tpu.memory_space<vmem>>) attributes {dimension_semantics = [#tpu.dimension_semantics<arbitrary>], iteration_bounds = array<i64: 5>, scalar_prefetch = 0 : i64, scratch_operands = 0 : i64, tpu.core_type = #tpu.core_type<tc>, window_params = [{transform_indices = @transform_0, window_bounds = array<i64: 2, 2048, 80>}, {transform_indices = @transform_1, window_bounds = array<i64: 2048, 1>}, {transform_indices = @transform_2, window_bounds = array<i64: 2048, 1>}, {pipeline_mode = #tpu.pipeline_mode<synchronous>, transform_indices = @transform_3, window_bounds = array<i64: 160, 160>}, {pipeline_mode = #tpu.pipeline_mode<synchronous>, transform_indices = @transform_4, window_bounds = array<i64: 1, 160>}, {transform_indices = @transform_5, window_bounds = array<i64: 2048, 160>}, {pipeline_mode = #tpu.pipeline_mode<synchronous>, transform_indices = @transform_6, window_bounds = array<i64: 1, 160>}, {pipeline_mode = #tpu.pipeline_mode<synchronous>, transform_indices = @transform_7, window_bounds = array<i64: 1, 160>}]} {
    %get3A = arith.constant 0 : index
    %get3A_0 = arith.constant 0 : index
    %get3A_1 = arith.constant 0 : index
    %get3A_2 = vector.load %arg1[%get3A, %get3A_0, %get3A_1] : memref<2x2048x80xbf16, #tpu.memory_space<vmem>>, vector<1x2048x80xbf16>
    %get3A_3 = vector.shape_cast %get3A_2 : vector<1x2048x80xbf16> to vector<2048x80xbf16>
    %get3A_4 = arith.constant 1 : index
    %get3A_5 = arith.constant 0 : index
    %get3A_6 = arith.constant 0 : index
    %get3A_7 = vector.load %arg1[%get3A_4, %get3A_5, %get3A_6] : memref<2x2048x80xbf16, #tpu.memory_space<vmem>>, vector<1x2048x80xbf16>
    %get3A_8 = vector.shape_cast %get3A_7 : vector<1x2048x80xbf16> to vector<2048x80xbf16>
    %concatenate3A = tpu.concatenate %get3A_3, %get3A_8 in 1 : vector<2048x80xbf16>, vector<2048x80xbf16> -> vector<2048x160xbf16>
    %convert_element_type3A = arith.extf %concatenate3A : vector<2048x160xbf16> to vector<2048x160xf32>
    %get3A_9 = arith.constant 0 : index
    %get3A_10 = arith.constant 0 : index
    %get3A_11 = vector.load %arg2[%get3A_9, %get3A_10] : memref<2048x1xf32, #tpu.memory_space<vmem>>, vector<2048x1xf32>
    %mul3A = vector.broadcast %get3A_11 : vector<2048x1xf32> to vector<2048x160xf32>
    %mul3A_12 = arith.mulf %convert_element_type3A, %mul3A : vector<2048x160xf32>
    %get3A_13 = arith.constant 0 : index
    %get3A_14 = arith.constant 0 : index
    %get3A_15 = vector.load %arg4[%get3A_13, %get3A_14] : memref<160x160xf32, #tpu.memory_space<vmem>>, vector<160x160xf32>
    %dot_general3A = arith.constant dense<0.000000e+00> : vector<2048x160xf32>
    %dot_general3A_16 = tpu.matmul %mul3A_12, %get3A_15, %dot_general3A {dimension_numbers = #tpu.dot_dimension_numbers<[1], [0], [0], [1], [0, 0, 1, 1], [], []>, transpose_lhs_hint = false} : vector<2048x160xf32>, vector<160x160xf32>, vector<2048x160xf32> -> vector<2048x160xf32>
    %get3A_17 = arith.constant 0 : index
    %get3A_18 = arith.constant 0 : index
    %get3A_19 = vector.load %arg5[%get3A_17, %get3A_18] : memref<1x160xf32, #tpu.memory_space<vmem>>, vector<1x160xf32>
    %add3A = vector.broadcast %get3A_19 : vector<1x160xf32> to vector<2048x160xf32>
    %add3A_20 = arith.addf %dot_general3A_16, %add3A : vector<2048x160xf32>
    %get3A_21 = arith.constant 0 : index
    %get3A_22 = arith.constant 0 : index
    %get3A_23 = vector.load %arg3[%get3A_21, %get3A_22] : memref<2048x1xf32, #tpu.memory_space<vmem>>, vector<2048x1xf32>
    %mul3A_24 = vector.broadcast %get3A_23 : vector<2048x1xf32> to vector<2048x160xf32>
    %mul3A_25 = arith.mulf %add3A_20, %mul3A_24 : vector<2048x160xf32>
    %swap3A = arith.constant 0 : index
    %swap3A_26 = arith.constant 0 : index
    %swap3A_27 = vector.load %arg6[%swap3A, %swap3A_26] : memref<2048x160xf32, #tpu.memory_space<vmem>>, vector<2048x160xf32>
    tpu.vector_store %arg6[%swap3A, %swap3A_26], %mul3A_25 {strides = array<i32>} : memref<2048x160xf32, #tpu.memory_space<vmem>>, vector<2048x160xf32>,
    %eq3A = arith.constant 0 : i32
    %eq3A_28 = arith.cmpi eq, %arg0, %eq3A : i32
    %convert_element_type3A_29 = arith.extui %eq3A_28 : i1 to i32
    %cond3A = arith.constant 0 : i32
    %cond3A_30 = arith.cmpi ne, %convert_element_type3A_29, %cond3A : i32
    scf.if %cond3A_30 {
      %broadcast_in_dim3A_50 = arith.constant 0.000000e+00 : f32
      %broadcast_in_dim3A_51 = vector.broadcast %broadcast_in_dim3A_50 : f32 to vector<1x160xf32>
      %swap3A_52 = arith.constant 0 : index
      %swap3A_53 = arith.constant 0 : index
      %swap3A_54 = vector.load %arg7[%swap3A_52, %swap3A_53] : memref<1x160xf32, #tpu.memory_space<vmem>>, vector<1x160xf32>
      tpu.vector_store %arg7[%swap3A_52, %swap3A_53], %broadcast_in_dim3A_51 {strides = array<i32>} : memref<1x160xf32, #tpu.memory_space<vmem>>, vector<1x160xf32>,
      %broadcast_in_dim3A_55 = arith.constant 0.000000e+00 : f32
      %broadcast_in_dim3A_56 = vector.broadcast %broadcast_in_dim3A_55 : f32 to vector<1x160xf32>
      %swap3A_57 = arith.constant 0 : index
      %swap3A_58 = arith.constant 0 : index
      %swap3A_59 = vector.load %arg8[%swap3A_57, %swap3A_58] : memref<1x160xf32, #tpu.memory_space<vmem>>, vector<1x160xf32>
      tpu.vector_store %arg8[%swap3A_57, %swap3A_58], %broadcast_in_dim3A_56 {strides = array<i32>} : memref<1x160xf32, #tpu.memory_space<vmem>>, vector<1x160xf32>,
    } else {
    }
    %get3A_31 = arith.constant 0 : index
    %get3A_32 = arith.constant 0 : index
    %get3A_33 = vector.load %arg7[%get3A_31, %get3A_32] : memref<1x160xf32, #tpu.memory_space<vmem>>, vector<1x160xf32>
    %reduce_sum3A = arith.constant dense<0.000000e+00> : vector<160xf32>
    %reduce_sum3A_34 = vector.multi_reduction <add>, %mul3A_25, %reduce_sum3A [0] : vector<2048x160xf32> to vector<160xf32>
    %broadcast_in_dim3A = vector.shape_cast %reduce_sum3A_34 : vector<160xf32> to vector<1x160xf32>
    %add3A_35 = arith.addf %get3A_33, %broadcast_in_dim3A : vector<1x160xf32>
    %swap3A_36 = arith.constant 0 : index
    %swap3A_37 = arith.constant 0 : index
    %swap3A_38 = vector.load %arg7[%swap3A_36, %swap3A_37] : memref<1x160xf32, #tpu.memory_space<vmem>>, vector<1x160xf32>
    tpu.vector_store %arg7[%swap3A_36, %swap3A_37], %add3A_35 {strides = array<i32>} : memref<1x160xf32, #tpu.memory_space<vmem>>, vector<1x160xf32>,
    %get3A_39 = arith.constant 0 : index
    %get3A_40 = arith.constant 0 : index
    %get3A_41 = vector.load %arg8[%get3A_39, %get3A_40] : memref<1x160xf32, #tpu.memory_space<vmem>>, vector<1x160xf32>
    %mul3A_42 = arith.mulf %mul3A_25, %mul3A_25 : vector<2048x160xf32>
    %reduce_sum3A_43 = arith.constant dense<0.000000e+00> : vector<160xf32>
    %reduce_sum3A_44 = vector.multi_reduction <add>, %mul3A_42, %reduce_sum3A_43 [0] : vector<2048x160xf32> to vector<160xf32>
    %broadcast_in_dim3A_45 = vector.shape_cast %reduce_sum3A_44 : vector<160xf32> to vector<1x160xf32>
    %add3A_46 = arith.addf %get3A_41, %broadcast_in_dim3A_45 : vector<1x160xf32>
    %swap3A_47 = arith.constant 0 : index
    %swap3A_48 = arith.constant 0 : index
    %swap3A_49 = vector.load %arg8[%swap3A_47, %swap3A_48] : memref<1x160xf32, #tpu.memory_space<vmem>>, vector<1x160xf32>
    tpu.vector_store %arg8[%swap3A_47, %swap3A_48], %add3A_46 {strides = array<i32>} : memref<1x160xf32, #tpu.memory_space<vmem>>, vector<1x160xf32>,
    return
  }
  func.func @transform_0(%arg0: i32) -> (i32, i32, i32) {
    %c0_i32 = arith.constant 0 : i32
    %c0_i32_0 = arith.constant 0 : i32
    %c0_i32_1 = arith.constant 0 : i32
    return %c0_i32, %arg0, %c0_i32_0 : i32, i32, i32
  }
  func.func @transform_1(%arg0: i32) -> (i32, i32) {
    %c0_i32 = arith.constant 0 : i32
    %c0_i32_0 = arith.constant 0 : i32
    return %arg0, %c0_i32 : i32, i32
  }
  func.func @transform_2(%arg0: i32) -> (i32, i32) {
    %c0_i32 = arith.constant 0 : i32
    %c0_i32_0 = arith.constant 0 : i32
    return %arg0, %c0_i32 : i32, i32
  }
  func.func @transform_3(%arg0: i32) -> (i32, i32) {
    %c0_i32 = arith.constant 0 : i32
    %c0_i32_0 = arith.constant 0 : i32
    %c0_i32_1 = arith.constant 0 : i32
    return %c0_i32, %c0_i32_0 : i32, i32
  }
  func.func @transform_4(%arg0: i32) -> (i32, i32) {
    %c0_i32 = arith.constant 0 : i32
    %c0_i32_0 = arith.constant 0 : i32
    %c0_i32_1 = arith.constant 0 : i32
    return %c0_i32, %c0_i32_0 : i32, i32
  }
  func.func @transform_5(%arg0: i32) -> (i32, i32) {
    %c0_i32 = arith.constant 0 : i32
    %c0_i32_0 = arith.constant 0 : i32
    return %arg0, %c0_i32 : i32, i32
  }
  func.func @transform_6(%arg0: i32) -> (i32, i32) {
    %c0_i32 = arith.constant 0 : i32
    %c0_i32_0 = arith.constant 0 : i32
    %c0_i32_1 = arith.constant 0 : i32
    return %c0_i32, %c0_i32_0 : i32, i32
  }
  func.func @transform_7(%arg0: i32) -> (i32, i32) {
    %c0_i32 = arith.constant 0 : i32
    %c0_i32_0 = arith.constant 0 : i32
    %c0_i32_1 = arith.constant 0 : i32
    return %c0_i32, %c0_i32_0 : i32, i32
  }
}

module attributes {stable_mosaic.version = 14 : i64} {
  func.func @_post_body(%arg0: i32, %arg1: memref<2048x160xf32, #tpu.memory_space<vmem>>, %arg2: memref<2048x160xf32, #tpu.memory_space<vmem>>, %arg3: memref<1x160xf32, #tpu.memory_space<vmem>>, %arg4: memref<1x160xf32, #tpu.memory_space<vmem>>, %arg5: memref<1x160xf32, #tpu.memory_space<vmem>>, %arg6: memref<1x160xf32, #tpu.memory_space<vmem>>, %arg7: memref<2048x1xf32, #tpu.memory_space<vmem>>, %arg8: memref<2048x160xf32, #tpu.memory_space<vmem>>, %arg9: memref<2x2048x80xbf16, #tpu.memory_space<vmem>>) attributes {dimension_semantics = [#tpu.dimension_semantics<arbitrary>], iteration_bounds = array<i64: 5>, scalar_prefetch = 0 : i64, scratch_operands = 0 : i64, tpu.core_type = #tpu.core_type<tc>, window_params = [{transform_indices = @transform_0, window_bounds = array<i64: 2048, 160>}, {transform_indices = @transform_1, window_bounds = array<i64: 2048, 160>}, {pipeline_mode = #tpu.pipeline_mode<synchronous>, transform_indices = @transform_2, window_bounds = array<i64: 1, 160>}, {pipeline_mode = #tpu.pipeline_mode<synchronous>, transform_indices = @transform_3, window_bounds = array<i64: 1, 160>}, {pipeline_mode = #tpu.pipeline_mode<synchronous>, transform_indices = @transform_4, window_bounds = array<i64: 1, 160>}, {pipeline_mode = #tpu.pipeline_mode<synchronous>, transform_indices = @transform_5, window_bounds = array<i64: 1, 160>}, {transform_indices = @transform_6, window_bounds = array<i64: 2048, 1>}, {transform_indices = @transform_7, window_bounds = array<i64: 2048, 160>}, {transform_indices = @transform_8, window_bounds = array<i64: 2, 2048, 80>}]} {
    %get3A = arith.constant 0 : index
    %get3A_0 = arith.constant 0 : index
    %get3A_1 = vector.load %arg3[%get3A, %get3A_0] : memref<1x160xf32, #tpu.memory_space<vmem>>, vector<1x160xf32>
    %mul3A = arith.constant 9.99999974E-5 : f32
    %mul3A_2 = vector.broadcast %mul3A : f32 to vector<1x160xf32>
    %mul3A_3 = arith.mulf %get3A_1, %mul3A_2 : vector<1x160xf32>
    %get3A_4 = arith.constant 0 : index
    %get3A_5 = arith.constant 0 : index
    %get3A_6 = vector.load %arg4[%get3A_4, %get3A_5] : memref<1x160xf32, #tpu.memory_space<vmem>>, vector<1x160xf32>
    %mul3A_7 = arith.constant 9.99999974E-5 : f32
    %mul3A_8 = vector.broadcast %mul3A_7 : f32 to vector<1x160xf32>
    %mul3A_9 = arith.mulf %get3A_6, %mul3A_8 : vector<1x160xf32>
    %mul3A_10 = arith.mulf %mul3A_3, %mul3A_3 : vector<1x160xf32>
    %sub3A = arith.subf %mul3A_9, %mul3A_10 : vector<1x160xf32>
    %get3A_11 = arith.constant 0 : index
    %get3A_12 = arith.constant 0 : index
    %get3A_13 = vector.load %arg1[%get3A_11, %get3A_12] : memref<2048x160xf32, #tpu.memory_space<vmem>>, vector<2048x160xf32>
    %get3A_14 = arith.constant 0 : index
    %get3A_15 = arith.constant 0 : index
    %get3A_16 = vector.load %arg5[%get3A_14, %get3A_15] : memref<1x160xf32, #tpu.memory_space<vmem>>, vector<1x160xf32>
    %sub3A_17 = vector.broadcast %mul3A_3 : vector<1x160xf32> to vector<2048x160xf32>
    %sub3A_18 = arith.subf %get3A_13, %sub3A_17 : vector<2048x160xf32>
    %mul3A_19 = vector.broadcast %get3A_16 : vector<1x160xf32> to vector<2048x160xf32>
    %mul3A_20 = arith.mulf %mul3A_19, %sub3A_18 : vector<2048x160xf32>
    %add3A = arith.constant 9.99999974E-6 : f32
    %add3A_21 = vector.broadcast %add3A : f32 to vector<1x160xf32>
    %add3A_22 = arith.addf %sub3A, %add3A_21 : vector<1x160xf32>
    %rsqrt3A = math.rsqrt %add3A_22 : vector<1x160xf32>
    %mul3A_23 = vector.broadcast %rsqrt3A : vector<1x160xf32> to vector<2048x160xf32>
    %mul3A_24 = arith.mulf %mul3A_20, %mul3A_23 : vector<2048x160xf32>
    %get3A_25 = arith.constant 0 : index
    %get3A_26 = arith.constant 0 : index
    %get3A_27 = vector.load %arg6[%get3A_25, %get3A_26] : memref<1x160xf32, #tpu.memory_space<vmem>>, vector<1x160xf32>
    %add3A_28 = vector.broadcast %get3A_27 : vector<1x160xf32> to vector<2048x160xf32>
    %add3A_29 = arith.addf %mul3A_24, %add3A_28 : vector<2048x160xf32>
    %get3A_30 = arith.constant 0 : index
    %get3A_31 = arith.constant 0 : index
    %get3A_32 = vector.load %arg2[%get3A_30, %get3A_31] : memref<2048x160xf32, #tpu.memory_space<vmem>>, vector<2048x160xf32>
    %max3A = arith.constant 0.000000e+00 : f32
    %max3A_33 = vector.broadcast %max3A : f32 to vector<2048x160xf32>
    %max3A_34 = arith.maximumf %add3A_29, %max3A_33 : vector<2048x160xf32>
    %add3A_35 = arith.addf %get3A_32, %max3A_34 : vector<2048x160xf32>
    %swap3A = arith.constant 0 : index
    %swap3A_36 = arith.constant 0 : index
    %swap3A_37 = vector.load %arg8[%swap3A, %swap3A_36] : memref<2048x160xf32, #tpu.memory_space<vmem>>, vector<2048x160xf32>
    tpu.vector_store %arg8[%swap3A, %swap3A_36], %add3A_35 {strides = array<i32>} : memref<2048x160xf32, #tpu.memory_space<vmem>>, vector<2048x160xf32>,
    %get3A_38 = arith.constant 0 : index
    %get3A_39 = arith.constant 0 : index
    %get3A_40 = vector.load %arg7[%get3A_38, %get3A_39] : memref<2048x1xf32, #tpu.memory_space<vmem>>, vector<2048x1xf32>
    %mul3A_41 = vector.broadcast %get3A_40 : vector<2048x1xf32> to vector<2048x160xf32>
    %mul3A_42 = arith.mulf %add3A_35, %mul3A_41 : vector<2048x160xf32>
    %convert_element_type3A = arith.truncf %mul3A_42 : vector<2048x160xf32> to vector<2048x160xbf16>
    %slice3A = vector.extract_strided_slice %convert_element_type3A {offsets = [0, 0], sizes = [2048, 80], strides = [1, 1]} : vector<2048x160xbf16> to vector<2048x80xbf16>
    %swap3A_43 = arith.constant 0 : index
    %swap3A_44 = arith.constant 0 : index
    %swap3A_45 = arith.constant 0 : index
    %swap3A_46 = vector.load %arg9[%swap3A_43, %swap3A_44, %swap3A_45] : memref<2x2048x80xbf16, #tpu.memory_space<vmem>>, vector<1x2048x80xbf16>
    %swap3A_47 = vector.shape_cast %swap3A_46 : vector<1x2048x80xbf16> to vector<2048x80xbf16>
    %swap3A_48 = vector.shape_cast %slice3A : vector<2048x80xbf16> to vector<1x2048x80xbf16>
    tpu.vector_store %arg9[%swap3A_43, %swap3A_44, %swap3A_45], %swap3A_48 {strides = array<i32>} : memref<2x2048x80xbf16, #tpu.memory_space<vmem>>, vector<1x2048x80xbf16>,
    %slice3A_49 = vector.extract_strided_slice %convert_element_type3A {offsets = [0, 80], sizes = [2048, 80], strides = [1, 1]} : vector<2048x160xbf16> to vector<2048x80xbf16>
    %swap3A_50 = arith.constant 1 : index
    %swap3A_51 = arith.constant 0 : index
    %swap3A_52 = arith.constant 0 : index
    %swap3A_53 = vector.load %arg9[%swap3A_50, %swap3A_51, %swap3A_52] : memref<2x2048x80xbf16, #tpu.memory_space<vmem>>, vector<1x2048x80xbf16>
    %swap3A_54 = vector.shape_cast %swap3A_53 : vector<1x2048x80xbf16> to vector<2048x80xbf16>
    %swap3A_55 = vector.shape_cast %slice3A_49 : vector<2048x80xbf16> to vector<1x2048x80xbf16>
    tpu.vector_store %arg9[%swap3A_50, %swap3A_51, %swap3A_52], %swap3A_55 {strides = array<i32>} : memref<2x2048x80xbf16, #tpu.memory_space<vmem>>, vector<1x2048x80xbf16>,
    return
  }
  func.func @transform_0(%arg0: i32) -> (i32, i32) {
    %c0_i32 = arith.constant 0 : i32
    %c0_i32_0 = arith.constant 0 : i32
    return %arg0, %c0_i32 : i32, i32
  }
  func.func @transform_1(%arg0: i32) -> (i32, i32) {
    %c0_i32 = arith.constant 0 : i32
    %c0_i32_0 = arith.constant 0 : i32
    return %arg0, %c0_i32 : i32, i32
  }
  func.func @transform_2(%arg0: i32) -> (i32, i32) {
    %c0_i32 = arith.constant 0 : i32
    %c0_i32_0 = arith.constant 0 : i32
    %c0_i32_1 = arith.constant 0 : i32
    return %c0_i32, %c0_i32_0 : i32, i32
  }
  func.func @transform_3(%arg0: i32) -> (i32, i32) {
    %c0_i32 = arith.constant 0 : i32
    %c0_i32_0 = arith.constant 0 : i32
    %c0_i32_1 = arith.constant 0 : i32
    return %c0_i32, %c0_i32_0 : i32, i32
  }
  func.func @transform_4(%arg0: i32) -> (i32, i32) {
    %c0_i32 = arith.constant 0 : i32
    %c0_i32_0 = arith.constant 0 : i32
    %c0_i32_1 = arith.constant 0 : i32
    return %c0_i32, %c0_i32_0 : i32, i32
  }
  func.func @transform_5(%arg0: i32) -> (i32, i32) {
    %c0_i32 = arith.constant 0 : i32
    %c0_i32_0 = arith.constant 0 : i32
    %c0_i32_1 = arith.constant 0 : i32
    return %c0_i32, %c0_i32_0 : i32, i32
  }
  func.func @transform_6(%arg0: i32) -> (i32, i32) {
    %c0_i32 = arith.constant 0 : i32
    %c0_i32_0 = arith.constant 0 : i32
    return %arg0, %c0_i32 : i32, i32
  }
  func.func @transform_7(%arg0: i32) -> (i32, i32) {
    %c0_i32 = arith.constant 0 : i32
    %c0_i32_0 = arith.constant 0 : i32
    return %arg0, %c0_i32 : i32, i32
  }
  func.func @transform_8(%arg0: i32) -> (i32, i32, i32) {
    %c0_i32 = arith.constant 0 : i32
    %c0_i32_0 = arith.constant 0 : i32
    %c0_i32_1 = arith.constant 0 : i32
    return %c0_i32, %arg0, %c0_i32_0 : i32, i32, i32
  }
}

module attributes {stable_mosaic.version = 14 : i64} {
  func.func @_post_body(%arg0: i32, %arg1: memref<2048x160xf32, #tpu.memory_space<vmem>>, %arg2: memref<2048x160xf32, #tpu.memory_space<vmem>>, %arg3: memref<1x160xf32, #tpu.memory_space<vmem>>, %arg4: memref<1x160xf32, #tpu.memory_space<vmem>>, %arg5: memref<1x160xf32, #tpu.memory_space<vmem>>, %arg6: memref<1x160xf32, #tpu.memory_space<vmem>>, %arg7: memref<2048x1xf32, #tpu.memory_space<vmem>>, %arg8: memref<2048x160xf32, #tpu.memory_space<vmem>>, %arg9: memref<2x2048x80xbf16, #tpu.memory_space<vmem>>) attributes {dimension_semantics = [#tpu.dimension_semantics<arbitrary>], iteration_bounds = array<i64: 5>, scalar_prefetch = 0 : i64, scratch_operands = 0 : i64, tpu.core_type = #tpu.core_type<tc>, window_params = [{transform_indices = @transform_0, window_bounds = array<i64: 2048, 160>}, {transform_indices = @transform_1, window_bounds = array<i64: 2048, 160>}, {pipeline_mode = #tpu.pipeline_mode<synchronous>, transform_indices = @transform_2, window_bounds = array<i64: 1, 160>}, {pipeline_mode = #tpu.pipeline_mode<synchronous>, transform_indices = @transform_3, window_bounds = array<i64: 1, 160>}, {pipeline_mode = #tpu.pipeline_mode<synchronous>, transform_indices = @transform_4, window_bounds = array<i64: 1, 160>}, {pipeline_mode = #tpu.pipeline_mode<synchronous>, transform_indices = @transform_5, window_bounds = array<i64: 1, 160>}, {transform_indices = @transform_6, window_bounds = array<i64: 2048, 1>}, {transform_indices = @transform_7, window_bounds = array<i64: 2048, 160>}, {transform_indices = @transform_8, window_bounds = array<i64: 2, 2048, 80>}]} {
    %get3A = arith.constant 0 : index
    %get3A_0 = arith.constant 0 : index
    %get3A_1 = vector.load %arg3[%get3A, %get3A_0] : memref<1x160xf32, #tpu.memory_space<vmem>>, vector<1x160xf32>
    %mul3A = arith.constant 9.99999974E-5 : f32
    %mul3A_2 = vector.broadcast %mul3A : f32 to vector<1x160xf32>
    %mul3A_3 = arith.mulf %get3A_1, %mul3A_2 : vector<1x160xf32>
    %get3A_4 = arith.constant 0 : index
    %get3A_5 = arith.constant 0 : index
    %get3A_6 = vector.load %arg4[%get3A_4, %get3A_5] : memref<1x160xf32, #tpu.memory_space<vmem>>, vector<1x160xf32>
    %mul3A_7 = arith.constant 9.99999974E-5 : f32
    %mul3A_8 = vector.broadcast %mul3A_7 : f32 to vector<1x160xf32>
    %mul3A_9 = arith.mulf %get3A_6, %mul3A_8 : vector<1x160xf32>
    %mul3A_10 = arith.mulf %mul3A_3, %mul3A_3 : vector<1x160xf32>
    %sub3A = arith.subf %mul3A_9, %mul3A_10 : vector<1x160xf32>
    %get3A_11 = arith.constant 0 : index
    %get3A_12 = arith.constant 0 : index
    %get3A_13 = vector.load %arg1[%get3A_11, %get3A_12] : memref<2048x160xf32, #tpu.memory_space<vmem>>, vector<2048x160xf32>
    %get3A_14 = arith.constant 0 : index
    %get3A_15 = arith.constant 0 : index
    %get3A_16 = vector.load %arg5[%get3A_14, %get3A_15] : memref<1x160xf32, #tpu.memory_space<vmem>>, vector<1x160xf32>
    %sub3A_17 = vector.broadcast %mul3A_3 : vector<1x160xf32> to vector<2048x160xf32>
    %sub3A_18 = arith.subf %get3A_13, %sub3A_17 : vector<2048x160xf32>
    %mul3A_19 = vector.broadcast %get3A_16 : vector<1x160xf32> to vector<2048x160xf32>
    %mul3A_20 = arith.mulf %mul3A_19, %sub3A_18 : vector<2048x160xf32>
    %add3A = arith.constant 9.99999974E-6 : f32
    %add3A_21 = vector.broadcast %add3A : f32 to vector<1x160xf32>
    %add3A_22 = arith.addf %sub3A, %add3A_21 : vector<1x160xf32>
    %rsqrt3A = math.rsqrt %add3A_22 : vector<1x160xf32>
    %mul3A_23 = vector.broadcast %rsqrt3A : vector<1x160xf32> to vector<2048x160xf32>
    %mul3A_24 = arith.mulf %mul3A_20, %mul3A_23 : vector<2048x160xf32>
    %get3A_25 = arith.constant 0 : index
    %get3A_26 = arith.constant 0 : index
    %get3A_27 = vector.load %arg6[%get3A_25, %get3A_26] : memref<1x160xf32, #tpu.memory_space<vmem>>, vector<1x160xf32>
    %add3A_28 = vector.broadcast %get3A_27 : vector<1x160xf32> to vector<2048x160xf32>
    %add3A_29 = arith.addf %mul3A_24, %add3A_28 : vector<2048x160xf32>
    %get3A_30 = arith.constant 0 : index
    %get3A_31 = arith.constant 0 : index
    %get3A_32 = vector.load %arg2[%get3A_30, %get3A_31] : memref<2048x160xf32, #tpu.memory_space<vmem>>, vector<2048x160xf32>
    %max3A = arith.constant 0.000000e+00 : f32
    %max3A_33 = vector.broadcast %max3A : f32 to vector<2048x160xf32>
    %max3A_34 = arith.maximumf %add3A_29, %max3A_33 : vector<2048x160xf32>
    %add3A_35 = arith.addf %get3A_32, %max3A_34 : vector<2048x160xf32>
    %swap3A = arith.constant 0 : index
    %swap3A_36 = arith.constant 0 : index
    %swap3A_37 = vector.load %arg8[%swap3A, %swap3A_36] : memref<2048x160xf32, #tpu.memory_space<vmem>>, vector<2048x160xf32>
    tpu.vector_store %arg8[%swap3A, %swap3A_36], %add3A_35 {strides = array<i32>} : memref<2048x160xf32, #tpu.memory_space<vmem>>, vector<2048x160xf32>,
    %get3A_38 = arith.constant 0 : index
    %get3A_39 = arith.constant 0 : index
    %get3A_40 = vector.load %arg7[%get3A_38, %get3A_39] : memref<2048x1xf32, #tpu.memory_space<vmem>>, vector<2048x1xf32>
    %mul3A_41 = vector.broadcast %get3A_40 : vector<2048x1xf32> to vector<2048x160xf32>
    %mul3A_42 = arith.mulf %add3A_35, %mul3A_41 : vector<2048x160xf32>
    %convert_element_type3A = arith.truncf %mul3A_42 : vector<2048x160xf32> to vector<2048x160xbf16>
    %slice3A = vector.extract_strided_slice %convert_element_type3A {offsets = [0, 0], sizes = [2048, 80], strides = [1, 1]} : vector<2048x160xbf16> to vector<2048x80xbf16>
    %swap3A_43 = arith.constant 0 : index
    %swap3A_44 = arith.constant 0 : index
    %swap3A_45 = arith.constant 0 : index
    %swap3A_46 = vector.load %arg9[%swap3A_43, %swap3A_44, %swap3A_45] : memref<2x2048x80xbf16, #tpu.memory_space<vmem>>, vector<1x2048x80xbf16>
    %swap3A_47 = vector.shape_cast %swap3A_46 : vector<1x2048x80xbf16> to vector<2048x80xbf16>
    %swap3A_48 = vector.shape_cast %slice3A : vector<2048x80xbf16> to vector<1x2048x80xbf16>
    tpu.vector_store %arg9[%swap3A_43, %swap3A_44, %swap3A_45], %swap3A_48 {strides = array<i32>} : memref<2x2048x80xbf16, #tpu.memory_space<vmem>>, vector<1x2048x80xbf16>,
    %slice3A_49 = vector.extract_strided_slice %convert_element_type3A {offsets = [0, 80], sizes = [2048, 80], strides = [1, 1]} : vector<2048x160xbf16> to vector<2048x80xbf16>
    %swap3A_50 = arith.constant 1 : index
    %swap3A_51 = arith.constant 0 : index
    %swap3A_52 = arith.constant 0 : index
    %swap3A_53 = vector.load %arg9[%swap3A_50, %swap3A_51, %swap3A_52] : memref<2x2048x80xbf16, #tpu.memory_space<vmem>>, vector<1x2048x80xbf16>
    %swap3A_54 = vector.shape_cast %swap3A_53 : vector<1x2048x80xbf16> to vector<2048x80xbf16>
    %swap3A_55 = vector.shape_cast %slice3A_49 : vector<2048x80xbf16> to vector<1x2048x80xbf16>
    tpu.vector_store %arg9[%swap3A_50, %swap3A_51, %swap3A_52], %swap3A_55 {strides = array<i32>} : memref<2x2048x80xbf16, #tpu.memory_space<vmem>>, vector<1x2048x80xbf16>,
    return
  }
  func.func @transform_0(%arg0: i32) -> (i32, i32) {
    %c0_i32 = arith.constant 0 : i32
    %c0_i32_0 = arith.constant 0 : i32
    return %arg0, %c0_i32 : i32, i32
  }
  func.func @transform_1(%arg0: i32) -> (i32, i32) {
    %c0_i32 = arith.constant 0 : i32
    %c0_i32_0 = arith.constant 0 : i32
    return %arg0, %c0_i32 : i32, i32
  }
  func.func @transform_2(%arg0: i32) -> (i32, i32) {
    %c0_i32 = arith.constant 0 : i32
    %c0_i32_0 = arith.constant 0 : i32
    %c0_i32_1 = arith.constant 0 : i32
    return %c0_i32, %c0_i32_0 : i32, i32
  }
  func.func @transform_3(%arg0: i32) -> (i32, i32) {
    %c0_i32 = arith.constant 0 : i32
    %c0_i32_0 = arith.constant 0 : i32
    %c0_i32_1 = arith.constant 0 : i32
    return %c0_i32, %c0_i32_0 : i32, i32
  }
  func.func @transform_4(%arg0: i32) -> (i32, i32) {
    %c0_i32 = arith.constant 0 : i32
    %c0_i32_0 = arith.constant 0 : i32
    %c0_i32_1 = arith.constant 0 : i32
    return %c0_i32, %c0_i32_0 : i32, i32
  }
  func.func @transform_5(%arg0: i32) -> (i32, i32) {
    %c0_i32 = arith.constant 0 : i32
    %c0_i32_0 = arith.constant 0 : i32
    %c0_i32_1 = arith.constant 0 : i32
    return %c0_i32, %c0_i32_0 : i32, i32
  }
  func.func @transform_6(%arg0: i32) -> (i32, i32) {
    %c0_i32 = arith.constant 0 : i32
    %c0_i32_0 = arith.constant 0 : i32
    return %arg0, %c0_i32 : i32, i32
  }
  func.func @transform_7(%arg0: i32) -> (i32, i32) {
    %c0_i32 = arith.constant 0 : i32
    %c0_i32_0 = arith.constant 0 : i32
    return %arg0, %c0_i32 : i32, i32
  }
  func.func @transform_8(%arg0: i32) -> (i32, i32, i32) {
    %c0_i32 = arith.constant 0 : i32
    %c0_i32_0 = arith.constant 0 : i32
    %c0_i32_1 = arith.constant 0 : i32
    return %c0_i32, %arg0, %c0_i32_0 : i32, i32, i32
  }
}

module attributes {stable_mosaic.version = 14 : i64} {
  func.func @_readout_body(%arg0: memref<10240x160xf32, #tpu.memory_space<vmem>>, %arg1: memref<1x10240xi32, #tpu.memory_space<vmem>>, %arg2: memref<160x73xf32, #tpu.memory_space<vmem>>, %arg3: memref<1x73xf32, #tpu.memory_space<vmem>>, %arg4: memref<73x36xf32, #tpu.memory_space<vmem>>, %arg5: memref<1x36xf32, #tpu.memory_space<vmem>>, %arg6: memref<36x10xf32, #tpu.memory_space<vmem>>, %arg7: memref<1x10xf32, #tpu.memory_space<vmem>>, %arg8: memref<16x10xf32, #tpu.memory_space<vmem>>) attributes {dimension_semantics = [], scalar_prefetch = 0 : i64, scratch_operands = 0 : i64, tpu.core_type = #tpu.core_type<tc>} {
    %get3A = arith.constant 0 : index
    %get3A_0 = arith.constant 0 : index
    %get3A_1 = vector.load %arg1[%get3A, %get3A_0] : memref<1x10240xi32, #tpu.memory_space<vmem>>, vector<1x10240xi32>
    %iota3A = tpu.iota {dimensions = array<i32: 0>} : vector<16x10240xi32>
    %eq3A = vector.broadcast %get3A_1 : vector<1x10240xi32> to vector<16x10240xi32>
    %eq3A_2 = arith.cmpi eq, %iota3A, %eq3A : vector<16x10240xi32>
    %convert_element_type3A = arith.extui %eq3A_2 : vector<16x10240xi1> to vector<16x10240xi32>
    %convert_element_type3A_3 = arith.sitofp %convert_element_type3A : vector<16x10240xi32> to vector<16x10240xf32>
    %get3A_4 = arith.constant 0 : index
    %get3A_5 = arith.constant 0 : index
    %get3A_6 = vector.load %arg0[%get3A_4, %get3A_5] : memref<10240x160xf32, #tpu.memory_space<vmem>>, vector<10240x160xf32>
    %dot_general3A = arith.constant dense<0.000000e+00> : vector<16x160xf32>
    %dot_general3A_7 = tpu.matmul %convert_element_type3A_3, %get3A_6, %dot_general3A {dimension_numbers = #tpu.dot_dimension_numbers<[1], [0], [0], [1], [0, 0, 1, 1], [], []>, transpose_lhs_hint = false} : vector<16x10240xf32>, vector<10240x160xf32>, vector<16x160xf32> -> vector<16x160xf32>
    %reduce_sum3A = arith.constant dense<0.000000e+00> : vector<16xf32>
    %reduce_sum3A_8 = vector.multi_reduction <add>, %convert_element_type3A_3, %reduce_sum3A [1] : vector<16x10240xf32> to vector<16xf32>
    %broadcast_in_dim3A = vector.shape_cast %reduce_sum3A_8 : vector<16xf32> to vector<16x1xf32>
    %max3A = arith.constant 1.000000e+00 : f32
    %max3A_9 = vector.broadcast %max3A : f32 to vector<16x1xf32>
    %max3A_10 = arith.maximumf %broadcast_in_dim3A, %max3A_9 : vector<16x1xf32>
    %div3A = vector.broadcast %max3A_10 : vector<16x1xf32> to vector<16x160xf32>
    %div3A_11 = arith.divf %dot_general3A_7, %div3A : vector<16x160xf32>
    %get3A_12 = arith.constant 0 : index
    %get3A_13 = arith.constant 0 : index
    %get3A_14 = vector.load %arg2[%get3A_12, %get3A_13] : memref<160x73xf32, #tpu.memory_space<vmem>>, vector<160x73xf32>
    %dot_general3A_15 = arith.constant dense<0.000000e+00> : vector<16x73xf32>
    %dot_general3A_16 = tpu.matmul %div3A_11, %get3A_14, %dot_general3A_15 {dimension_numbers = #tpu.dot_dimension_numbers<[1], [0], [0], [1], [0, 0, 1, 1], [], []>, transpose_lhs_hint = false} : vector<16x160xf32>, vector<160x73xf32>, vector<16x73xf32> -> vector<16x73xf32>
    %get3A_17 = arith.constant 0 : index
    %get3A_18 = arith.constant 0 : index
    %get3A_19 = vector.load %arg3[%get3A_17, %get3A_18] : memref<1x73xf32, #tpu.memory_space<vmem>>, vector<1x73xf32>
    %add3A = vector.broadcast %get3A_19 : vector<1x73xf32> to vector<16x73xf32>
    %add3A_20 = arith.addf %dot_general3A_16, %add3A : vector<16x73xf32>
    %max3A_21 = arith.constant 0.000000e+00 : f32
    %max3A_22 = vector.broadcast %max3A_21 : f32 to vector<16x73xf32>
    %max3A_23 = arith.maximumf %add3A_20, %max3A_22 : vector<16x73xf32>
    %get3A_24 = arith.constant 0 : index
    %get3A_25 = arith.constant 0 : index
    %get3A_26 = vector.load %arg4[%get3A_24, %get3A_25] : memref<73x36xf32, #tpu.memory_space<vmem>>, vector<73x36xf32>
    %dot_general3A_27 = arith.constant dense<0.000000e+00> : vector<16x36xf32>
    %dot_general3A_28 = tpu.matmul %max3A_23, %get3A_26, %dot_general3A_27 {dimension_numbers = #tpu.dot_dimension_numbers<[1], [0], [0], [1], [0, 0, 1, 1], [], []>, transpose_lhs_hint = false} : vector<16x73xf32>, vector<73x36xf32>, vector<16x36xf32> -> vector<16x36xf32>
    %get3A_29 = arith.constant 0 : index
    %get3A_30 = arith.constant 0 : index
    %get3A_31 = vector.load %arg5[%get3A_29, %get3A_30] : memref<1x36xf32, #tpu.memory_space<vmem>>, vector<1x36xf32>
    %add3A_32 = vector.broadcast %get3A_31 : vector<1x36xf32> to vector<16x36xf32>
    %add3A_33 = arith.addf %dot_general3A_28, %add3A_32 : vector<16x36xf32>
    %max3A_34 = arith.constant 0.000000e+00 : f32
    %max3A_35 = vector.broadcast %max3A_34 : f32 to vector<16x36xf32>
    %max3A_36 = arith.maximumf %add3A_33, %max3A_35 : vector<16x36xf32>
    %get3A_37 = arith.constant 0 : index
    %get3A_38 = arith.constant 0 : index
    %get3A_39 = vector.load %arg6[%get3A_37, %get3A_38] : memref<36x10xf32, #tpu.memory_space<vmem>>, vector<36x10xf32>
    %dot_general3A_40 = arith.constant dense<0.000000e+00> : vector<16x10xf32>
    %dot_general3A_41 = tpu.matmul %max3A_36, %get3A_39, %dot_general3A_40 {dimension_numbers = #tpu.dot_dimension_numbers<[1], [0], [0], [1], [0, 0, 1, 1], [], []>, transpose_lhs_hint = false} : vector<16x36xf32>, vector<36x10xf32>, vector<16x10xf32> -> vector<16x10xf32>
    %get3A_42 = arith.constant 0 : index
    %get3A_43 = arith.constant 0 : index
    %get3A_44 = vector.load %arg7[%get3A_42, %get3A_43] : memref<1x10xf32, #tpu.memory_space<vmem>>, vector<1x10xf32>
    %add3A_45 = vector.broadcast %get3A_44 : vector<1x10xf32> to vector<16x10xf32>
    %add3A_46 = arith.addf %dot_general3A_41, %add3A_45 : vector<16x10xf32>
    %swap3A = arith.constant 0 : index
    %swap3A_47 = arith.constant 0 : index
    %swap3A_48 = vector.load %arg8[%swap3A, %swap3A_47] : memref<16x10xf32, #tpu.memory_space<vmem>>, vector<16x10xf32>
    tpu.vector_store %arg8[%swap3A, %swap3A_47], %add3A_46 {strides = array<i32>} : memref<16x10xf32, #tpu.memory_space<vmem>>, vector<16x10xf32>,
    return
  }
}

</mosaic_0001>

<sc_bundles>
// kernel: kernel.17.cloned.1.call-start
scs
__scs_entry_jumppad:
0x0: {  	(pc) =	sbr.rel $0x88, $3  }
0x1: {  	(tag) =	ssettag $0x0;
	lr =	simm.s32 $0x1  }
0x2: {  	[smem:$0x3F91] =	sst lr;
	_ =	strace $0xD0000000  }
0x3: {  	_ = 	snop  }
0x4: {  	_ = 	snop  }
0x5: {  	_ = 	snop  }
0x6: {  	_ = 	snop  }
0x7: {  	_ = 	snop  }
__scs_overlays_trampoline_lowered:
0x8: {  	[smem:$0x3FA0] =	sst s0  }
0x9: {  	[smem:$0x3FA1] =	sst s1  }
0xa: {  	[smem:$0x3FA2] =	sst s2  }
0xb: {  	[smem:$0x3FA3] =	sst s3  }
0xc: {  	[smem:$0x3FA4] =	sst s4  }
0xd: {  	[smem:$0x3FA5] =	sst s5  }
0xe: {  	[smem:$0x3FA6] =	sst s6  }
0xf: {  	[smem:$0x3FA7] =	sst s7  }
0x10: {  	[smem:$0x3FA8] =	sst s8  }
0x11: {  	[smem:$0x3FA9] =	sst s9;
	s0 =	simm.s32 @!p0 $0x0  }
0x12: {  	s1 =	sld [smem:$0x3F8F];
	s0 =	simm.s32 @p0 $0x1  }
0x13: {  	[smem:$0x3FAA] =	sst s0;
	s0 =	simm.s32 @!p1 $0x0  }
0x14: {  	s2 =	sld [smem:$0x3F8E];
	s0 =	simm.s32 @p1 $0x1  }
0x15: {  	[smem:$0x3FAB] =	sst s0;
	s0 =	simm.s32 @!p2 $0x0  }
0x16: {  	s3 =	sld [smem:$0x3FDB];
	s0 =	simm.s32 @p2 $0x1  }
0x17: {  	s4 =	simm.s32 $0x1BF5;
	[smem:$0x3FAD] =	sst s0  }
0x18: {  	s0 =	sld [smem:$0x3F90];
	_ =	swait.ge [sflag:s4], $0x0  }
0x19: {  	s7 =	sld [smem:$0x3F91]  }
0x1a: {  	s8 =	sadd.s32 $0xFFFFE003, lr  }
0x1b: {  	s9 =	sadd.s32 $0xFFFFFEF7, lr;
	s5 =	simm.s32 $0xFFFFFFFF;
	p2 =	slt.u32 s8, $0xFFFFF086  }
0x1c: {  	p1 =	slt.u32 s9, $0xF7A;
	s5 =	simm.s32 @!p2 $0x0  }
0x1d: {  	s5 =	simm.s32 @p1 $0x1;
	p0 =	seq.s32 s7, s2  }
0x1e: {  	s7 =	smul.u32 @!p0 $0xF7A, s2;
	p2 =	seq.s32 @!p0 s5, $0x0  }
0x1f: {  	s9 =	smul.u32 $0xF7A, s1;
	s8 =	simm.s32 @!p0 $0x1BF5;
	p2 =	por !p2, p0  }
0x20: {  	[sflag:s8] =	ssyncset.s32 @!p0 $0xFFFFF086;
	s6 =	sadd.s32 @!p0 s3, s7;
	s7 =	simm.s32 @!p0 $0x108  }
0x21: {  	s3 =	sadd.s32 s3, s9;
	s6 =	sadd.s32 @!p0 $0x88, s6;
	s7 =	simm.s32 @p2 $0x1082  }
0x22: {  	[simem:s7], [sflag:s8] =	dma.local @!p0 [hbm:s6], $0xF7A  }
0x23: {  	s9 =	sor.u32 $0xD0000000, s2;
	s6 =	simm.s32 $0x108;
	_ =	swait.ge @!p0 [sflag:s8], $0x0  }
0x24: {  	s3 =	sadd.s32 $0x88, s3;
	s6 =	simm.s32 @!p1 $0x1082;
	[sflag:s4] =	ssyncset.s32 $0xFFFFF086  }
0x25: {  	[simem:s6], [sflag:s4] =	dma.local [hbm:s3], $0xF7A  }
0x26: {  	[smem:$0x3F91] =	sst s1;
	(tag) =	ssettag s2;
	_ =	strace s9  }
0x27: {  	s1 =	sld [smem:$0x3FA1]  }
0x28: {  	s2 =	sld [smem:$0x3FA2]  }
0x29: {  	s4 =	sld [smem:$0x3FA4]  }
0x2a: {  	p0 =	seq.s32 s5, $0x0;
	s5 =	sld [smem:$0x3FA5]  }
0x2b: {  	s6 =	sld [smem:$0x3FA6]  }
0x2c: {  	s7 =	sld [smem:$0x3FA7]  }
0x2d: {  	s3 =	simm.s32 $0x108;
	s8 =	sld [smem:$0x3FA8]  }
0x2e: {  	s3 =	simm.s32 @!p0 $0x1082;
	s9 =	sld [smem:$0x3FA9]  }
0x2f: {  	lr =	sadd.s32 s0, s3;
	s0 =	sld [smem:$0x3FA0]  }
0x30: {  	s3 =	sld [smem:$0x3FA3]  }
0x31: {  	[smem:$0x3FAC] =	sst s10  }
0x32: {  	s10 =	sld [smem:$0x3FAA];
	_ =	sdelay $0x3  }
0x33: {  	p0 =	seq.s32 s10, $0x1;
	s10 =	sld [smem:$0x3FAC];
	_ =	sdelay $0x3  }
0x34: {  	[smem:$0x3FAC] =	sst s10  }
0x35: {  	s10 =	sld [smem:$0x3FAB];
	_ =	sdelay $0x3  }
0x36: {  	p1 =	seq.s32 s10, $0x1;
	s10 =	sld [smem:$0x3FAC];
	_ =	sdelay $0x3  }
0x37: {  	[smem:$0x3FAC] =	sst s10  }
0x38: {  	s10 =	sld [smem:$0x3FAD]  }
0x39: {  	_ = 	snop;
	(pc) =	sbr.ind lr, $3  }
0x3a: {  	_ = 	snop  }
0x3b: {  	_ = 	snop  }
0x3c: {  	p2 =	seq.s32 s10, $0x1;
	s10 =	sld [smem:$0x3FAC]  }
0x3d: {  	_ =	shalt  }
0x3e: {  	_ =	shalt  }
0x3f: {  	_ =	shalt  }
0x40: {  	_ =	shalt  }
0x41: {  	_ =	shalt  }
0x42: {  	_ =	shalt  }
0x43: {  	_ =	shalt  }
0x44: {  	_ =	shalt  }
0x45: {  	_ =	shalt  }
0x46: {  	_ =	shalt  }
0x47: {  	_ =	shalt  }
0x48: {  	_ =	shalt  }
0x49: {  	_ =	shalt  }
0x4a: {  	_ =	shalt  }
0x4b: {  	_ =	shalt  }
0x4c: {  	_ =	shalt  }
0x4d: {  	_ =	shalt  }
0x4e: {  	_ =	shalt  }
0x4f: {  	_ =	shalt  }
0x50: {  	_ =	shalt  }
0x51: {  	_ =	shalt  }
0x52: {  	_ =	shalt  }
0x53: {  	_ =	shalt  }
0x54: {  	_ =	shalt  }
0x55: {  	_ =	shalt  }
0x56: {  	_ =	shalt  }
0x57: {  	_ =	shalt  }
0x58: {  	_ =	shalt  }
0x59: {  	_ =	shalt  }
0x5a: {  	_ =	shalt  }
0x5b: {  	_ =	shalt  }
0x5c: {  	_ =	shalt  }
0x5d: {  	_ =	shalt  }
0x5e: {  	_ =	shalt  }
0x5f: {  	_ =	shalt  }
0x60: {  	_ =	shalt  }
0x61: {  	_ =	shalt  }
0x62: {  	_ =	shalt  }
0x63: {  	_ =	shalt  }
0x64: {  	_ =	shalt  }
0x65: {  	_ =	shalt  }
0x66: {  	_ =	shalt  }
0x67: {  	_ =	shalt  }
0x68: {  	_ =	shalt  }
0x69: {  	_ =	shalt  }
0x6a: {  	_ =	shalt  }
0x6b: {  	_ =	shalt  }
0x6c: {  	_ =	shalt  }
0x6d: {  	_ =	shalt  }
0x6e: {  	_ =	shalt  }
0x6f: {  	_ =	shalt  }
0x70: {  	_ =	shalt  }
0x71: {  	_ =	shalt  }
0x72: {  	_ =	shalt  }
0x73: {  	_ =	shalt  }
0x74: {  	_ =	shalt  }
0x75: {  	_ =	shalt  }
0x76: {  	_ =	shalt  }
0x77: {  	_ =	shalt  }
0x78: {  	_ =	shalt  }
0x79: {  	_ =	shalt  }
0x7a: {  	_ =	shalt  }
0x7b: {  	_ =	shalt  }
0x7c: {  	_ =	shalt  }
0x7d: {  	_ =	shalt  }
0x7e: {  	_ =	shalt  }
0x7f: {  	_ =	shalt  }
0x80: {  	_ =	shalt  }
0x81: {  	_ =	shalt  }
0x82: {  	_ =	shalt  }
0x83: {  	_ =	shalt  }
0x84: {  	_ =	shalt  }
0x85: {  	_ =	shalt  }
0x86: {  	_ =	shalt  }
0x87: {  	_ =	shalt  }
.Lfunc_end0:
.L_simem_size_0:
called_computation_lowered:
.L_overlay_start_0:
0x88: {  	s2 =	sld [smem:$0x3FD9]  }
0x89: {  	s3 =	sld [smem:$0x3FFE];
	_ =	sdelay $0x1  }
0x8a: {  	s1 =	srdreg.scid  }
0x8b: {  	s0 =	sand.u32 $0x1, s1  }
0x8c: {  	s17 =	sshll.u32 s0, $0xA;
	s2 =	sadd.s32 s3, s2  }
0x8d: {  	s2 =	sadd.s32 s2, s17  }
0x8e: {  	[smem:$0x3FB8] =	sst s2  }
0x8f: {  	_ = 	snop  }
0x90: {  	s2 =	sld [smem:$0x3FD0];
	(tm) =	ssettm $0x1  }
0x91: {  	s18 =	sld [smem:$0x3FFB];
	_ =	sdelay $0x3  }
0x92: {  	_ =	strace s18  }
0x93: {  	s3 =	sld [smem:$0x3FFC];
	_ =	sdelay $0x3  }
0x94: {  	_ =	strace s3  }
0x95: {  	s3 =	sld [smem:$0x3FFD];
	_ =	sdelay $0x3  }
0x96: {  	_ =	strace s3  }
0x97: {  	_ =	strace $0x8FFFFFFF  }
0x98: {  	s19 =	sld [smem:$0x3FDB];
	_ =	sdelay $0x1  }
0x99: {  	s4 =	simm.s32 $_scs_section_size  }
0x9a: {  	s5 =	simm.s32 $_size__tile_overlayer_lowered;
	s6 =	simm.s32 $_tile_overlayer_lowered  }
0x9b: {  	s22 =	simm.s32 $0x1BFF;
	s21 =	sshll.u32 s6, $0x1;
	s3 =	sadd.s32 s4, s19  }
0x9c: {  	s7 =	simm.s32 $0x0;
	s20 =	sshll.u32 s5, $0x1;
	s5 =	sadd.s32 s21, s3  }
0x9d: {  	[timem:s7], [sflag:s22] =	dma.local [hbm:s5], s20  }
0x9e: {  	_ =	swait.ge [sflag:s22], s20  }
0x9f: {  	s4 =	ssub.s32 $0x0, s20;
	[sflag:s22] =	ssyncset.done $0x0  }
0xa0: {  	[sflag:s22] =	ssyncadd.s32 s4;
	_ =	sdelay $0x1  }
0xa1: {  	s23 =	simm.s32 $0x1B8B  }
0xa2: {  	_ =	swait.ge [sflag:s23], $0x1  }
0xa3: {  	[sflag:s23] =	ssyncset.done $0x0  }
0xa4: {  	s25 =	simm.s32 $0x1B8E;
	s24 =	sld [smem:$0x3FFE];
	[sflag:s23] =	ssyncadd.s32 $0xFFFFFFFF  }
0xa5: {  	s26 =	simm.s32 $execute0_lowered;
	[smem:$0x3FD2] =	sst s25  }
0xa6: {  	s5 =	sshll.u32 s26, $0x1;
	_ =	strace $0x80000046;
	[dreg:$0x1] =	wrdreg $0xFFFFFFFF  }
0xa7: {  	s28 =	simm.s32 $_size_execute0_lowered;
	s3 =	sadd.s32 s3, s5;
	[dreg:$0x0] =	wrdreg $0x0  }
0xa8: {  	s5 =	sshll.u32 s28, $0x1;
	[dreg:$0x2] =	wrdreg s3  }
0xa9: {  	[dreg:$0x3] =	wrdreg s5  }
0xaa: {  	[dreg:$0x4] =	wrdreg $0xC0  }
0xab: {  	_ =	task [dreg:s7], $0x5FFFF  }
0xac: {  	[dreg:$0x1] =	wrdreg $0xFFFFFFFF  }
0xad: {  	[dreg:$0x0] =	wrdreg $0x60  }
0xae: {  	[dreg:$0x2] =	wrdreg s24  }
0xaf: {  	[dreg:$0x3] =	wrdreg s2  }
0xb0: {  	[dreg:$0x4] =	wrdreg $0x54000  }
0xb1: {  	[dreg:$0x5] =	wrdreg $0x68000  }
0xb2: {  	[dreg:$0x6] =	wrdreg $0x9  }
0xb3: {  	_ =	task.clear_ibuf [dreg:s7], $0x7FFFF;
	_ =	strace $0x90000046  }
0xb4: {  	s29 =	simm.s32 $0x9;
	_ =	strace $0x80000048  }
0xb5: {  	_ =	swait.ge [sflag:s29], $0x1  }
0xb6: {  	[sflag:s29] =	ssyncadd.s32 $0xFFFFFFFF  }
0xb7: {  	_ =	strace $0x90000048  }
0xb8: {  	_ =	sfence  }
0xb9: {  	s30 =	sld [smem:$0x0];
	_ =	sdelay $0x2  }
0xba: {  	s31 =	sshll.u32 s1, $0xD;
	s1 =	sshrl.u32 s1, $0x2  }
0xbb: {  	s3 =	sand.u32 $0x4000, s31;
	s1 =	sadd.s32 s1, s30  }
0xbc: {  	s0 =	sor.u32 s3, s0;
	s1 =	sshll.u32 s1, $0x11  }
0xbd: {  	s0 =	sor.u32 s1, s0  }
0xbe: {  	s0 =	sadd.s32 $0x8F2B, s0  }
0xbf: {  	[sflag:s0] =	ssyncadd.remote.s32 $0x1  }
0xc0: {  	_ =	sfence.sel $0xFFFF  }
0xc1: {  	[dreg:$0x0] =	wrdreg $0xFFFFFFFF;
	(pc) =	sbr.abs _section_cstart, $3  }
0xc2: {  	[dreg:$0x1] =	wrdreg $0xFFFFFFFF  }
0xc3: {  	_ =	task.clear_ibuf [dreg:s7], $0x2FFFF;
	_ =	strace $0x9FFFFFFF  }
0xc4: {  	(tm) =	ssettm $0x7FFFFFFF  }
0xc5: {  	_ =	shalt  }
tec
execute0_lowered:
.L_overlay_start_1:
0x0: {  	(tag) =	ssettag $0x1  }
0x1: {  	s6 =	rddreg [dreg:$0x0]  }
0x2: {  	s2 =	rddreg [dreg:$0x1]  }
0x3: {  	s1 =	srdreg.scid;
	s3 =	rddreg [dreg:$0x2]  }
0x4: {  	s0 =	stileid.u32;
	s4 =	rddreg [dreg:$0x3]  }
0x5: {  	s5 =	simm.s32 $0x0;
	s13 =	simm.s32 $0x1;
	s17 =	simm.s32 $0x2800  }
0x6: {  	s18 =	simm.s32 $0x80;
	s19 =	simm.s32 $0x0;
	s7 =	sand.u32 $0x1, s1  }
0x7: {  	s30 =	sshll.u32 s0, $0x1;
	s9 =	smul.u32 $0x1400, s0;
	[smem:$0x7FF] =	sst s5  }
0x8: {  	s14 =	sshll.u32 s0, $0x6;
	s1 =	sor.u32 s7, s30;
	s10 =	smul.u32 $0x28000, s7  }
0x9: {  	s7 =	ssub.s32 $0x2, s7;
	s14 =	sor.u32 $0x1C01, s14;
	s8 =	smul.u32 $0x500, s1  }
0xa: {  	s1 =	rddreg [dreg:$0x4];
	_ =	strace $0x80000047;
	s11 =	sshrl.u32 s9, $0x3  }
0xb: {  	s31 =	sshrl.u32 s7, $0x1;
	s15 =	sadd.s32 s9, s3;
	s16 =	sadd.s32 s9, s4  }
0xc: {  	s10 =	sadd.s32 s9, s10;
	s11 =	sadd.s32 s11, s6;
	s12 =	ssub.s32 s7, s31  }
0xd: {  	s15 =	sshrl.u32 s15, $0x3;
	s16 =	sshrl.u32 s16, $0x3;
	s10 =	sshrl.u32 s10, $0x3  }
0xe: {  	s8 =	sadd.s32 s8, s6;
	s10 =	sadd.s32 s10, s6;
	s6 =	sadd.s32 $0x19E00, s11  }
0xf: {  	s7 =	sadd.s32 $0x5E00, s8;
	s8 =	sadd.s32 $0xFE00, s8;
	s11 =	smax.u32 s12, $0x1  }
0x10: {  	s12 =	simm.s32 $0x5000;
	s9 =	sadd.s32 $0x1C600, s10;
	s10 =	sadd.s32 $0x1EE00, s10  }
.LBB2_1:
0x11: {  	[tilespmem:s12], [sflag:$0x1] =	stream.linear.gather [hbm4b:s2+s5], $0x400, $0x38;
	[tilespmem:$0x7C00] =	vst v63  }
0x12: {  	_ =	swait.ge [sflag:s13], $0x400  }
0x13: {  	[sflag:s13] =	ssyncset.done $0x0  }
0x14: {  	[sflag:s13] =	ssyncadd.s32 $0xFFFFFC00  }
0x15: {  	[spmem:s15], [sflag:s14] =	dma.local [hbm:s6], $0x280  }
0x16: {  	_ =	swait.ge [sflag:s13], $0x280  }
0x17: {  	[sflag:s13] =	ssyncset.done $0x0  }
0x18: {  	[sflag:s13] =	ssyncadd.s32 $0xFFFFFD80  }
0x19: {  	[spmem:s16], [sflag:s14] =	dma.local [hbm:s6], $0x280  }
0x1a: {  	_ =	swait.ge [sflag:s13], $0x280  }
0x1b: {  	[sflag:s13] =	ssyncset.done $0x0  }
0x1c: {  	[sflag:s13] =	ssyncadd.s32 $0xFFFFFD80  }
0x1d: {  	[tilespmem:s5], [sflag:$0x1] =	stream.linear.gather [hbm4b:s7+s5], $0x2800, $0x38;
	[tilespmem:$0x7C00] =	vst v63  }
0x1e: {  	_ =	swait.ge [sflag:s13], $0x2800  }
0x1f: {  	[sflag:s13] =	ssyncset.done $0x0  }
0x20: {  	[sflag:s13] =	ssyncadd.s32 $0xFFFFD800  }
0x21: {  	[tilespmem:s17], [sflag:$0x1] =	stream.linear.gather [hbm4b:s8+s5], $0x2800, $0x38;
	[tilespmem:$0x7C00] =	vst v63  }
0x22: {  	_ =	swait.ge [sflag:s13], $0x2800  }
0x23: {  	[sflag:s13] =	ssyncset.done $0x0  }
0x24: {  	[sflag:s13] =	ssyncadd.s32 $0xFFFFD800  }
0x25: {  	s20 =	simm.s32 $0x0;
	[bflag:$0x0] =	sbarrier.arrive $0xFFFF  }
0x26: {  	[spmem:s3] =	stream.indirect.scatter.add.f32 [tilespmem:s12], [sflag:$0x1], $0x8, s20, s18, $0xb8;
	[tilespmem:$0x7C00] =	vst v63  }
0x27: {  	_ =	swait.ge [sflag:s13], $0x400  }
0x28: {  	[sflag:s13] =	ssyncset.done $0x0  }
0x29: {  	s31 =	simm.s32 $0x2800;
	[sflag:s13] =	ssyncadd.s32 $0xFFFFFC00  }
0x2a: {  	[spmem:s4] =	stream.indirect.scatter.add.f32 [tilespmem:s12], [sflag:$0x1], $0x8, s31, s18, $0xb8;
	[tilespmem:$0x7C00] =	vst v63  }
0x2b: {  	_ =	swait.ge [sflag:s13], $0x400  }
0x2c: {  	s21 =	simm.s32 $0x400;
	s20 =	simm.s32 $0x200;
	[sflag:s13] =	ssyncset.done $0x0  }
.LBB2_2:
0x2d: {  	s22 =	sshra.s32 s20, $0x2  }
0x2e: {  	[sflag:s13] =	ssyncadd.s32 $0xFFFFFC00;
	s20 =	smov.u32 s21;
	s23 =	sadd.s32 $0x200, s21  }
0x2f: {  	[spmem:s3] =	stream.indirect.scatter.add.f32 [tilespmem:s12], [sflag:$0x1], $0x8, s22, s18, $0xb8;
	[tilespmem:$0x7C00] =	vst v63  }
0x30: {  	p0 =	sne.s32 s21, $0x9E00;
	_ =	swait.ge [sflag:s13], $0x400  }
.Ltmp0:
0x31: {  	[sflag:s13] =	ssyncset.done $0x0;
	(pc) =	sbr.rel @p0 .LBB2_2-.Ltmp0, $4  }
0x32: {  	s21 =	sadd.s32 $0x2800, s22;
	[sflag:s13] =	ssyncadd.s32 $0xFFFFFC00  }
0x33: {  	[spmem:s4] =	stream.indirect.scatter.add.f32 [tilespmem:s12], [sflag:$0x1], $0x8, s21, s18, $0xb8;
	[tilespmem:$0x7C00] =	vst v63  }
0x34: {  	_ =	swait.ge [sflag:s13], $0x400  }
0x35: {  	s21 =	smov.u32 s23;
	[sflag:s13] =	ssyncset.done $0x0  }
0x36: {  	s20 =	sshra.s32 s20, $0x2;
	[sflag:s13] =	ssyncadd.s32 $0xFFFFFC00  }
0x37: {  	[spmem:s3] =	stream.indirect.scatter.add.f32 [tilespmem:s12], [sflag:$0x1], $0x8, s20, s18, $0xb8;
	[tilespmem:$0x7C00] =	vst v63  }
0x38: {  	_ =	swait.ge [sflag:s13], $0x400  }
0x39: {  	[sflag:s13] =	ssyncset.done $0x0  }
0x3a: {  	s20 =	sadd.s32 $0x2800, s20;
	[sflag:s13] =	ssyncadd.s32 $0xFFFFFC00  }
0x3b: {  	[spmem:s4] =	stream.indirect.scatter.add.f32 [tilespmem:s12], [sflag:$0x1], $0x8, s20, s18, $0xb8;
	[tilespmem:$0x7C00] =	vst v63  }
0x3c: {  	_ =	swait.ge [sflag:s13], $0x400  }
0x3d: {  	[sflag:s13] =	ssyncset.done $0x0  }
0x3e: {  	[sflag:s13] =	ssyncadd.s32 $0xFFFFFC00  }
0x3f: {  	[bflag:$0x0] =	sbarrier.arrive $0xFFFF  }
0x40: {  	[hbm:s9], [sflag:s14] =	dma.local [spmem:s15], $0x280  }
0x41: {  	s19 =	sadd.s32 $0x1, s19;
	_ =	swait.ge [sflag:s13], $0x280  }
0x42: {  	p0 =	sne.s32 s19, s11;
	[sflag:s13] =	ssyncset.done $0x0  }
.Ltmp1:
0x43: {  	[sflag:s13] =	ssyncadd.s32 $0xFFFFFD80;
	(pc) =	sbr.rel @p0 .LBB2_1-.Ltmp1, $4  }
0x44: {  	[hbm:s10], [sflag:s14] =	dma.local [spmem:s16], $0x280  }
0x45: {  	_ =	swait.ge [sflag:s13], $0x280  }
0x46: {  	[sflag:s13] =	ssyncset.done $0x0  }
0x47: {  	[sflag:s13] =	ssyncadd.s32 $0xFFFFFD80  }
0x48: {  	_ =	sfence.sel $0x180000  }
0x49: {  	[bflag:$0x0] =	sbarrier.arrive $0xFFFF  }
0x4a: {  	p0 =	sne.s32 s0, $0x0;
	_ =	strace $0x90000047  }
0x4b: {  	s0 =	sadd.s32 @!p0 $0x100000, s1;
	[bflag:$0x2] =	sbarrier.arrive $0xFFFF  }
0x4c: {  	[sflag:s0] =	ssyncadd.tile.s32 @!p0 $0x1;
	_ =	shalt  }
.Lfunc_end2:
_tile_overlayer_lowered:
.L_overlay_start_2:
0x4d: {  	(tag) =	ssettag $0x2  }
0x4e: {  	s0 =	rddreg [dreg:$0x0];
	s2 =	stileid.u32  }
0x4f: {  	s1 =	rddreg [dreg:$0x1];
	p0 =	sne.s32 s2, $0x0  }
0x50: {  	s3 =	rddreg [dreg:$0x2];
	[bflag:$0x3] =	sbarrier.arrive $0xFFFF;
	s2 =	simm.s32 @!p0 $0x1C01  }
0x51: {  	[timem:s3], [sflag:s2] =	dma.local @!p0 [hbm:s0], s1  }
0x52: {  	s0 =	simm.s32 @!p0 $0x1  }
0x53: {  	_ =	swait.ge @!p0 [sflag:s0], s1  }
0x54: {  	s1 =	ssub.s32 @!p0 $0x0, s1;
	[sflag:s0] =	ssyncset.done @!p0 $0x0  }
0x55: {  	[sflag:s0] =	ssyncadd.s32 @!p0 s1  }
0x56: {  	[bflag:$0x3] =	sbarrier.arrive $0xFFFF  }
0x57: {  	_ =	shalt  }

// kernel: kernel.20.cloned.1.call-start
scs
__scs_entry_jumppad:
0x0: {  	(pc) =	sbr.rel $0x88, $3  }
0x1: {  	(tag) =	ssettag $0x0;
	lr =	simm.s32 $0x1  }
0x2: {  	[smem:$0x3F91] =	sst lr;
	_ =	strace $0xD0000000  }
0x3: {  	_ = 	snop  }
0x4: {  	_ = 	snop  }
0x5: {  	_ = 	snop  }
0x6: {  	_ = 	snop  }
0x7: {  	_ = 	snop  }
__scs_overlays_trampoline_lowered:
0x8: {  	[smem:$0x3FA0] =	sst s0  }
0x9: {  	[smem:$0x3FA1] =	sst s1  }
0xa: {  	[smem:$0x3FA2] =	sst s2  }
0xb: {  	[smem:$0x3FA3] =	sst s3  }
0xc: {  	[smem:$0x3FA4] =	sst s4  }
0xd: {  	[smem:$0x3FA5] =	sst s5  }
0xe: {  	[smem:$0x3FA6] =	sst s6  }
0xf: {  	[smem:$0x3FA7] =	sst s7  }
0x10: {  	[smem:$0x3FA8] =	sst s8  }
0x11: {  	[smem:$0x3FA9] =	sst s9;
	s0 =	simm.s32 @!p0 $0x0  }
0x12: {  	s1 =	sld [smem:$0x3F8F];
	s0 =	simm.s32 @p0 $0x1  }
0x13: {  	[smem:$0x3FAA] =	sst s0;
	s0 =	simm.s32 @!p1 $0x0  }
0x14: {  	s2 =	sld [smem:$0x3F8E];
	s0 =	simm.s32 @p1 $0x1  }
0x15: {  	[smem:$0x3FAB] =	sst s0;
	s0 =	simm.s32 @!p2 $0x0  }
0x16: {  	s3 =	sld [smem:$0x3FDB];
	s0 =	simm.s32 @p2 $0x1  }
0x17: {  	s4 =	simm.s32 $0x1BF5;
	[smem:$0x3FAD] =	sst s0  }
0x18: {  	s0 =	sld [smem:$0x3F90];
	_ =	swait.ge [sflag:s4], $0x0  }
0x19: {  	s7 =	sld [smem:$0x3F91]  }
0x1a: {  	s8 =	sadd.s32 $0xFFFFE003, lr  }
0x1b: {  	s9 =	sadd.s32 $0xFFFFFEF7, lr;
	s5 =	simm.s32 $0xFFFFFFFF;
	p2 =	slt.u32 s8, $0xFFFFF086  }
0x1c: {  	p1 =	slt.u32 s9, $0xF7A;
	s5 =	simm.s32 @!p2 $0x0  }
0x1d: {  	s5 =	simm.s32 @p1 $0x1;
	p0 =	seq.s32 s7, s2  }
0x1e: {  	s7 =	smul.u32 @!p0 $0xF7A, s2;
	p2 =	seq.s32 @!p0 s5, $0x0  }
0x1f: {  	s9 =	smul.u32 $0xF7A, s1;
	s8 =	simm.s32 @!p0 $0x1BF5;
	p2 =	por !p2, p0  }
0x20: {  	[sflag:s8] =	ssyncset.s32 @!p0 $0xFFFFF086;
	s6 =	sadd.s32 @!p0 s3, s7;
	s7 =	simm.s32 @!p0 $0x108  }
0x21: {  	s3 =	sadd.s32 s3, s9;
	s6 =	sadd.s32 @!p0 $0x88, s6;
	s7 =	simm.s32 @p2 $0x1082  }
0x22: {  	[simem:s7], [sflag:s8] =	dma.local @!p0 [hbm:s6], $0xF7A  }
0x23: {  	s9 =	sor.u32 $0xD0000000, s2;
	s6 =	simm.s32 $0x108;
	_ =	swait.ge @!p0 [sflag:s8], $0x0  }
0x24: {  	s3 =	sadd.s32 $0x88, s3;
	s6 =	simm.s32 @!p1 $0x1082;
	[sflag:s4] =	ssyncset.s32 $0xFFFFF086  }
0x25: {  	[simem:s6], [sflag:s4] =	dma.local [hbm:s3], $0xF7A  }
0x26: {  	[smem:$0x3F91] =	sst s1;
	(tag) =	ssettag s2;
	_ =	strace s9  }
0x27: {  	s1 =	sld [smem:$0x3FA1]  }
0x28: {  	s2 =	sld [smem:$0x3FA2]  }
0x29: {  	s4 =	sld [smem:$0x3FA4]  }
0x2a: {  	p0 =	seq.s32 s5, $0x0;
	s5 =	sld [smem:$0x3FA5]  }
0x2b: {  	s6 =	sld [smem:$0x3FA6]  }
0x2c: {  	s7 =	sld [smem:$0x3FA7]  }
0x2d: {  	s3 =	simm.s32 $0x108;
	s8 =	sld [smem:$0x3FA8]  }
0x2e: {  	s3 =	simm.s32 @!p0 $0x1082;
	s9 =	sld [smem:$0x3FA9]  }
0x2f: {  	lr =	sadd.s32 s0, s3;
	s0 =	sld [smem:$0x3FA0]  }
0x30: {  	s3 =	sld [smem:$0x3FA3]  }
0x31: {  	[smem:$0x3FAC] =	sst s10  }
0x32: {  	s10 =	sld [smem:$0x3FAA];
	_ =	sdelay $0x3  }
0x33: {  	p0 =	seq.s32 s10, $0x1;
	s10 =	sld [smem:$0x3FAC];
	_ =	sdelay $0x3  }
0x34: {  	[smem:$0x3FAC] =	sst s10  }
0x35: {  	s10 =	sld [smem:$0x3FAB];
	_ =	sdelay $0x3  }
0x36: {  	p1 =	seq.s32 s10, $0x1;
	s10 =	sld [smem:$0x3FAC];
	_ =	sdelay $0x3  }
0x37: {  	[smem:$0x3FAC] =	sst s10  }
0x38: {  	s10 =	sld [smem:$0x3FAD]  }
0x39: {  	_ = 	snop;
	(pc) =	sbr.ind lr, $3  }
0x3a: {  	_ = 	snop  }
0x3b: {  	_ = 	snop  }
0x3c: {  	p2 =	seq.s32 s10, $0x1;
	s10 =	sld [smem:$0x3FAC]  }
0x3d: {  	_ =	shalt  }
0x3e: {  	_ =	shalt  }
0x3f: {  	_ =	shalt  }
0x40: {  	_ =	shalt  }
0x41: {  	_ =	shalt  }
0x42: {  	_ =	shalt  }
0x43: {  	_ =	shalt  }
0x44: {  	_ =	shalt  }
0x45: {  	_ =	shalt  }
0x46: {  	_ =	shalt  }
0x47: {  	_ =	shalt  }
0x48: {  	_ =	shalt  }
0x49: {  	_ =	shalt  }
0x4a: {  	_ =	shalt  }
0x4b: {  	_ =	shalt  }
0x4c: {  	_ =	shalt  }
0x4d: {  	_ =	shalt  }
0x4e: {  	_ =	shalt  }
0x4f: {  	_ =	shalt  }
0x50: {  	_ =	shalt  }
0x51: {  	_ =	shalt  }
0x52: {  	_ =	shalt  }
0x53: {  	_ =	shalt  }
0x54: {  	_ =	shalt  }
0x55: {  	_ =	shalt  }
0x56: {  	_ =	shalt  }
0x57: {  	_ =	shalt  }
0x58: {  	_ =	shalt  }
0x59: {  	_ =	shalt  }
0x5a: {  	_ =	shalt  }
0x5b: {  	_ =	shalt  }
0x5c: {  	_ =	shalt  }
0x5d: {  	_ =	shalt  }
0x5e: {  	_ =	shalt  }
0x5f: {  	_ =	shalt  }
0x60: {  	_ =	shalt  }
0x61: {  	_ =	shalt  }
0x62: {  	_ =	shalt  }
0x63: {  	_ =	shalt  }
0x64: {  	_ =	shalt  }
0x65: {  	_ =	shalt  }
0x66: {  	_ =	shalt  }
0x67: {  	_ =	shalt  }
0x68: {  	_ =	shalt  }
0x69: {  	_ =	shalt  }
0x6a: {  	_ =	shalt  }
0x6b: {  	_ =	shalt  }
0x6c: {  	_ =	shalt  }
0x6d: {  	_ =	shalt  }
0x6e: {  	_ =	shalt  }
0x6f: {  	_ =	shalt  }
0x70: {  	_ =	shalt  }
0x71: {  	_ =	shalt  }
0x72: {  	_ =	shalt  }
0x73: {  	_ =	shalt  }
0x74: {  	_ =	shalt  }
0x75: {  	_ =	shalt  }
0x76: {  	_ =	shalt  }
0x77: {  	_ =	shalt  }
0x78: {  	_ =	shalt  }
0x79: {  	_ =	shalt  }
0x7a: {  	_ =	shalt  }
0x7b: {  	_ =	shalt  }
0x7c: {  	_ =	shalt  }
0x7d: {  	_ =	shalt  }
0x7e: {  	_ =	shalt  }
0x7f: {  	_ =	shalt  }
0x80: {  	_ =	shalt  }
0x81: {  	_ =	shalt  }
0x82: {  	_ =	shalt  }
0x83: {  	_ =	shalt  }
0x84: {  	_ =	shalt  }
0x85: {  	_ =	shalt  }
0x86: {  	_ =	shalt  }
0x87: {  	_ =	shalt  }
.Lfunc_end0:
.L_simem_size_0:
called_computation.1_lowered:
.L_overlay_start_0:
0x88: {  	s2 =	sld [smem:$0x3FD9]  }
0x89: {  	s3 =	sld [smem:$0x3FFE];
	_ =	sdelay $0x1  }
0x8a: {  	s1 =	srdreg.scid  }
0x8b: {  	s0 =	sand.u32 $0x1, s1  }
0x8c: {  	s16 =	sshll.u32 s0, $0xA;
	s2 =	sadd.s32 s3, s2  }
0x8d: {  	s2 =	sadd.s32 s2, s16  }
0x8e: {  	[smem:$0x3FB8] =	sst s2  }
0x8f: {  	_ = 	snop  }
0x90: {  	(tm) =	ssettm $0x1  }
0x91: {  	s17 =	sld [smem:$0x3FFB];
	_ =	sdelay $0x3  }
0x92: {  	_ =	strace s17  }
0x93: {  	s2 =	sld [smem:$0x3FFC];
	_ =	sdelay $0x3  }
0x94: {  	_ =	strace s2  }
0x95: {  	s2 =	sld [smem:$0x3FFD];
	_ =	sdelay $0x3  }
0x96: {  	_ =	strace s2  }
0x97: {  	_ =	strace $0x8FFFFFFF  }
0x98: {  	s18 =	sld [smem:$0x3FDB];
	_ =	sdelay $0x1  }
0x99: {  	s19 =	simm.s32 $_scs_section_size  }
0x9a: {  	s4 =	simm.s32 $_size__tile_overlayer_lowered;
	s5 =	simm.s32 $_tile_overlayer_lowered  }
0x9b: {  	s22 =	simm.s32 $0x1BFF;
	s21 =	sshll.u32 s5, $0x1;
	s2 =	sadd.s32 s19, s18  }
0x9c: {  	s6 =	simm.s32 $0x0;
	s20 =	sshll.u32 s4, $0x1;
	s4 =	sadd.s32 s21, s2  }
0x9d: {  	[timem:s6], [sflag:s22] =	dma.local [hbm:s4], s20  }
0x9e: {  	_ =	swait.ge [sflag:s22], s20  }
0x9f: {  	s3 =	ssub.s32 $0x0, s20;
	[sflag:s22] =	ssyncset.done $0x0  }
0xa0: {  	[sflag:s22] =	ssyncadd.s32 s3;
	_ =	sdelay $0x1  }
0xa1: {  	s23 =	simm.s32 $0x1B8B  }
0xa2: {  	_ =	swait.ge [sflag:s23], $0x1  }
0xa3: {  	[sflag:s23] =	ssyncset.done $0x0  }
0xa4: {  	s25 =	simm.s32 $0x1B8E;
	s24 =	sld [smem:$0x3FFE];
	[sflag:s23] =	ssyncadd.s32 $0xFFFFFFFF  }
0xa5: {  	s26 =	simm.s32 $execute0_lowered;
	[smem:$0x3FD2] =	sst s25  }
0xa6: {  	s4 =	sshll.u32 s26, $0x1;
	_ =	strace $0x80000049;
	[dreg:$0x1] =	wrdreg $0xFFFFFFFF  }
0xa7: {  	s28 =	simm.s32 $_size_execute0_lowered;
	s2 =	sadd.s32 s2, s4;
	[dreg:$0x0] =	wrdreg $0x0  }
0xa8: {  	s4 =	sshll.u32 s28, $0x1;
	[dreg:$0x2] =	wrdreg s2  }
0xa9: {  	[dreg:$0x3] =	wrdreg s4  }
0xaa: {  	[dreg:$0x4] =	wrdreg $0xC0  }
0xab: {  	_ =	task [dreg:s6], $0x5FFFF  }
0xac: {  	[dreg:$0x1] =	wrdreg $0xFFFFFFFF  }
0xad: {  	[dreg:$0x0] =	wrdreg $0x60  }
0xae: {  	[dreg:$0x2] =	wrdreg s24  }
0xaf: {  	[dreg:$0x3] =	wrdreg $0xDC000  }
0xb0: {  	[dreg:$0x4] =	wrdreg $0x9  }
0xb1: {  	_ =	task.clear_ibuf [dreg:s6], $0x5FFFF;
	_ =	strace $0x90000049  }
0xb2: {  	s29 =	simm.s32 $0x9;
	_ =	strace $0x8000004B  }
0xb3: {  	_ =	swait.ge [sflag:s29], $0x1  }
0xb4: {  	[sflag:s29] =	ssyncadd.s32 $0xFFFFFFFF  }
0xb5: {  	_ =	strace $0x9000004B  }
0xb6: {  	_ =	sfence  }
0xb7: {  	s30 =	sld [smem:$0x0];
	_ =	sdelay $0x2  }
0xb8: {  	s31 =	sshll.u32 s1, $0xD;
	s1 =	sshrl.u32 s1, $0x2  }
0xb9: {  	s3 =	sand.u32 $0x4000, s31;
	s1 =	sadd.s32 s1, s30  }
0xba: {  	s0 =	sor.u32 s3, s0;
	s1 =	sshll.u32 s1, $0x11  }
0xbb: {  	s0 =	sor.u32 s1, s0  }
0xbc: {  	s0 =	sadd.s32 $0x8F2B, s0  }
0xbd: {  	[sflag:s0] =	ssyncadd.remote.s32 $0x1  }
0xbe: {  	_ =	sfence.sel $0xFFFF  }
0xbf: {  	[dreg:$0x0] =	wrdreg $0xFFFFFFFF;
	(pc) =	sbr.abs _section_cstart, $3  }
0xc0: {  	[dreg:$0x1] =	wrdreg $0xFFFFFFFF  }
0xc1: {  	_ =	task.clear_ibuf [dreg:s6], $0x2FFFF;
	_ =	strace $0x9FFFFFFF  }
0xc2: {  	(tm) =	ssettm $0x7FFFFFFF  }
0xc3: {  	_ =	shalt  }
tec
execute0_lowered:
.L_overlay_start_1:
0x0: {  	(tag) =	ssettag $0x1  }
0x1: {  	s1 =	srdreg.scid;
	s6 =	rddreg [dreg:$0x0]  }
0x2: {  	s0 =	stileid.u32;
	s2 =	rddreg [dreg:$0x1];
	s3 =	simm.s32 $0x0  }
0x3: {  	s15 =	simm.s32 $0xA000;
	s16 =	simm.s32 $0xB400;
	s17 =	simm.s32 $0xC800  }
0x4: {  	s18 =	simm.s32 $0x1;
	s19 =	simm.s32 $0x2;
	s20 =	simm.s32 $0x3  }
0x5: {  	s21 =	simm.s32 $0x4F00;
	s22 =	simm.s32 $0x9E00;
	s23 =	simm.s32 $0x4F80  }
0x6: {  	s24 =	simm.s32 $0x9E80;
	s25 =	simm.s32 $0x9F00;
	s5 =	smul.u32 $0x5000, s0  }
0x7: {  	s26 =	simm.s32 $0x9F80;
	s7 =	sand.u32 $0x1, s1;
	s9 =	smul.u32 $0xC800, s0  }
0x8: {  	s28 =	simm.s32 $0x0;
	[smem:$0x7FF] =	sst s3;
	s8 =	smul.u32 $0x50000, s7  }
0x9: {  	s4 =	sadd.s32 $0x41E00, s6;
	s10 =	smul.u32 $0xC8000, s7;
	s31 =	ssub.s32 $0x2, s7  }
0xa: {  	s12 =	sshll.u32 s0, $0x6;
	_ =	strace $0x8000004A;
	s7 =	sshrl.u32 s31, $0x1  }
0xb: {  	s8 =	sadd.s32 s5, s8;
	s5 =	sshrl.u32 s5, $0x3;
	s10 =	sadd.s32 s9, s10  }
0xc: {  	s9 =	sshrl.u32 s9, $0x1;
	s13 =	ssub.s32 s31, s7;
	s8 =	sshrl.u32 s8, $0x3  }
0xd: {  	s11 =	sadd.s32 s5, s6;
	s10 =	sshrl.u32 s10, $0x4;
	s5 =	sadd.s32 $0x76600, s6  }
0xe: {  	s14 =	sadd.s32 s9, s2;
	s8 =	sadd.s32 s8, s6;
	s10 =	sadd.s32 s10, s6  }
0xf: {  	s6 =	sor.u32 $0x1C04, s12;
	s12 =	simm.s32 $0x4;
	s7 =	sadd.s32 $0x77400, s8  }
0x10: {  	s8 =	sadd.s32 $0xFE00, s11;
	s9 =	sadd.s32 $0x5AE00, s10;
	s10 =	smax.u32 s13, $0x1  }
0x11: {  	s11 =	sshrl.u32 s14, $0x3;
	s13 =	simm.s32 $0x5000;
	s14 =	simm.s32 $0x80  }
.LBB2_1:
0x12: {  	[spmem:s11], [sflag:s6] =	dma.local [hbm:s5], $0xC80  }
0x13: {  	_ =	swait.ge [sflag:s12], $0xC80  }
0x14: {  	[sflag:s12] =	ssyncset.done $0x0  }
0x15: {  	[sflag:s12] =	ssyncadd.s32 $0xFFFFF380  }
0x16: {  	[tilespmem:s3], [sflag:$0x4] =	stream.linear.gather [hbm4b:s7+s3], $0x5000, $0x38;
	[tilespmem:$0x14000] =	vst v63  }
0x17: {  	_ =	swait.ge [sflag:s12], $0x5000  }
0x18: {  	[sflag:s12] =	ssyncset.done $0x0  }
0x19: {  	[sflag:s12] =	ssyncadd.s32 $0xFFFFB000  }
0x1a: {  	[tilespmem:s13], [sflag:$0x4] =	stream.linear.gather [hbm4b:s8+s3], $0x5000, $0x38;
	[tilespmem:$0x14000] =	vst v63  }
0x1b: {  	_ =	swait.ge [sflag:s12], $0x5000  }
0x1c: {  	[sflag:s12] =	ssyncset.done $0x0  }
0x1d: {  	[sflag:s12] =	ssyncadd.s32 $0xFFFFB000  }
0x1e: {  	[bflag:$0x0] =	sbarrier.arrive $0xFFFF  }
0x1f: {  	[tilespmem:s15], [sflag:$0x1] =	stream.indirect.gather [hbm4b:s4+s14], $0x28, s3, s14, $0xb8;
	[tilespmem:$0x14000] =	vst v63  }
0x20: {  	_ = 	snop  }
0x21: {  	[tilespmem:s16], [sflag:$0x2] =	stream.indirect.gather [hbm4b:s4+s14], $0x28, s14, s14, $0xb8;
	[tilespmem:$0x14000] =	vst v63  }
0x22: {  	s29 =	simm.s32 $0x100  }
0x23: {  	[tilespmem:s17], [sflag:$0x3] =	stream.indirect.gather [hbm4b:s4+s14], $0x28, s29, s14, $0xb8;
	[tilespmem:$0x14000] =	vst v63  }
0x24: {  	_ =	swait.ge [sflag:s18], $0x1400  }
0x25: {  	[sflag:s18] =	ssyncset.done $0x0  }
0x26: {  	s29 =	simm.s32 $0x5000;
	[sflag:s18] =	ssyncadd.s32 $0xFFFFEC00  }
0x27: {  	[spmem:s2] =	stream.indirect.scatter.add.bf16 [tilespmem:s15], [sflag:$0x4], $0x28, s29, s14, $0xb8;
	[tilespmem:$0x14000] =	vst v63  }
0x28: {  	_ =	swait.ge [sflag:s12], $0x1400  }
0x29: {  	[sflag:s12] =	ssyncset.done $0x0  }
0x2a: {  	s29 =	simm.s32 $0x180;
	[sflag:s12] =	ssyncadd.s32 $0xFFFFEC00  }
0x2b: {  	[tilespmem:s15], [sflag:$0x1] =	stream.indirect.gather [hbm4b:s4+s14], $0x28, s29, s14, $0xb8;
	[tilespmem:$0x14000] =	vst v63  }
0x2c: {  	_ =	swait.ge [sflag:s19], $0x1400  }
0x2d: {  	[sflag:s19] =	ssyncset.done $0x0  }
0x2e: {  	s29 =	simm.s32 $0x5080;
	[sflag:s19] =	ssyncadd.s32 $0xFFFFEC00  }
0x2f: {  	[spmem:s2] =	stream.indirect.scatter.add.bf16 [tilespmem:s16], [sflag:$0x4], $0x28, s29, s14, $0xb8;
	[tilespmem:$0x14000] =	vst v63  }
0x30: {  	_ =	swait.ge [sflag:s12], $0x1400  }
0x31: {  	[sflag:s12] =	ssyncset.done $0x0  }
0x32: {  	s29 =	simm.s32 $0x200;
	[sflag:s12] =	ssyncadd.s32 $0xFFFFEC00  }
0x33: {  	[tilespmem:s16], [sflag:$0x2] =	stream.indirect.gather [hbm4b:s4+s14], $0x28, s29, s14, $0xb8;
	[tilespmem:$0x14000] =	vst v63  }
0x34: {  	_ =	swait.ge [sflag:s20], $0x1400  }
0x35: {  	[sflag:s20] =	ssyncset.done $0x0  }
0x36: {  	s29 =	simm.s32 $0x5100;
	[sflag:s20] =	ssyncadd.s32 $0xFFFFEC00  }
0x37: {  	[spmem:s2] =	stream.indirect.scatter.add.bf16 [tilespmem:s17], [sflag:$0x4], $0x28, s29, s14, $0xb8;
	[tilespmem:$0x14000] =	vst v63  }
0x38: {  	_ =	swait.ge [sflag:s12], $0x1400  }
0x39: {  	s30 =	simm.s32 $0xC00;
	s29 =	simm.s32 $0x180;
	[sflag:s12] =	ssyncset.done $0x0  }
.LBB2_2:
0x3a: {  	s31 =	sadd.s32 $0x100, s29  }
0x3b: {  	[sflag:s12] =	ssyncadd.s32 $0xFFFFEC00;
	s1 =	smov.u32 s30;
	s0 =	sadd.s32 $0x600, s30  }
0x3c: {  	[tilespmem:s17], [sflag:$0x3] =	stream.indirect.gather [hbm4b:s4+s14], $0x28, s31, s14, $0xb8;
	[tilespmem:$0x14000] =	vst v63  }
0x3d: {  	p0 =	sne.s32 s30, $0x13200;
	_ =	swait.ge [sflag:s18], $0x1400  }
0x3e: {  	[sflag:s18] =	ssyncset.done $0x0  }
0x3f: {  	s30 =	sadd.s32 $0x5000, s29;
	[sflag:s18] =	ssyncadd.s32 $0xFFFFEC00  }
0x40: {  	[spmem:s2] =	stream.indirect.scatter.add.bf16 [tilespmem:s15], [sflag:$0x4], $0x28, s30, s14, $0xb8;
	[tilespmem:$0x14000] =	vst v63  }
0x41: {  	_ =	swait.ge [sflag:s12], $0x1400  }
0x42: {  	[sflag:s12] =	ssyncset.done $0x0  }
0x43: {  	s30 =	sadd.s32 $0x180, s29;
	[sflag:s12] =	ssyncadd.s32 $0xFFFFEC00  }
0x44: {  	[tilespmem:s15], [sflag:$0x1] =	stream.indirect.gather [hbm4b:s4+s14], $0x28, s30, s14, $0xb8;
	[tilespmem:$0x14000] =	vst v63  }
0x45: {  	_ =	swait.ge [sflag:s19], $0x1400  }
0x46: {  	[sflag:s19] =	ssyncset.done $0x0  }
0x47: {  	s30 =	sadd.s32 $0x5080, s29;
	[sflag:s19] =	ssyncadd.s32 $0xFFFFEC00  }
0x48: {  	[spmem:s2] =	stream.indirect.scatter.add.bf16 [tilespmem:s16], [sflag:$0x4], $0x28, s30, s14, $0xb8;
	[tilespmem:$0x14000] =	vst v63  }
0x49: {  	_ =	swait.ge [sflag:s12], $0x1400  }
0x4a: {  	[sflag:s12] =	ssyncset.done $0x0  }
0x4b: {  	s30 =	sadd.s32 $0x200, s29;
	[sflag:s12] =	ssyncadd.s32 $0xFFFFEC00  }
0x4c: {  	[tilespmem:s16], [sflag:$0x2] =	stream.indirect.gather [hbm4b:s4+s14], $0x28, s30, s14, $0xb8;
	[tilespmem:$0x14000] =	vst v63  }
0x4d: {  	_ =	swait.ge [sflag:s20], $0x1400  }
.Ltmp0:
0x4e: {  	[sflag:s20] =	ssyncset.done $0x0;
	(pc) =	sbr.rel @p0 .LBB2_2-.Ltmp0, $4  }
0x4f: {  	s29 =	sadd.s32 $0x5100, s29;
	[sflag:s20] =	ssyncadd.s32 $0xFFFFEC00  }
0x50: {  	[spmem:s2] =	stream.indirect.scatter.add.bf16 [tilespmem:s17], [sflag:$0x4], $0x28, s29, s14, $0xb8;
	[tilespmem:$0x14000] =	vst v63  }
0x51: {  	_ =	swait.ge [sflag:s12], $0x1400  }
0x52: {  	s30 =	smov.u32 s0;
	s29 =	sshra.s32 s1, $0x2;
	[sflag:s12] =	ssyncset.done $0x0  }
0x53: {  	s0 =	sadd.s32 $0x100, s29;
	[sflag:s12] =	ssyncadd.s32 $0xFFFFEC00  }
0x54: {  	[tilespmem:s17], [sflag:$0x3] =	stream.indirect.gather [hbm4b:s4+s14], $0x28, s0, s14, $0xb8;
	[tilespmem:$0x14000] =	vst v63  }
0x55: {  	_ =	swait.ge [sflag:s18], $0x1400  }
0x56: {  	[sflag:s18] =	ssyncset.done $0x0  }
0x57: {  	s30 =	sadd.s32 $0x5000, s29;
	[sflag:s18] =	ssyncadd.s32 $0xFFFFEC00  }
0x58: {  	[spmem:s2] =	stream.indirect.scatter.add.bf16 [tilespmem:s15], [sflag:$0x4], $0x28, s30, s14, $0xb8;
	[tilespmem:$0x14000] =	vst v63  }
0x59: {  	_ =	swait.ge [sflag:s12], $0x1400  }
0x5a: {  	[sflag:s12] =	ssyncset.done $0x0  }
0x5b: {  	s31 =	sadd.s32 $0x180, s29;
	[sflag:s12] =	ssyncadd.s32 $0xFFFFEC00  }
0x5c: {  	[tilespmem:s15], [sflag:$0x1] =	stream.indirect.gather [hbm4b:s4+s14], $0x28, s31, s14, $0xb8;
	[tilespmem:$0x14000] =	vst v63  }
0x5d: {  	_ =	swait.ge [sflag:s19], $0x1400  }
0x5e: {  	[sflag:s19] =	ssyncset.done $0x0  }
0x5f: {  	s1 =	sadd.s32 $0x5080, s29;
	[sflag:s19] =	ssyncadd.s32 $0xFFFFEC00  }
0x60: {  	[spmem:s2] =	stream.indirect.scatter.add.bf16 [tilespmem:s16], [sflag:$0x4], $0x28, s1, s14, $0xb8;
	[tilespmem:$0x14000] =	vst v63  }
0x61: {  	_ =	swait.ge [sflag:s12], $0x1400  }
0x62: {  	[sflag:s12] =	ssyncset.done $0x0  }
0x63: {  	s30 =	sadd.s32 $0x200, s29;
	[sflag:s12] =	ssyncadd.s32 $0xFFFFEC00  }
0x64: {  	[tilespmem:s16], [sflag:$0x2] =	stream.indirect.gather [hbm4b:s4+s14], $0x28, s30, s14, $0xb8;
	[tilespmem:$0x14000] =	vst v63  }
0x65: {  	_ =	swait.ge [sflag:s20], $0x1400  }
0x66: {  	[sflag:s20] =	ssyncset.done $0x0  }
0x67: {  	s31 =	sadd.s32 $0x5100, s29;
	[sflag:s20] =	ssyncadd.s32 $0xFFFFEC00  }
0x68: {  	[spmem:s2] =	stream.indirect.scatter.add.bf16 [tilespmem:s17], [sflag:$0x4], $0x28, s31, s14, $0xb8;
	[tilespmem:$0x14000] =	vst v63  }
0x69: {  	_ =	swait.ge [sflag:s12], $0x1400  }
0x6a: {  	[sflag:s12] =	ssyncset.done $0x0  }
0x6b: {  	[sflag:s12] =	ssyncadd.s32 $0xFFFFEC00  }
0x6c: {  	[tilespmem:s17], [sflag:$0x3] =	stream.indirect.gather [hbm4b:s4+s14], $0x28, s21, s14, $0xb8;
	[tilespmem:$0x14000] =	vst v63  }
0x6d: {  	_ =	swait.ge [sflag:s18], $0x1400  }
0x6e: {  	[sflag:s18] =	ssyncset.done $0x0  }
0x6f: {  	[sflag:s18] =	ssyncadd.s32 $0xFFFFEC00  }
0x70: {  	[spmem:s2] =	stream.indirect.scatter.add.bf16 [tilespmem:s15], [sflag:$0x4], $0x28, s22, s14, $0xb8;
	[tilespmem:$0x14000] =	vst v63  }
0x71: {  	_ =	swait.ge [sflag:s12], $0x1400  }
0x72: {  	[sflag:s12] =	ssyncset.done $0x0  }
0x73: {  	[sflag:s12] =	ssyncadd.s32 $0xFFFFEC00  }
0x74: {  	[tilespmem:s15], [sflag:$0x1] =	stream.indirect.gather [hbm4b:s4+s14], $0x28, s23, s14, $0xb8;
	[tilespmem:$0x14000] =	vst v63  }
0x75: {  	_ =	swait.ge [sflag:s19], $0x1400  }
0x76: {  	[sflag:s19] =	ssyncset.done $0x0  }
0x77: {  	[sflag:s19] =	ssyncadd.s32 $0xFFFFEC00  }
0x78: {  	[spmem:s2] =	stream.indirect.scatter.add.bf16 [tilespmem:s16], [sflag:$0x4], $0x28, s24, s14, $0xb8;
	[tilespmem:$0x14000] =	vst v63  }
0x79: {  	_ =	swait.ge [sflag:s12], $0x1400  }
0x7a: {  	[sflag:s12] =	ssyncset.done $0x0  }
0x7b: {  	[sflag:s12] =	ssyncadd.s32 $0xFFFFEC00  }
0x7c: {  	_ =	swait.ge [sflag:s20], $0x1400  }
0x7d: {  	[sflag:s20] =	ssyncset.done $0x0  }
0x7e: {  	[sflag:s20] =	ssyncadd.s32 $0xFFFFEC00  }
0x7f: {  	[spmem:s2] =	stream.indirect.scatter.add.bf16 [tilespmem:s17], [sflag:$0x4], $0x28, s25, s14, $0xb8;
	[tilespmem:$0x14000] =	vst v63  }
0x80: {  	_ =	swait.ge [sflag:s12], $0x1400  }
0x81: {  	[sflag:s12] =	ssyncset.done $0x0  }
0x82: {  	[sflag:s12] =	ssyncadd.s32 $0xFFFFEC00  }
0x83: {  	_ =	swait.ge [sflag:s18], $0x1400  }
0x84: {  	[sflag:s18] =	ssyncset.done $0x0  }
0x85: {  	[sflag:s18] =	ssyncadd.s32 $0xFFFFEC00  }
0x86: {  	[spmem:s2] =	stream.indirect.scatter.add.bf16 [tilespmem:s15], [sflag:$0x4], $0x28, s26, s14, $0xb8;
	[tilespmem:$0x14000] =	vst v63  }
0x87: {  	_ =	swait.ge [sflag:s12], $0x1400  }
0x88: {  	s28 =	sadd.s32 $0x1, s28;
	[sflag:s12] =	ssyncset.done $0x0  }
0x89: {  	p0 =	sne.s32 s28, s10;
	[sflag:s12] =	ssyncadd.s32 $0xFFFFEC00  }
.Ltmp1:
0x8a: {  	[bflag:$0x0] =	sbarrier.arrive $0xFFFF;
	(pc) =	sbr.rel @p0 .LBB2_1-.Ltmp1, $4  }
0x8b: {  	[hbm:s9], [sflag:s6] =	dma.local [spmem:s11], $0xC80  }
0x8c: {  	_ =	swait.ge [sflag:s12], $0xC80  }
0x8d: {  	[sflag:s12] =	ssyncset.done $0x0  }
0x8e: {  	[sflag:s12] =	ssyncadd.s32 $0xFFFFF380  }
0x8f: {  	_ =	sfence.sel $0x180000  }
0x90: {  	[bflag:$0x0] =	sbarrier.arrive $0xFFFF  }
0x91: {  	_ =	strace $0x9000004A  }
0x92: {  	s0 =	stileid.u32;
	[bflag:$0x2] =	sbarrier.arrive $0xFFFF  }
0x93: {  	p0 =	sne.s32 s0, $0x0;
	s0 =	rddreg [dreg:$0x2]  }
0x94: {  	s0 =	sadd.s32 @!p0 $0x100000, s0  }
0x95: {  	[sflag:s0] =	ssyncadd.tile.s32 @!p0 $0x1;
	_ =	shalt  }
.Lfunc_end2:
_tile_overlayer_lowered:
.L_overlay_start_2:
0x96: {  	(tag) =	ssettag $0x2  }
0x97: {  	s0 =	rddreg [dreg:$0x0];
	s2 =	stileid.u32  }
0x98: {  	s1 =	rddreg [dreg:$0x1];
	p0 =	sne.s32 s2, $0x0  }
0x99: {  	s3 =	rddreg [dreg:$0x2];
	[bflag:$0x3] =	sbarrier.arrive $0xFFFF;
	s2 =	simm.s32 @!p0 $0x1C04  }
0x9a: {  	[timem:s3], [sflag:s2] =	dma.local @!p0 [hbm:s0], s1  }
0x9b: {  	s0 =	simm.s32 @!p0 $0x4  }
0x9c: {  	_ =	swait.ge @!p0 [sflag:s0], s1  }
0x9d: {  	s1 =	ssub.s32 @!p0 $0x0, s1;
	[sflag:s0] =	ssyncset.done @!p0 $0x0  }
0x9e: {  	[sflag:s0] =	ssyncadd.s32 @!p0 s1  }
0x9f: {  	[bflag:$0x3] =	sbarrier.arrive $0xFFFF  }
0xa0: {  	_ =	shalt  }

// kernel: kernel.23.cloned.1.call-start
scs
__scs_entry_jumppad:
0x0: {  	(pc) =	sbr.rel $0x88, $3  }
0x1: {  	(tag) =	ssettag $0x0;
	lr =	simm.s32 $0x1  }
0x2: {  	[smem:$0x3F91] =	sst lr;
	_ =	strace $0xD0000000  }
0x3: {  	_ = 	snop  }
0x4: {  	_ = 	snop  }
0x5: {  	_ = 	snop  }
0x6: {  	_ = 	snop  }
0x7: {  	_ = 	snop  }
__scs_overlays_trampoline_lowered:
0x8: {  	[smem:$0x3FA0] =	sst s0  }
0x9: {  	[smem:$0x3FA1] =	sst s1  }
0xa: {  	[smem:$0x3FA2] =	sst s2  }
0xb: {  	[smem:$0x3FA3] =	sst s3  }
0xc: {  	[smem:$0x3FA4] =	sst s4  }
0xd: {  	[smem:$0x3FA5] =	sst s5  }
0xe: {  	[smem:$0x3FA6] =	sst s6  }
0xf: {  	[smem:$0x3FA7] =	sst s7  }
0x10: {  	[smem:$0x3FA8] =	sst s8  }
0x11: {  	[smem:$0x3FA9] =	sst s9;
	s0 =	simm.s32 @!p0 $0x0  }
0x12: {  	s1 =	sld [smem:$0x3F8F];
	s0 =	simm.s32 @p0 $0x1  }
0x13: {  	[smem:$0x3FAA] =	sst s0;
	s0 =	simm.s32 @!p1 $0x0  }
0x14: {  	s2 =	sld [smem:$0x3F8E];
	s0 =	simm.s32 @p1 $0x1  }
0x15: {  	[smem:$0x3FAB] =	sst s0;
	s0 =	simm.s32 @!p2 $0x0  }
0x16: {  	s3 =	sld [smem:$0x3FDB];
	s0 =	simm.s32 @p2 $0x1  }
0x17: {  	s4 =	simm.s32 $0x1BF5;
	[smem:$0x3FAD] =	sst s0  }
0x18: {  	s0 =	sld [smem:$0x3F90];
	_ =	swait.ge [sflag:s4], $0x0  }
0x19: {  	s7 =	sld [smem:$0x3F91]  }
0x1a: {  	s8 =	sadd.s32 $0xFFFFE003, lr  }
0x1b: {  	s9 =	sadd.s32 $0xFFFFFEF7, lr;
	s5 =	simm.s32 $0xFFFFFFFF;
	p2 =	slt.u32 s8, $0xFFFFF086  }
0x1c: {  	p1 =	slt.u32 s9, $0xF7A;
	s5 =	simm.s32 @!p2 $0x0  }
0x1d: {  	s5 =	simm.s32 @p1 $0x1;
	p0 =	seq.s32 s7, s2  }
0x1e: {  	s7 =	smul.u32 @!p0 $0xF7A, s2;
	p2 =	seq.s32 @!p0 s5, $0x0  }
0x1f: {  	s9 =	smul.u32 $0xF7A, s1;
	s8 =	simm.s32 @!p0 $0x1BF5;
	p2 =	por !p2, p0  }
0x20: {  	[sflag:s8] =	ssyncset.s32 @!p0 $0xFFFFF086;
	s6 =	sadd.s32 @!p0 s3, s7;
	s7 =	simm.s32 @!p0 $0x108  }
0x21: {  	s3 =	sadd.s32 s3, s9;
	s6 =	sadd.s32 @!p0 $0x88, s6;
	s7 =	simm.s32 @p2 $0x1082  }
0x22: {  	[simem:s7], [sflag:s8] =	dma.local @!p0 [hbm:s6], $0xF7A  }
0x23: {  	s9 =	sor.u32 $0xD0000000, s2;
	s6 =	simm.s32 $0x108;
	_ =	swait.ge @!p0 [sflag:s8], $0x0  }
0x24: {  	s3 =	sadd.s32 $0x88, s3;
	s6 =	simm.s32 @!p1 $0x1082;
	[sflag:s4] =	ssyncset.s32 $0xFFFFF086  }
0x25: {  	[simem:s6], [sflag:s4] =	dma.local [hbm:s3], $0xF7A  }
0x26: {  	[smem:$0x3F91] =	sst s1;
	(tag) =	ssettag s2;
	_ =	strace s9  }
0x27: {  	s1 =	sld [smem:$0x3FA1]  }
0x28: {  	s2 =	sld [smem:$0x3FA2]  }
0x29: {  	s4 =	sld [smem:$0x3FA4]  }
0x2a: {  	p0 =	seq.s32 s5, $0x0;
	s5 =	sld [smem:$0x3FA5]  }
0x2b: {  	s6 =	sld [smem:$0x3FA6]  }
0x2c: {  	s7 =	sld [smem:$0x3FA7]  }
0x2d: {  	s3 =	simm.s32 $0x108;
	s8 =	sld [smem:$0x3FA8]  }
0x2e: {  	s3 =	simm.s32 @!p0 $0x1082;
	s9 =	sld [smem:$0x3FA9]  }
0x2f: {  	lr =	sadd.s32 s0, s3;
	s0 =	sld [smem:$0x3FA0]  }
0x30: {  	s3 =	sld [smem:$0x3FA3]  }
0x31: {  	[smem:$0x3FAC] =	sst s10  }
0x32: {  	s10 =	sld [smem:$0x3FAA];
	_ =	sdelay $0x3  }
0x33: {  	p0 =	seq.s32 s10, $0x1;
	s10 =	sld [smem:$0x3FAC];
	_ =	sdelay $0x3  }
0x34: {  	[smem:$0x3FAC] =	sst s10  }
0x35: {  	s10 =	sld [smem:$0x3FAB];
	_ =	sdelay $0x3  }
0x36: {  	p1 =	seq.s32 s10, $0x1;
	s10 =	sld [smem:$0x3FAC];
	_ =	sdelay $0x3  }
0x37: {  	[smem:$0x3FAC] =	sst s10  }
0x38: {  	s10 =	sld [smem:$0x3FAD]  }
0x39: {  	_ = 	snop;
	(pc) =	sbr.ind lr, $3  }
0x3a: {  	_ = 	snop  }
0x3b: {  	_ = 	snop  }
0x3c: {  	p2 =	seq.s32 s10, $0x1;
	s10 =	sld [smem:$0x3FAC]  }
0x3d: {  	_ =	shalt  }
0x3e: {  	_ =	shalt  }
0x3f: {  	_ =	shalt  }
0x40: {  	_ =	shalt  }
0x41: {  	_ =	shalt  }
0x42: {  	_ =	shalt  }
0x43: {  	_ =	shalt  }
0x44: {  	_ =	shalt  }
0x45: {  	_ =	shalt  }
0x46: {  	_ =	shalt  }
0x47: {  	_ =	shalt  }
0x48: {  	_ =	shalt  }
0x49: {  	_ =	shalt  }
0x4a: {  	_ =	shalt  }
0x4b: {  	_ =	shalt  }
0x4c: {  	_ =	shalt  }
0x4d: {  	_ =	shalt  }
0x4e: {  	_ =	shalt  }
0x4f: {  	_ =	shalt  }
0x50: {  	_ =	shalt  }
0x51: {  	_ =	shalt  }
0x52: {  	_ =	shalt  }
0x53: {  	_ =	shalt  }
0x54: {  	_ =	shalt  }
0x55: {  	_ =	shalt  }
0x56: {  	_ =	shalt  }
0x57: {  	_ =	shalt  }
0x58: {  	_ =	shalt  }
0x59: {  	_ =	shalt  }
0x5a: {  	_ =	shalt  }
0x5b: {  	_ =	shalt  }
0x5c: {  	_ =	shalt  }
0x5d: {  	_ =	shalt  }
0x5e: {  	_ =	shalt  }
0x5f: {  	_ =	shalt  }
0x60: {  	_ =	shalt  }
0x61: {  	_ =	shalt  }
0x62: {  	_ =	shalt  }
0x63: {  	_ =	shalt  }
0x64: {  	_ =	shalt  }
0x65: {  	_ =	shalt  }
0x66: {  	_ =	shalt  }
0x67: {  	_ =	shalt  }
0x68: {  	_ =	shalt  }
0x69: {  	_ =	shalt  }
0x6a: {  	_ =	shalt  }
0x6b: {  	_ =	shalt  }
0x6c: {  	_ =	shalt  }
0x6d: {  	_ =	shalt  }
0x6e: {  	_ =	shalt  }
0x6f: {  	_ =	shalt  }
0x70: {  	_ =	shalt  }
0x71: {  	_ =	shalt  }
0x72: {  	_ =	shalt  }
0x73: {  	_ =	shalt  }
0x74: {  	_ =	shalt  }
0x75: {  	_ =	shalt  }
0x76: {  	_ =	shalt  }
0x77: {  	_ =	shalt  }
0x78: {  	_ =	shalt  }
0x79: {  	_ =	shalt  }
0x7a: {  	_ =	shalt  }
0x7b: {  	_ =	shalt  }
0x7c: {  	_ =	shalt  }
0x7d: {  	_ =	shalt  }
0x7e: {  	_ =	shalt  }
0x7f: {  	_ =	shalt  }
0x80: {  	_ =	shalt  }
0x81: {  	_ =	shalt  }
0x82: {  	_ =	shalt  }
0x83: {  	_ =	shalt  }
0x84: {  	_ =	shalt  }
0x85: {  	_ =	shalt  }
0x86: {  	_ =	shalt  }
0x87: {  	_ =	shalt  }
.Lfunc_end0:
.L_simem_size_0:
called_computation.2_lowered:
.L_overlay_start_0:
0x88: {  	s2 =	sld [smem:$0x3FD9]  }
0x89: {  	s3 =	sld [smem:$0x3FFE];
	_ =	sdelay $0x1  }
0x8a: {  	s1 =	srdreg.scid  }
0x8b: {  	s0 =	sand.u32 $0x1, s1  }
0x8c: {  	s16 =	sshll.u32 s0, $0xA;
	s2 =	sadd.s32 s3, s2  }
0x8d: {  	s2 =	sadd.s32 s2, s16  }
0x8e: {  	[smem:$0x3FB8] =	sst s2  }
0x8f: {  	_ = 	snop  }
0x90: {  	(tm) =	ssettm $0x1  }
0x91: {  	s17 =	sld [smem:$0x3FFB];
	_ =	sdelay $0x3  }
0x92: {  	_ =	strace s17  }
0x93: {  	s2 =	sld [smem:$0x3FFC];
	_ =	sdelay $0x3  }
0x94: {  	_ =	strace s2  }
0x95: {  	s2 =	sld [smem:$0x3FFD];
	_ =	sdelay $0x3  }
0x96: {  	_ =	strace s2  }
0x97: {  	_ =	strace $0x8FFFFFFF  }
0x98: {  	s18 =	sld [smem:$0x3FDB];
	_ =	sdelay $0x1  }
0x99: {  	s19 =	simm.s32 $_scs_section_size  }
0x9a: {  	s4 =	simm.s32 $_size__tile_overlayer_lowered;
	s5 =	simm.s32 $_tile_overlayer_lowered  }
0x9b: {  	s22 =	simm.s32 $0x1BFF;
	s21 =	sshll.u32 s5, $0x1;
	s2 =	sadd.s32 s19, s18  }
0x9c: {  	s6 =	simm.s32 $0x0;
	s20 =	sshll.u32 s4, $0x1;
	s4 =	sadd.s32 s21, s2  }
0x9d: {  	[timem:s6], [sflag:s22] =	dma.local [hbm:s4], s20  }
0x9e: {  	_ =	swait.ge [sflag:s22], s20  }
0x9f: {  	s3 =	ssub.s32 $0x0, s20;
	[sflag:s22] =	ssyncset.done $0x0  }
0xa0: {  	[sflag:s22] =	ssyncadd.s32 s3;
	_ =	sdelay $0x1  }
0xa1: {  	s23 =	simm.s32 $0x1B8B  }
0xa2: {  	_ =	swait.ge [sflag:s23], $0x1  }
0xa3: {  	[sflag:s23] =	ssyncset.done $0x0  }
0xa4: {  	s25 =	simm.s32 $0x1B8E;
	s24 =	sld [smem:$0x3FFE];
	[sflag:s23] =	ssyncadd.s32 $0xFFFFFFFF  }
0xa5: {  	s26 =	simm.s32 $execute0_lowered;
	[smem:$0x3FD2] =	sst s25  }
0xa6: {  	s4 =	sshll.u32 s26, $0x1;
	_ =	strace $0x8000004C;
	[dreg:$0x1] =	wrdreg $0xFFFFFFFF  }
0xa7: {  	s28 =	simm.s32 $_size_execute0_lowered;
	s2 =	sadd.s32 s2, s4;
	[dreg:$0x0] =	wrdreg $0x0  }
0xa8: {  	s4 =	sshll.u32 s28, $0x1;
	[dreg:$0x2] =	wrdreg s2  }
0xa9: {  	[dreg:$0x3] =	wrdreg s4  }
0xaa: {  	[dreg:$0x4] =	wrdreg $0xC0  }
0xab: {  	_ =	task [dreg:s6], $0x5FFFF  }
0xac: {  	[dreg:$0x1] =	wrdreg $0xFFFFFFFF  }
0xad: {  	[dreg:$0x0] =	wrdreg $0x60  }
0xae: {  	[dreg:$0x2] =	wrdreg s24  }
0xaf: {  	[dreg:$0x3] =	wrdreg $0xDC000  }
0xb0: {  	[dreg:$0x4] =	wrdreg $0x9  }
0xb1: {  	_ =	task.clear_ibuf [dreg:s6], $0x5FFFF;
	_ =	strace $0x9000004C  }
0xb2: {  	s29 =	simm.s32 $0x9;
	_ =	strace $0x8000004E  }
0xb3: {  	_ =	swait.ge [sflag:s29], $0x1  }
0xb4: {  	[sflag:s29] =	ssyncadd.s32 $0xFFFFFFFF  }
0xb5: {  	_ =	strace $0x9000004E  }
0xb6: {  	_ =	sfence  }
0xb7: {  	s30 =	sld [smem:$0x0];
	_ =	sdelay $0x2  }
0xb8: {  	s31 =	sshll.u32 s1, $0xD;
	s1 =	sshrl.u32 s1, $0x2  }
0xb9: {  	s3 =	sand.u32 $0x4000, s31;
	s1 =	sadd.s32 s1, s30  }
0xba: {  	s0 =	sor.u32 s3, s0;
	s1 =	sshll.u32 s1, $0x11  }
0xbb: {  	s0 =	sor.u32 s1, s0  }
0xbc: {  	s0 =	sadd.s32 $0x8F2B, s0  }
0xbd: {  	[sflag:s0] =	ssyncadd.remote.s32 $0x1  }
0xbe: {  	_ =	sfence.sel $0xFFFF  }
0xbf: {  	[dreg:$0x0] =	wrdreg $0xFFFFFFFF;
	(pc) =	sbr.abs _section_cstart, $3  }
0xc0: {  	[dreg:$0x1] =	wrdreg $0xFFFFFFFF  }
0xc1: {  	_ =	task.clear_ibuf [dreg:s6], $0x2FFFF;
	_ =	strace $0x9FFFFFFF  }
0xc2: {  	(tm) =	ssettm $0x7FFFFFFF  }
0xc3: {  	_ =	shalt  }
tec
execute0_lowered:
.L_overlay_start_1:
0x0: {  	(tag) =	ssettag $0x1  }
0x1: {  	s1 =	srdreg.scid;
	s6 =	rddreg [dreg:$0x0]  }
0x2: {  	s0 =	stileid.u32;
	s2 =	rddreg [dreg:$0x1];
	s3 =	simm.s32 $0x0  }
0x3: {  	s15 =	simm.s32 $0xA000;
	s16 =	simm.s32 $0xB400;
	s17 =	simm.s32 $0xC800  }
0x4: {  	s18 =	simm.s32 $0x1;
	s19 =	simm.s32 $0x2;
	s20 =	simm.s32 $0x3  }
0x5: {  	s21 =	simm.s32 $0x4F00;
	s22 =	simm.s32 $0x9E00;
	s23 =	simm.s32 $0x4F80  }
0x6: {  	s24 =	simm.s32 $0x9E80;
	s25 =	simm.s32 $0x9F00;
	s5 =	smul.u32 $0x5000, s0  }
0x7: {  	s26 =	simm.s32 $0x9F80;
	s7 =	sand.u32 $0x1, s1;
	s9 =	smul.u32 $0xC800, s0  }
0x8: {  	s28 =	simm.s32 $0x0;
	[smem:$0x7FF] =	sst s3;
	s8 =	smul.u32 $0x50000, s7  }
0x9: {  	s4 =	sadd.s32 $0x8B400, s6;
	s10 =	smul.u32 $0xC8000, s7;
	s31 =	ssub.s32 $0x2, s7  }
0xa: {  	s12 =	sshll.u32 s0, $0x6;
	_ =	strace $0x8000004D;
	s7 =	sshrl.u32 s31, $0x1  }
0xb: {  	s8 =	sadd.s32 s5, s8;
	s5 =	sshrl.u32 s5, $0x3;
	s10 =	sadd.s32 s9, s10  }
0xc: {  	s9 =	sshrl.u32 s9, $0x1;
	s13 =	ssub.s32 s31, s7;
	s8 =	sshrl.u32 s8, $0x3  }
0xd: {  	s11 =	sadd.s32 s5, s6;
	s10 =	sshrl.u32 s10, $0x4;
	s5 =	sadd.s32 $0x76600, s6  }
0xe: {  	s14 =	sadd.s32 s9, s2;
	s8 =	sadd.s32 s8, s6;
	s10 =	sadd.s32 s10, s6  }
0xf: {  	s6 =	sor.u32 $0x1C04, s12;
	s12 =	simm.s32 $0x4;
	s7 =	sadd.s32 $0x77400, s8  }
0x10: {  	s8 =	sadd.s32 $0xFE00, s11;
	s9 =	sadd.s32 $0xA4400, s10;
	s10 =	smax.u32 s13, $0x1  }
0x11: {  	s11 =	sshrl.u32 s14, $0x3;
	s13 =	simm.s32 $0x5000;
	s14 =	simm.s32 $0x80  }
.LBB2_1:
0x12: {  	[spmem:s11], [sflag:s6] =	dma.local [hbm:s5], $0xC80  }
0x13: {  	_ =	swait.ge [sflag:s12], $0xC80  }
0x14: {  	[sflag:s12] =	ssyncset.done $0x0  }
0x15: {  	[sflag:s12] =	ssyncadd.s32 $0xFFFFF380  }
0x16: {  	[tilespmem:s3], [sflag:$0x4] =	stream.linear.gather [hbm4b:s7+s3], $0x5000, $0x38;
	[tilespmem:$0x14000] =	vst v63  }
0x17: {  	_ =	swait.ge [sflag:s12], $0x5000  }
0x18: {  	[sflag:s12] =	ssyncset.done $0x0  }
0x19: {  	[sflag:s12] =	ssyncadd.s32 $0xFFFFB000  }
0x1a: {  	[tilespmem:s13], [sflag:$0x4] =	stream.linear.gather [hbm4b:s8+s3], $0x5000, $0x38;
	[tilespmem:$0x14000] =	vst v63  }
0x1b: {  	_ =	swait.ge [sflag:s12], $0x5000  }
0x1c: {  	[sflag:s12] =	ssyncset.done $0x0  }
0x1d: {  	[sflag:s12] =	ssyncadd.s32 $0xFFFFB000  }
0x1e: {  	[bflag:$0x0] =	sbarrier.arrive $0xFFFF  }
0x1f: {  	[tilespmem:s15], [sflag:$0x1] =	stream.indirect.gather [hbm4b:s4+s14], $0x28, s3, s14, $0xb8;
	[tilespmem:$0x14000] =	vst v63  }
0x20: {  	_ = 	snop  }
0x21: {  	[tilespmem:s16], [sflag:$0x2] =	stream.indirect.gather [hbm4b:s4+s14], $0x28, s14, s14, $0xb8;
	[tilespmem:$0x14000] =	vst v63  }
0x22: {  	s29 =	simm.s32 $0x100  }
0x23: {  	[tilespmem:s17], [sflag:$0x3] =	stream.indirect.gather [hbm4b:s4+s14], $0x28, s29, s14, $0xb8;
	[tilespmem:$0x14000] =	vst v63  }
0x24: {  	_ =	swait.ge [sflag:s18], $0x1400  }
0x25: {  	[sflag:s18] =	ssyncset.done $0x0  }
0x26: {  	s29 =	simm.s32 $0x5000;
	[sflag:s18] =	ssyncadd.s32 $0xFFFFEC00  }
0x27: {  	[spmem:s2] =	stream.indirect.scatter.add.bf16 [tilespmem:s15], [sflag:$0x4], $0x28, s29, s14, $0xb8;
	[tilespmem:$0x14000] =	vst v63  }
0x28: {  	_ =	swait.ge [sflag:s12], $0x1400  }
0x29: {  	[sflag:s12] =	ssyncset.done $0x0  }
0x2a: {  	s29 =	simm.s32 $0x180;
	[sflag:s12] =	ssyncadd.s32 $0xFFFFEC00  }
0x2b: {  	[tilespmem:s15], [sflag:$0x1] =	stream.indirect.gather [hbm4b:s4+s14], $0x28, s29, s14, $0xb8;
	[tilespmem:$0x14000] =	vst v63  }
0x2c: {  	_ =	swait.ge [sflag:s19], $0x1400  }
0x2d: {  	[sflag:s19] =	ssyncset.done $0x0  }
0x2e: {  	s29 =	simm.s32 $0x5080;
	[sflag:s19] =	ssyncadd.s32 $0xFFFFEC00  }
0x2f: {  	[spmem:s2] =	stream.indirect.scatter.add.bf16 [tilespmem:s16], [sflag:$0x4], $0x28, s29, s14, $0xb8;
	[tilespmem:$0x14000] =	vst v63  }
0x30: {  	_ =	swait.ge [sflag:s12], $0x1400  }
0x31: {  	[sflag:s12] =	ssyncset.done $0x0  }
0x32: {  	s29 =	simm.s32 $0x200;
	[sflag:s12] =	ssyncadd.s32 $0xFFFFEC00  }
0x33: {  	[tilespmem:s16], [sflag:$0x2] =	stream.indirect.gather [hbm4b:s4+s14], $0x28, s29, s14, $0xb8;
	[tilespmem:$0x14000] =	vst v63  }
0x34: {  	_ =	swait.ge [sflag:s20], $0x1400  }
0x35: {  	[sflag:s20] =	ssyncset.done $0x0  }
0x36: {  	s29 =	simm.s32 $0x5100;
	[sflag:s20] =	ssyncadd.s32 $0xFFFFEC00  }
0x37: {  	[spmem:s2] =	stream.indirect.scatter.add.bf16 [tilespmem:s17], [sflag:$0x4], $0x28, s29, s14, $0xb8;
	[tilespmem:$0x14000] =	vst v63  }
0x38: {  	_ =	swait.ge [sflag:s12], $0x1400  }
0x39: {  	s30 =	simm.s32 $0xC00;
	s29 =	simm.s32 $0x180;
	[sflag:s12] =	ssyncset.done $0x0  }
.LBB2_2:
0x3a: {  	s31 =	sadd.s32 $0x100, s29  }
0x3b: {  	[sflag:s12] =	ssyncadd.s32 $0xFFFFEC00;
	s1 =	smov.u32 s30;
	s0 =	sadd.s32 $0x600, s30  }
0x3c: {  	[tilespmem:s17], [sflag:$0x3] =	stream.indirect.gather [hbm4b:s4+s14], $0x28, s31, s14, $0xb8;
	[tilespmem:$0x14000] =	vst v63  }
0x3d: {  	p0 =	sne.s32 s30, $0x13200;
	_ =	swait.ge [sflag:s18], $0x1400  }
0x3e: {  	[sflag:s18] =	ssyncset.done $0x0  }
0x3f: {  	s30 =	sadd.s32 $0x5000, s29;
	[sflag:s18] =	ssyncadd.s32 $0xFFFFEC00  }
0x40: {  	[spmem:s2] =	stream.indirect.scatter.add.bf16 [tilespmem:s15], [sflag:$0x4], $0x28, s30, s14, $0xb8;
	[tilespmem:$0x14000] =	vst v63  }
0x41: {  	_ =	swait.ge [sflag:s12], $0x1400  }
0x42: {  	[sflag:s12] =	ssyncset.done $0x0  }
0x43: {  	s30 =	sadd.s32 $0x180, s29;
	[sflag:s12] =	ssyncadd.s32 $0xFFFFEC00  }
0x44: {  	[tilespmem:s15], [sflag:$0x1] =	stream.indirect.gather [hbm4b:s4+s14], $0x28, s30, s14, $0xb8;
	[tilespmem:$0x14000] =	vst v63  }
0x45: {  	_ =	swait.ge [sflag:s19], $0x1400  }
0x46: {  	[sflag:s19] =	ssyncset.done $0x0  }
0x47: {  	s30 =	sadd.s32 $0x5080, s29;
	[sflag:s19] =	ssyncadd.s32 $0xFFFFEC00  }
0x48: {  	[spmem:s2] =	stream.indirect.scatter.add.bf16 [tilespmem:s16], [sflag:$0x4], $0x28, s30, s14, $0xb8;
	[tilespmem:$0x14000] =	vst v63  }
0x49: {  	_ =	swait.ge [sflag:s12], $0x1400  }
0x4a: {  	[sflag:s12] =	ssyncset.done $0x0  }
0x4b: {  	s30 =	sadd.s32 $0x200, s29;
	[sflag:s12] =	ssyncadd.s32 $0xFFFFEC00  }
0x4c: {  	[tilespmem:s16], [sflag:$0x2] =	stream.indirect.gather [hbm4b:s4+s14], $0x28, s30, s14, $0xb8;
	[tilespmem:$0x14000] =	vst v63  }
0x4d: {  	_ =	swait.ge [sflag:s20], $0x1400  }
.Ltmp0:
0x4e: {  	[sflag:s20] =	ssyncset.done $0x0;
	(pc) =	sbr.rel @p0 .LBB2_2-.Ltmp0, $4  }
0x4f: {  	s29 =	sadd.s32 $0x5100, s29;
	[sflag:s20] =	ssyncadd.s32 $0xFFFFEC00  }
0x50: {  	[spmem:s2] =	stream.indirect.scatter.add.bf16 [tilespmem:s17], [sflag:$0x4], $0x28, s29, s14, $0xb8;
	[tilespmem:$0x14000] =	vst v63  }
0x51: {  	_ =	swait.ge [sflag:s12], $0x1400  }
0x52: {  	s30 =	smov.u32 s0;
	s29 =	sshra.s32 s1, $0x2;
	[sflag:s12] =	ssyncset.done $0x0  }
0x53: {  	s0 =	sadd.s32 $0x100, s29;
	[sflag:s12] =	ssyncadd.s32 $0xFFFFEC00  }
0x54: {  	[tilespmem:s17], [sflag:$0x3] =	stream.indirect.gather [hbm4b:s4+s14], $0x28, s0, s14, $0xb8;
	[tilespmem:$0x14000] =	vst v63  }
0x55: {  	_ =	swait.ge [sflag:s18], $0x1400  }
0x56: {  	[sflag:s18] =	ssyncset.done $0x0  }
0x57: {  	s30 =	sadd.s32 $0x5000, s29;
	[sflag:s18] =	ssyncadd.s32 $0xFFFFEC00  }
0x58: {  	[spmem:s2] =	stream.indirect.scatter.add.bf16 [tilespmem:s15], [sflag:$0x4], $0x28, s30, s14, $0xb8;
	[tilespmem:$0x14000] =	vst v63  }
0x59: {  	_ =	swait.ge [sflag:s12], $0x1400  }
0x5a: {  	[sflag:s12] =	ssyncset.done $0x0  }
0x5b: {  	s31 =	sadd.s32 $0x180, s29;
	[sflag:s12] =	ssyncadd.s32 $0xFFFFEC00  }
0x5c: {  	[tilespmem:s15], [sflag:$0x1] =	stream.indirect.gather [hbm4b:s4+s14], $0x28, s31, s14, $0xb8;
	[tilespmem:$0x14000] =	vst v63  }
0x5d: {  	_ =	swait.ge [sflag:s19], $0x1400  }
0x5e: {  	[sflag:s19] =	ssyncset.done $0x0  }
0x5f: {  	s1 =	sadd.s32 $0x5080, s29;
	[sflag:s19] =	ssyncadd.s32 $0xFFFFEC00  }
0x60: {  	[spmem:s2] =	stream.indirect.scatter.add.bf16 [tilespmem:s16], [sflag:$0x4], $0x28, s1, s14, $0xb8;
	[tilespmem:$0x14000] =	vst v63  }
0x61: {  	_ =	swait.ge [sflag:s12], $0x1400  }
0x62: {  	[sflag:s12] =	ssyncset.done $0x0  }
0x63: {  	s30 =	sadd.s32 $0x200, s29;
	[sflag:s12] =	ssyncadd.s32 $0xFFFFEC00  }
0x64: {  	[tilespmem:s16], [sflag:$0x2] =	stream.indirect.gather [hbm4b:s4+s14], $0x28, s30, s14, $0xb8;
	[tilespmem:$0x14000] =	vst v63  }
0x65: {  	_ =	swait.ge [sflag:s20], $0x1400  }
0x66: {  	[sflag:s20] =	ssyncset.done $0x0  }
0x67: {  	s31 =	sadd.s32 $0x5100, s29;
	[sflag:s20] =	ssyncadd.s32 $0xFFFFEC00  }
0x68: {  	[spmem:s2] =	stream.indirect.scatter.add.bf16 [tilespmem:s17], [sflag:$0x4], $0x28, s31, s14, $0xb8;
	[tilespmem:$0x14000] =	vst v63  }
0x69: {  	_ =	swait.ge [sflag:s12], $0x1400  }
0x6a: {  	[sflag:s12] =	ssyncset.done $0x0  }
0x6b: {  	[sflag:s12] =	ssyncadd.s32 $0xFFFFEC00  }
0x6c: {  	[tilespmem:s17], [sflag:$0x3] =	stream.indirect.gather [hbm4b:s4+s14], $0x28, s21, s14, $0xb8;
	[tilespmem:$0x14000] =	vst v63  }
0x6d: {  	_ =	swait.ge [sflag:s18], $0x1400  }
0x6e: {  	[sflag:s18] =	ssyncset.done $0x0  }
0x6f: {  	[sflag:s18] =	ssyncadd.s32 $0xFFFFEC00  }
0x70: {  	[spmem:s2] =	stream.indirect.scatter.add.bf16 [tilespmem:s15], [sflag:$0x4], $0x28, s22, s14, $0xb8;
	[tilespmem:$0x14000] =	vst v63  }
0x71: {  	_ =	swait.ge [sflag:s12], $0x1400  }
0x72: {  	[sflag:s12] =	ssyncset.done $0x0  }
0x73: {  	[sflag:s12] =	ssyncadd.s32 $0xFFFFEC00  }
0x74: {  	[tilespmem:s15], [sflag:$0x1] =	stream.indirect.gather [hbm4b:s4+s14], $0x28, s23, s14, $0xb8;
	[tilespmem:$0x14000] =	vst v63  }
0x75: {  	_ =	swait.ge [sflag:s19], $0x1400  }
0x76: {  	[sflag:s19] =	ssyncset.done $0x0  }
0x77: {  	[sflag:s19] =	ssyncadd.s32 $0xFFFFEC00  }
0x78: {  	[spmem:s2] =	stream.indirect.scatter.add.bf16 [tilespmem:s16], [sflag:$0x4], $0x28, s24, s14, $0xb8;
	[tilespmem:$0x14000] =	vst v63  }
0x79: {  	_ =	swait.ge [sflag:s12], $0x1400  }
0x7a: {  	[sflag:s12] =	ssyncset.done $0x0  }
0x7b: {  	[sflag:s12] =	ssyncadd.s32 $0xFFFFEC00  }
0x7c: {  	_ =	swait.ge [sflag:s20], $0x1400  }
0x7d: {  	[sflag:s20] =	ssyncset.done $0x0  }
0x7e: {  	[sflag:s20] =	ssyncadd.s32 $0xFFFFEC00  }
0x7f: {  	[spmem:s2] =	stream.indirect.scatter.add.bf16 [tilespmem:s17], [sflag:$0x4], $0x28, s25, s14, $0xb8;
	[tilespmem:$0x14000] =	vst v63  }
0x80: {  	_ =	swait.ge [sflag:s12], $0x1400  }
0x81: {  	[sflag:s12] =	ssyncset.done $0x0  }
0x82: {  	[sflag:s12] =	ssyncadd.s32 $0xFFFFEC00  }
0x83: {  	_ =	swait.ge [sflag:s18], $0x1400  }
0x84: {  	[sflag:s18] =	ssyncset.done $0x0  }
0x85: {  	[sflag:s18] =	ssyncadd.s32 $0xFFFFEC00  }
0x86: {  	[spmem:s2] =	stream.indirect.scatter.add.bf16 [tilespmem:s15], [sflag:$0x4], $0x28, s26, s14, $0xb8;
	[tilespmem:$0x14000] =	vst v63  }
0x87: {  	_ =	swait.ge [sflag:s12], $0x1400  }
0x88: {  	s28 =	sadd.s32 $0x1, s28;
	[sflag:s12] =	ssyncset.done $0x0  }
0x89: {  	p0 =	sne.s32 s28, s10;
	[sflag:s12] =	ssyncadd.s32 $0xFFFFEC00  }
.Ltmp1:
0x8a: {  	[bflag:$0x0] =	sbarrier.arrive $0xFFFF;
	(pc) =	sbr.rel @p0 .LBB2_1-.Ltmp1, $4  }
0x8b: {  	[hbm:s9], [sflag:s6] =	dma.local [spmem:s11], $0xC80  }
0x8c: {  	_ =	swait.ge [sflag:s12], $0xC80  }
0x8d: {  	[sflag:s12] =	ssyncset.done $0x0  }
0x8e: {  	[sflag:s12] =	ssyncadd.s32 $0xFFFFF380  }
0x8f: {  	_ =	sfence.sel $0x180000  }
0x90: {  	[bflag:$0x0] =	sbarrier.arrive $0xFFFF  }
0x91: {  	_ =	strace $0x9000004D  }
0x92: {  	s0 =	stileid.u32;
	[bflag:$0x2] =	sbarrier.arrive $0xFFFF  }
0x93: {  	p0 =	sne.s32 s0, $0x0;
	s0 =	rddreg [dreg:$0x2]  }
0x94: {  	s0 =	sadd.s32 @!p0 $0x100000, s0  }
0x95: {  	[sflag:s0] =	ssyncadd.tile.s32 @!p0 $0x1;
	_ =	shalt  }
.Lfunc_end2:
_tile_overlayer_lowered:
.L_overlay_start_2:
0x96: {  	(tag) =	ssettag $0x2  }
0x97: {  	s0 =	rddreg [dreg:$0x0];
	s2 =	stileid.u32  }
0x98: {  	s1 =	rddreg [dreg:$0x1];
	p0 =	sne.s32 s2, $0x0  }
0x99: {  	s3 =	rddreg [dreg:$0x2];
	[bflag:$0x3] =	sbarrier.arrive $0xFFFF;
	s2 =	simm.s32 @!p0 $0x1C04  }
0x9a: {  	[timem:s3], [sflag:s2] =	dma.local @!p0 [hbm:s0], s1  }
0x9b: {  	s0 =	simm.s32 @!p0 $0x4  }
0x9c: {  	_ =	swait.ge @!p0 [sflag:s0], s1  }
0x9d: {  	s1 =	ssub.s32 @!p0 $0x0, s1;
	[sflag:s0] =	ssyncset.done @!p0 $0x0  }
0x9e: {  	[sflag:s0] =	ssyncadd.s32 @!p0 s1  }
0x9f: {  	[bflag:$0x3] =	sbarrier.arrive $0xFFFF  }
0xa0: {  	_ =	shalt  }

// kernel: kernel.26.cloned.1.call-start
scs
__scs_entry_jumppad:
0x0: {  	(pc) =	sbr.rel $0x88, $3  }
0x1: {  	(tag) =	ssettag $0x0;
	lr =	simm.s32 $0x1  }
0x2: {  	[smem:$0x3F91] =	sst lr;
	_ =	strace $0xD0000000  }
0x3: {  	_ = 	snop  }
0x4: {  	_ = 	snop  }
0x5: {  	_ = 	snop  }
0x6: {  	_ = 	snop  }
0x7: {  	_ = 	snop  }
__scs_overlays_trampoline_lowered:
0x8: {  	[smem:$0x3FA0] =	sst s0  }
0x9: {  	[smem:$0x3FA1] =	sst s1  }
0xa: {  	[smem:$0x3FA2] =	sst s2  }
0xb: {  	[smem:$0x3FA3] =	sst s3  }
0xc: {  	[smem:$0x3FA4] =	sst s4  }
0xd: {  	[smem:$0x3FA5] =	sst s5  }
0xe: {  	[smem:$0x3FA6] =	sst s6  }
0xf: {  	[smem:$0x3FA7] =	sst s7  }
0x10: {  	[smem:$0x3FA8] =	sst s8  }
0x11: {  	[smem:$0x3FA9] =	sst s9;
	s0 =	simm.s32 @!p0 $0x0  }
0x12: {  	s1 =	sld [smem:$0x3F8F];
	s0 =	simm.s32 @p0 $0x1  }
0x13: {  	[smem:$0x3FAA] =	sst s0;
	s0 =	simm.s32 @!p1 $0x0  }
0x14: {  	s2 =	sld [smem:$0x3F8E];
	s0 =	simm.s32 @p1 $0x1  }
0x15: {  	[smem:$0x3FAB] =	sst s0;
	s0 =	simm.s32 @!p2 $0x0  }
0x16: {  	s3 =	sld [smem:$0x3FDB];
	s0 =	simm.s32 @p2 $0x1  }
0x17: {  	s4 =	simm.s32 $0x1BF5;
	[smem:$0x3FAD] =	sst s0  }
0x18: {  	s0 =	sld [smem:$0x3F90];
	_ =	swait.ge [sflag:s4], $0x0  }
0x19: {  	s7 =	sld [smem:$0x3F91]  }
0x1a: {  	s8 =	sadd.s32 $0xFFFFE003, lr  }
0x1b: {  	s9 =	sadd.s32 $0xFFFFFEF7, lr;
	s5 =	simm.s32 $0xFFFFFFFF;
	p2 =	slt.u32 s8, $0xFFFFF086  }
0x1c: {  	p1 =	slt.u32 s9, $0xF7A;
	s5 =	simm.s32 @!p2 $0x0  }
0x1d: {  	s5 =	simm.s32 @p1 $0x1;
	p0 =	seq.s32 s7, s2  }
0x1e: {  	s7 =	smul.u32 @!p0 $0xF7A, s2;
	p2 =	seq.s32 @!p0 s5, $0x0  }
0x1f: {  	s9 =	smul.u32 $0xF7A, s1;
	s8 =	simm.s32 @!p0 $0x1BF5;
	p2 =	por !p2, p0  }
0x20: {  	[sflag:s8] =	ssyncset.s32 @!p0 $0xFFFFF086;
	s6 =	sadd.s32 @!p0 s3, s7;
	s7 =	simm.s32 @!p0 $0x108  }
0x21: {  	s3 =	sadd.s32 s3, s9;
	s6 =	sadd.s32 @!p0 $0x88, s6;
	s7 =	simm.s32 @p2 $0x1082  }
0x22: {  	[simem:s7], [sflag:s8] =	dma.local @!p0 [hbm:s6], $0xF7A  }
0x23: {  	s9 =	sor.u32 $0xD0000000, s2;
	s6 =	simm.s32 $0x108;
	_ =	swait.ge @!p0 [sflag:s8], $0x0  }
0x24: {  	s3 =	sadd.s32 $0x88, s3;
	s6 =	simm.s32 @!p1 $0x1082;
	[sflag:s4] =	ssyncset.s32 $0xFFFFF086  }
0x25: {  	[simem:s6], [sflag:s4] =	dma.local [hbm:s3], $0xF7A  }
0x26: {  	[smem:$0x3F91] =	sst s1;
	(tag) =	ssettag s2;
	_ =	strace s9  }
0x27: {  	s1 =	sld [smem:$0x3FA1]  }
0x28: {  	s2 =	sld [smem:$0x3FA2]  }
0x29: {  	s4 =	sld [smem:$0x3FA4]  }
0x2a: {  	p0 =	seq.s32 s5, $0x0;
	s5 =	sld [smem:$0x3FA5]  }
0x2b: {  	s6 =	sld [smem:$0x3FA6]  }
0x2c: {  	s7 =	sld [smem:$0x3FA7]  }
0x2d: {  	s3 =	simm.s32 $0x108;
	s8 =	sld [smem:$0x3FA8]  }
0x2e: {  	s3 =	simm.s32 @!p0 $0x1082;
	s9 =	sld [smem:$0x3FA9]  }
0x2f: {  	lr =	sadd.s32 s0, s3;
	s0 =	sld [smem:$0x3FA0]  }
0x30: {  	s3 =	sld [smem:$0x3FA3]  }
0x31: {  	[smem:$0x3FAC] =	sst s10  }
0x32: {  	s10 =	sld [smem:$0x3FAA];
	_ =	sdelay $0x3  }
0x33: {  	p0 =	seq.s32 s10, $0x1;
	s10 =	sld [smem:$0x3FAC];
	_ =	sdelay $0x3  }
0x34: {  	[smem:$0x3FAC] =	sst s10  }
0x35: {  	s10 =	sld [smem:$0x3FAB];
	_ =	sdelay $0x3  }
0x36: {  	p1 =	seq.s32 s10, $0x1;
	s10 =	sld [smem:$0x3FAC];
	_ =	sdelay $0x3  }
0x37: {  	[smem:$0x3FAC] =	sst s10  }
0x38: {  	s10 =	sld [smem:$0x3FAD]  }
0x39: {  	_ = 	snop;
	(pc) =	sbr.ind lr, $3  }
0x3a: {  	_ = 	snop  }
0x3b: {  	_ = 	snop  }
0x3c: {  	p2 =	seq.s32 s10, $0x1;
	s10 =	sld [smem:$0x3FAC]  }
0x3d: {  	_ =	shalt  }
0x3e: {  	_ =	shalt  }
0x3f: {  	_ =	shalt  }
0x40: {  	_ =	shalt  }
0x41: {  	_ =	shalt  }
0x42: {  	_ =	shalt  }
0x43: {  	_ =	shalt  }
0x44: {  	_ =	shalt  }
0x45: {  	_ =	shalt  }
0x46: {  	_ =	shalt  }
0x47: {  	_ =	shalt  }
0x48: {  	_ =	shalt  }
0x49: {  	_ =	shalt  }
0x4a: {  	_ =	shalt  }
0x4b: {  	_ =	shalt  }
0x4c: {  	_ =	shalt  }
0x4d: {  	_ =	shalt  }
0x4e: {  	_ =	shalt  }
0x4f: {  	_ =	shalt  }
0x50: {  	_ =	shalt  }
0x51: {  	_ =	shalt  }
0x52: {  	_ =	shalt  }
0x53: {  	_ =	shalt  }
0x54: {  	_ =	shalt  }
0x55: {  	_ =	shalt  }
0x56: {  	_ =	shalt  }
0x57: {  	_ =	shalt  }
0x58: {  	_ =	shalt  }
0x59: {  	_ =	shalt  }
0x5a: {  	_ =	shalt  }
0x5b: {  	_ =	shalt  }
0x5c: {  	_ =	shalt  }
0x5d: {  	_ =	shalt  }
0x5e: {  	_ =	shalt  }
0x5f: {  	_ =	shalt  }
0x60: {  	_ =	shalt  }
0x61: {  	_ =	shalt  }
0x62: {  	_ =	shalt  }
0x63: {  	_ =	shalt  }
0x64: {  	_ =	shalt  }
0x65: {  	_ =	shalt  }
0x66: {  	_ =	shalt  }
0x67: {  	_ =	shalt  }
0x68: {  	_ =	shalt  }
0x69: {  	_ =	shalt  }
0x6a: {  	_ =	shalt  }
0x6b: {  	_ =	shalt  }
0x6c: {  	_ =	shalt  }
0x6d: {  	_ =	shalt  }
0x6e: {  	_ =	shalt  }
0x6f: {  	_ =	shalt  }
0x70: {  	_ =	shalt  }
0x71: {  	_ =	shalt  }
0x72: {  	_ =	shalt  }
0x73: {  	_ =	shalt  }
0x74: {  	_ =	shalt  }
0x75: {  	_ =	shalt  }
0x76: {  	_ =	shalt  }
0x77: {  	_ =	shalt  }
0x78: {  	_ =	shalt  }
0x79: {  	_ =	shalt  }
0x7a: {  	_ =	shalt  }
0x7b: {  	_ =	shalt  }
0x7c: {  	_ =	shalt  }
0x7d: {  	_ =	shalt  }
0x7e: {  	_ =	shalt  }
0x7f: {  	_ =	shalt  }
0x80: {  	_ =	shalt  }
0x81: {  	_ =	shalt  }
0x82: {  	_ =	shalt  }
0x83: {  	_ =	shalt  }
0x84: {  	_ =	shalt  }
0x85: {  	_ =	shalt  }
0x86: {  	_ =	shalt  }
0x87: {  	_ =	shalt  }
.Lfunc_end0:
.L_simem_size_0:
called_computation.3_lowered:
.L_overlay_start_0:
0x88: {  	s2 =	sld [smem:$0x3FD9]  }
0x89: {  	s3 =	sld [smem:$0x3FFE];
	_ =	sdelay $0x1  }
0x8a: {  	s1 =	srdreg.scid  }
0x8b: {  	s0 =	sand.u32 $0x1, s1  }
0x8c: {  	s16 =	sshll.u32 s0, $0xA;
	s2 =	sadd.s32 s3, s2  }
0x8d: {  	s2 =	sadd.s32 s2, s16  }
0x8e: {  	[smem:$0x3FB8] =	sst s2  }
0x8f: {  	_ = 	snop  }
0x90: {  	(tm) =	ssettm $0x1  }
0x91: {  	s17 =	sld [smem:$0x3FFB];
	_ =	sdelay $0x3  }
0x92: {  	_ =	strace s17  }
0x93: {  	s2 =	sld [smem:$0x3FFC];
	_ =	sdelay $0x3  }
0x94: {  	_ =	strace s2  }
0x95: {  	s2 =	sld [smem:$0x3FFD];
	_ =	sdelay $0x3  }
0x96: {  	_ =	strace s2  }
0x97: {  	_ =	strace $0x8FFFFFFF  }
0x98: {  	s18 =	sld [smem:$0x3FDB];
	_ =	sdelay $0x1  }
0x99: {  	s19 =	simm.s32 $_scs_section_size  }
0x9a: {  	s4 =	simm.s32 $_size__tile_overlayer_lowered;
	s5 =	simm.s32 $_tile_overlayer_lowered  }
0x9b: {  	s22 =	simm.s32 $0x1BFF;
	s21 =	sshll.u32 s5, $0x1;
	s2 =	sadd.s32 s19, s18  }
0x9c: {  	s6 =	simm.s32 $0x0;
	s20 =	sshll.u32 s4, $0x1;
	s4 =	sadd.s32 s21, s2  }
0x9d: {  	[timem:s6], [sflag:s22] =	dma.local [hbm:s4], s20  }
0x9e: {  	_ =	swait.ge [sflag:s22], s20  }
0x9f: {  	s3 =	ssub.s32 $0x0, s20;
	[sflag:s22] =	ssyncset.done $0x0  }
0xa0: {  	[sflag:s22] =	ssyncadd.s32 s3;
	_ =	sdelay $0x1  }
0xa1: {  	s23 =	simm.s32 $0x1B8B  }
0xa2: {  	_ =	swait.ge [sflag:s23], $0x1  }
0xa3: {  	[sflag:s23] =	ssyncset.done $0x0  }
0xa4: {  	s25 =	simm.s32 $0x1B8E;
	s24 =	sld [smem:$0x3FFE];
	[sflag:s23] =	ssyncadd.s32 $0xFFFFFFFF  }
0xa5: {  	s26 =	simm.s32 $execute0_lowered;
	[smem:$0x3FD2] =	sst s25  }
0xa6: {  	s4 =	sshll.u32 s26, $0x1;
	_ =	strace $0x8000004F;
	[dreg:$0x1] =	wrdreg $0xFFFFFFFF  }
0xa7: {  	s28 =	simm.s32 $_size_execute0_lowered;
	s2 =	sadd.s32 s2, s4;
	[dreg:$0x0] =	wrdreg $0x0  }
0xa8: {  	s4 =	sshll.u32 s28, $0x1;
	[dreg:$0x2] =	wrdreg s2  }
0xa9: {  	[dreg:$0x3] =	wrdreg s4  }
0xaa: {  	[dreg:$0x4] =	wrdreg $0xC0  }
0xab: {  	_ =	task [dreg:s6], $0x5FFFF  }
0xac: {  	[dreg:$0x1] =	wrdreg $0xFFFFFFFF  }
0xad: {  	[dreg:$0x0] =	wrdreg $0x60  }
0xae: {  	[dreg:$0x2] =	wrdreg s24  }
0xaf: {  	[dreg:$0x3] =	wrdreg $0xDC000  }
0xb0: {  	[dreg:$0x4] =	wrdreg $0x9  }
0xb1: {  	_ =	task.clear_ibuf [dreg:s6], $0x5FFFF;
	_ =	strace $0x9000004F  }
0xb2: {  	s29 =	simm.s32 $0x9;
	_ =	strace $0x80000051  }
0xb3: {  	_ =	swait.ge [sflag:s29], $0x1  }
0xb4: {  	[sflag:s29] =	ssyncadd.s32 $0xFFFFFFFF  }
0xb5: {  	_ =	strace $0x90000051  }
0xb6: {  	_ =	sfence  }
0xb7: {  	s30 =	sld [smem:$0x0];
	_ =	sdelay $0x2  }
0xb8: {  	s31 =	sshll.u32 s1, $0xD;
	s1 =	sshrl.u32 s1, $0x2  }
0xb9: {  	s3 =	sand.u32 $0x4000, s31;
	s1 =	sadd.s32 s1, s30  }
0xba: {  	s0 =	sor.u32 s3, s0;
	s1 =	sshll.u32 s1, $0x11  }
0xbb: {  	s0 =	sor.u32 s1, s0  }
0xbc: {  	s0 =	sadd.s32 $0x8F2B, s0  }
0xbd: {  	[sflag:s0] =	ssyncadd.remote.s32 $0x1  }
0xbe: {  	_ =	sfence.sel $0xFFFF  }
0xbf: {  	[dreg:$0x0] =	wrdreg $0xFFFFFFFF;
	(pc) =	sbr.abs _section_cstart, $3  }
0xc0: {  	[dreg:$0x1] =	wrdreg $0xFFFFFFFF  }
0xc1: {  	_ =	task.clear_ibuf [dreg:s6], $0x2FFFF;
	_ =	strace $0x9FFFFFFF  }
0xc2: {  	(tm) =	ssettm $0x7FFFFFFF  }
0xc3: {  	_ =	shalt  }
tec
execute0_lowered:
.L_overlay_start_1:
0x0: {  	(tag) =	ssettag $0x1  }
0x1: {  	s1 =	srdreg.scid;
	s6 =	rddreg [dreg:$0x0]  }
0x2: {  	s0 =	stileid.u32;
	s2 =	rddreg [dreg:$0x1];
	s3 =	simm.s32 $0x0  }
0x3: {  	s15 =	simm.s32 $0xA000;
	s16 =	simm.s32 $0xB400;
	s17 =	simm.s32 $0xC800  }
0x4: {  	s18 =	simm.s32 $0x1;
	s19 =	simm.s32 $0x2;
	s20 =	simm.s32 $0x3  }
0x5: {  	s21 =	simm.s32 $0x4F00;
	s22 =	simm.s32 $0x9E00;
	s23 =	simm.s32 $0x4F80  }
0x6: {  	s24 =	simm.s32 $0x9E80;
	s25 =	simm.s32 $0x9F00;
	s5 =	smul.u32 $0x5000, s0  }
0x7: {  	s26 =	simm.s32 $0x9F80;
	s7 =	sand.u32 $0x1, s1;
	s9 =	smul.u32 $0xC800, s0  }
0x8: {  	s28 =	simm.s32 $0x0;
	[smem:$0x7FF] =	sst s3;
	s8 =	smul.u32 $0x50000, s7  }
0x9: {  	s4 =	sadd.s32 $0x8B400, s6;
	s10 =	smul.u32 $0xC8000, s7;
	s31 =	ssub.s32 $0x2, s7  }
0xa: {  	s12 =	sshll.u32 s0, $0x6;
	_ =	strace $0x80000050;
	s7 =	sshrl.u32 s31, $0x1  }
0xb: {  	s8 =	sadd.s32 s5, s8;
	s5 =	sshrl.u32 s5, $0x3;
	s10 =	sadd.s32 s9, s10  }
0xc: {  	s9 =	sshrl.u32 s9, $0x1;
	s13 =	ssub.s32 s31, s7;
	s8 =	sshrl.u32 s8, $0x3  }
0xd: {  	s11 =	sadd.s32 s5, s6;
	s10 =	sshrl.u32 s10, $0x4;
	s5 =	sadd.s32 $0x76600, s6  }
0xe: {  	s14 =	sadd.s32 s9, s2;
	s8 =	sadd.s32 s8, s6;
	s10 =	sadd.s32 s10, s6  }
0xf: {  	s6 =	sor.u32 $0x1C04, s12;
	s12 =	simm.s32 $0x4;
	s7 =	sadd.s32 $0x77400, s8  }
0x10: {  	s8 =	sadd.s32 $0xFE00, s11;
	s9 =	sadd.s32 $0xA4400, s10;
	s10 =	smax.u32 s13, $0x1  }
0x11: {  	s11 =	sshrl.u32 s14, $0x3;
	s13 =	simm.s32 $0x5000;
	s14 =	simm.s32 $0x80  }
.LBB2_1:
0x12: {  	[spmem:s11], [sflag:s6] =	dma.local [hbm:s5], $0xC80  }
0x13: {  	_ =	swait.ge [sflag:s12], $0xC80  }
0x14: {  	[sflag:s12] =	ssyncset.done $0x0  }
0x15: {  	[sflag:s12] =	ssyncadd.s32 $0xFFFFF380  }
0x16: {  	[tilespmem:s3], [sflag:$0x4] =	stream.linear.gather [hbm4b:s7+s3], $0x5000, $0x38;
	[tilespmem:$0x14000] =	vst v63  }
0x17: {  	_ =	swait.ge [sflag:s12], $0x5000  }
0x18: {  	[sflag:s12] =	ssyncset.done $0x0  }
0x19: {  	[sflag:s12] =	ssyncadd.s32 $0xFFFFB000  }
0x1a: {  	[tilespmem:s13], [sflag:$0x4] =	stream.linear.gather [hbm4b:s8+s3], $0x5000, $0x38;
	[tilespmem:$0x14000] =	vst v63  }
0x1b: {  	_ =	swait.ge [sflag:s12], $0x5000  }
0x1c: {  	[sflag:s12] =	ssyncset.done $0x0  }
0x1d: {  	[sflag:s12] =	ssyncadd.s32 $0xFFFFB000  }
0x1e: {  	[bflag:$0x0] =	sbarrier.arrive $0xFFFF  }
0x1f: {  	[tilespmem:s15], [sflag:$0x1] =	stream.indirect.gather [hbm4b:s4+s14], $0x28, s3, s14, $0xb8;
	[tilespmem:$0x14000] =	vst v63  }
0x20: {  	_ = 	snop  }
0x21: {  	[tilespmem:s16], [sflag:$0x2] =	stream.indirect.gather [hbm4b:s4+s14], $0x28, s14, s14, $0xb8;
	[tilespmem:$0x14000] =	vst v63  }
0x22: {  	s29 =	simm.s32 $0x100  }
0x23: {  	[tilespmem:s17], [sflag:$0x3] =	stream.indirect.gather [hbm4b:s4+s14], $0x28, s29, s14, $0xb8;
	[tilespmem:$0x14000] =	vst v63  }
0x24: {  	_ =	swait.ge [sflag:s18], $0x1400  }
0x25: {  	[sflag:s18] =	ssyncset.done $0x0  }
0x26: {  	s29 =	simm.s32 $0x5000;
	[sflag:s18] =	ssyncadd.s32 $0xFFFFEC00  }
0x27: {  	[spmem:s2] =	stream.indirect.scatter.add.bf16 [tilespmem:s15], [sflag:$0x4], $0x28, s29, s14, $0xb8;
	[tilespmem:$0x14000] =	vst v63  }
0x28: {  	_ =	swait.ge [sflag:s12], $0x1400  }
0x29: {  	[sflag:s12] =	ssyncset.done $0x0  }
0x2a: {  	s29 =	simm.s32 $0x180;
	[sflag:s12] =	ssyncadd.s32 $0xFFFFEC00  }
0x2b: {  	[tilespmem:s15], [sflag:$0x1] =	stream.indirect.gather [hbm4b:s4+s14], $0x28, s29, s14, $0xb8;
	[tilespmem:$0x14000] =	vst v63  }
0x2c: {  	_ =	swait.ge [sflag:s19], $0x1400  }
0x2d: {  	[sflag:s19] =	ssyncset.done $0x0  }
0x2e: {  	s29 =	simm.s32 $0x5080;
	[sflag:s19] =	ssyncadd.s32 $0xFFFFEC00  }
0x2f: {  	[spmem:s2] =	stream.indirect.scatter.add.bf16 [tilespmem:s16], [sflag:$0x4], $0x28, s29, s14, $0xb8;
	[tilespmem:$0x14000] =	vst v63  }
0x30: {  	_ =	swait.ge [sflag:s12], $0x1400  }
0x31: {  	[sflag:s12] =	ssyncset.done $0x0  }
0x32: {  	s29 =	simm.s32 $0x200;
	[sflag:s12] =	ssyncadd.s32 $0xFFFFEC00  }
0x33: {  	[tilespmem:s16], [sflag:$0x2] =	stream.indirect.gather [hbm4b:s4+s14], $0x28, s29, s14, $0xb8;
	[tilespmem:$0x14000] =	vst v63  }
0x34: {  	_ =	swait.ge [sflag:s20], $0x1400  }
0x35: {  	[sflag:s20] =	ssyncset.done $0x0  }
0x36: {  	s29 =	simm.s32 $0x5100;
	[sflag:s20] =	ssyncadd.s32 $0xFFFFEC00  }
0x37: {  	[spmem:s2] =	stream.indirect.scatter.add.bf16 [tilespmem:s17], [sflag:$0x4], $0x28, s29, s14, $0xb8;
	[tilespmem:$0x14000] =	vst v63  }
0x38: {  	_ =	swait.ge [sflag:s12], $0x1400  }
0x39: {  	s30 =	simm.s32 $0xC00;
	s29 =	simm.s32 $0x180;
	[sflag:s12] =	ssyncset.done $0x0  }
.LBB2_2:
0x3a: {  	s31 =	sadd.s32 $0x100, s29  }
0x3b: {  	[sflag:s12] =	ssyncadd.s32 $0xFFFFEC00;
	s1 =	smov.u32 s30;
	s0 =	sadd.s32 $0x600, s30  }
0x3c: {  	[tilespmem:s17], [sflag:$0x3] =	stream.indirect.gather [hbm4b:s4+s14], $0x28, s31, s14, $0xb8;
	[tilespmem:$0x14000] =	vst v63  }
0x3d: {  	p0 =	sne.s32 s30, $0x13200;
	_ =	swait.ge [sflag:s18], $0x1400  }
0x3e: {  	[sflag:s18] =	ssyncset.done $0x0  }
0x3f: {  	s30 =	sadd.s32 $0x5000, s29;
	[sflag:s18] =	ssyncadd.s32 $0xFFFFEC00  }
0x40: {  	[spmem:s2] =	stream.indirect.scatter.add.bf16 [tilespmem:s15], [sflag:$0x4], $0x28, s30, s14, $0xb8;
	[tilespmem:$0x14000] =	vst v63  }
0x41: {  	_ =	swait.ge [sflag:s12], $0x1400  }
0x42: {  	[sflag:s12] =	ssyncset.done $0x0  }
0x43: {  	s30 =	sadd.s32 $0x180, s29;
	[sflag:s12] =	ssyncadd.s32 $0xFFFFEC00  }
0x44: {  	[tilespmem:s15], [sflag:$0x1] =	stream.indirect.gather [hbm4b:s4+s14], $0x28, s30, s14, $0xb8;
	[tilespmem:$0x14000] =	vst v63  }
0x45: {  	_ =	swait.ge [sflag:s19], $0x1400  }
0x46: {  	[sflag:s19] =	ssyncset.done $0x0  }
0x47: {  	s30 =	sadd.s32 $0x5080, s29;
	[sflag:s19] =	ssyncadd.s32 $0xFFFFEC00  }
0x48: {  	[spmem:s2] =	stream.indirect.scatter.add.bf16 [tilespmem:s16], [sflag:$0x4], $0x28, s30, s14, $0xb8;
	[tilespmem:$0x14000] =	vst v63  }
0x49: {  	_ =	swait.ge [sflag:s12], $0x1400  }
0x4a: {  	[sflag:s12] =	ssyncset.done $0x0  }
0x4b: {  	s30 =	sadd.s32 $0x200, s29;
	[sflag:s12] =	ssyncadd.s32 $0xFFFFEC00  }
0x4c: {  	[tilespmem:s16], [sflag:$0x2] =	stream.indirect.gather [hbm4b:s4+s14], $0x28, s30, s14, $0xb8;
	[tilespmem:$0x14000] =	vst v63  }
0x4d: {  	_ =	swait.ge [sflag:s20], $0x1400  }
.Ltmp0:
0x4e: {  	[sflag:s20] =	ssyncset.done $0x0;
	(pc) =	sbr.rel @p0 .LBB2_2-.Ltmp0, $4  }
0x4f: {  	s29 =	sadd.s32 $0x5100, s29;
	[sflag:s20] =	ssyncadd.s32 $0xFFFFEC00  }
0x50: {  	[spmem:s2] =	stream.indirect.scatter.add.bf16 [tilespmem:s17], [sflag:$0x4], $0x28, s29, s14, $0xb8;
	[tilespmem:$0x14000] =	vst v63  }
0x51: {  	_ =	swait.ge [sflag:s12], $0x1400  }
0x52: {  	s30 =	smov.u32 s0;
	s29 =	sshra.s32 s1, $0x2;
	[sflag:s12] =	ssyncset.done $0x0  }
0x53: {  	s0 =	sadd.s32 $0x100, s29;
	[sflag:s12] =	ssyncadd.s32 $0xFFFFEC00  }
0x54: {  	[tilespmem:s17], [sflag:$0x3] =	stream.indirect.gather [hbm4b:s4+s14], $0x28, s0, s14, $0xb8;
	[tilespmem:$0x14000] =	vst v63  }
0x55: {  	_ =	swait.ge [sflag:s18], $0x1400  }
0x56: {  	[sflag:s18] =	ssyncset.done $0x0  }
0x57: {  	s30 =	sadd.s32 $0x5000, s29;
	[sflag:s18] =	ssyncadd.s32 $0xFFFFEC00  }
0x58: {  	[spmem:s2] =	stream.indirect.scatter.add.bf16 [tilespmem:s15], [sflag:$0x4], $0x28, s30, s14, $0xb8;
	[tilespmem:$0x14000] =	vst v63  }
0x59: {  	_ =	swait.ge [sflag:s12], $0x1400  }
0x5a: {  	[sflag:s12] =	ssyncset.done $0x0  }
0x5b: {  	s31 =	sadd.s32 $0x180, s29;
	[sflag:s12] =	ssyncadd.s32 $0xFFFFEC00  }
0x5c: {  	[tilespmem:s15], [sflag:$0x1] =	stream.indirect.gather [hbm4b:s4+s14], $0x28, s31, s14, $0xb8;
	[tilespmem:$0x14000] =	vst v63  }
0x5d: {  	_ =	swait.ge [sflag:s19], $0x1400  }
0x5e: {  	[sflag:s19] =	ssyncset.done $0x0  }
0x5f: {  	s1 =	sadd.s32 $0x5080, s29;
	[sflag:s19] =	ssyncadd.s32 $0xFFFFEC00  }
0x60: {  	[spmem:s2] =	stream.indirect.scatter.add.bf16 [tilespmem:s16], [sflag:$0x4], $0x28, s1, s14, $0xb8;
	[tilespmem:$0x14000] =	vst v63  }
0x61: {  	_ =	swait.ge [sflag:s12], $0x1400  }
0x62: {  	[sflag:s12] =	ssyncset.done $0x0  }
0x63: {  	s30 =	sadd.s32 $0x200, s29;
	[sflag:s12] =	ssyncadd.s32 $0xFFFFEC00  }
0x64: {  	[tilespmem:s16], [sflag:$0x2] =	stream.indirect.gather [hbm4b:s4+s14], $0x28, s30, s14, $0xb8;
	[tilespmem:$0x14000] =	vst v63  }
0x65: {  	_ =	swait.ge [sflag:s20], $0x1400  }
0x66: {  	[sflag:s20] =	ssyncset.done $0x0  }
0x67: {  	s31 =	sadd.s32 $0x5100, s29;
	[sflag:s20] =	ssyncadd.s32 $0xFFFFEC00  }
0x68: {  	[spmem:s2] =	stream.indirect.scatter.add.bf16 [tilespmem:s17], [sflag:$0x4], $0x28, s31, s14, $0xb8;
	[tilespmem:$0x14000] =	vst v63  }
0x69: {  	_ =	swait.ge [sflag:s12], $0x1400  }
0x6a: {  	[sflag:s12] =	ssyncset.done $0x0  }
0x6b: {  	[sflag:s12] =	ssyncadd.s32 $0xFFFFEC00  }
0x6c: {  	[tilespmem:s17], [sflag:$0x3] =	stream.indirect.gather [hbm4b:s4+s14], $0x28, s21, s14, $0xb8;
	[tilespmem:$0x14000] =	vst v63  }
0x6d: {  	_ =	swait.ge [sflag:s18], $0x1400  }
0x6e: {  	[sflag:s18] =	ssyncset.done $0x0  }
0x6f: {  	[sflag:s18] =	ssyncadd.s32 $0xFFFFEC00  }
0x70: {  	[spmem:s2] =	stream.indirect.scatter.add.bf16 [tilespmem:s15], [sflag:$0x4], $0x28, s22, s14, $0xb8;
	[tilespmem:$0x14000] =	vst v63  }
0x71: {  	_ =	swait.ge [sflag:s12], $0x1400  }
0x72: {  	[sflag:s12] =	ssyncset.done $0x0  }
0x73: {  	[sflag:s12] =	ssyncadd.s32 $0xFFFFEC00  }
0x74: {  	[tilespmem:s15], [sflag:$0x1] =	stream.indirect.gather [hbm4b:s4+s14], $0x28, s23, s14, $0xb8;
	[tilespmem:$0x14000] =	vst v63  }
0x75: {  	_ =	swait.ge [sflag:s19], $0x1400  }
0x76: {  	[sflag:s19] =	ssyncset.done $0x0  }
0x77: {  	[sflag:s19] =	ssyncadd.s32 $0xFFFFEC00  }
0x78: {  	[spmem:s2] =	stream.indirect.scatter.add.bf16 [tilespmem:s16], [sflag:$0x4], $0x28, s24, s14, $0xb8;
	[tilespmem:$0x14000] =	vst v63  }
0x79: {  	_ =	swait.ge [sflag:s12], $0x1400  }
0x7a: {  	[sflag:s12] =	ssyncset.done $0x0  }
0x7b: {  	[sflag:s12] =	ssyncadd.s32 $0xFFFFEC00  }
0x7c: {  	_ =	swait.ge [sflag:s20], $0x1400  }
0x7d: {  	[sflag:s20] =	ssyncset.done $0x0  }
0x7e: {  	[sflag:s20] =	ssyncadd.s32 $0xFFFFEC00  }
0x7f: {  	[spmem:s2] =	stream.indirect.scatter.add.bf16 [tilespmem:s17], [sflag:$0x4], $0x28, s25, s14, $0xb8;
	[tilespmem:$0x14000] =	vst v63  }
0x80: {  	_ =	swait.ge [sflag:s12], $0x1400  }
0x81: {  	[sflag:s12] =	ssyncset.done $0x0  }
0x82: {  	[sflag:s12] =	ssyncadd.s32 $0xFFFFEC00  }
0x83: {  	_ =	swait.ge [sflag:s18], $0x1400  }
0x84: {  	[sflag:s18] =	ssyncset.done $0x0  }
0x85: {  	[sflag:s18] =	ssyncadd.s32 $0xFFFFEC00  }
0x86: {  	[spmem:s2] =	stream.indirect.scatter.add.bf16 [tilespmem:s15], [sflag:$0x4], $0x28, s26, s14, $0xb8;
	[tilespmem:$0x14000] =	vst v63  }
0x87: {  	_ =	swait.ge [sflag:s12], $0x1400  }
0x88: {  	s28 =	sadd.s32 $0x1, s28;
	[sflag:s12] =	ssyncset.done $0x0  }
0x89: {  	p0 =	sne.s32 s28, s10;
	[sflag:s12] =	ssyncadd.s32 $0xFFFFEC00  }
.Ltmp1:
0x8a: {  	[bflag:$0x0] =	sbarrier.arrive $0xFFFF;
	(pc) =	sbr.rel @p0 .LBB2_1-.Ltmp1, $4  }
0x8b: {  	[hbm:s9], [sflag:s6] =	dma.local [spmem:s11], $0xC80  }
0x8c: {  	_ =	swait.ge [sflag:s12], $0xC80  }
0x8d: {  	[sflag:s12] =	ssyncset.done $0x0  }
0x8e: {  	[sflag:s12] =	ssyncadd.s32 $0xFFFFF380  }
0x8f: {  	_ =	sfence.sel $0x180000  }
0x90: {  	[bflag:$0x0] =	sbarrier.arrive $0xFFFF  }
0x91: {  	_ =	strace $0x90000050  }
0x92: {  	s0 =	stileid.u32;
	[bflag:$0x2] =	sbarrier.arrive $0xFFFF  }
0x93: {  	p0 =	sne.s32 s0, $0x0;
	s0 =	rddreg [dreg:$0x2]  }
0x94: {  	s0 =	sadd.s32 @!p0 $0x100000, s0  }
0x95: {  	[sflag:s0] =	ssyncadd.tile.s32 @!p0 $0x1;
	_ =	shalt  }
.Lfunc_end2:
_tile_overlayer_lowered:
.L_overlay_start_2:
0x96: {  	(tag) =	ssettag $0x2  }
0x97: {  	s0 =	rddreg [dreg:$0x0];
	s2 =	stileid.u32  }
0x98: {  	s1 =	rddreg [dreg:$0x1];
	p0 =	sne.s32 s2, $0x0  }
0x99: {  	s3 =	rddreg [dreg:$0x2];
	[bflag:$0x3] =	sbarrier.arrive $0xFFFF;
	s2 =	simm.s32 @!p0 $0x1C04  }
0x9a: {  	[timem:s3], [sflag:s2] =	dma.local @!p0 [hbm:s0], s1  }
0x9b: {  	s0 =	simm.s32 @!p0 $0x4  }
0x9c: {  	_ =	swait.ge @!p0 [sflag:s0], s1  }
0x9d: {  	s1 =	ssub.s32 @!p0 $0x0, s1;
	[sflag:s0] =	ssyncset.done @!p0 $0x0  }
0x9e: {  	[sflag:s0] =	ssyncadd.s32 @!p0 s1  }
0x9f: {  	[bflag:$0x3] =	sbarrier.arrive $0xFFFF  }
0xa0: {  	_ =	shalt  }

// kernel: kernel.29.cloned.1.call-start
scs
__scs_entry_jumppad:
0x0: {  	(pc) =	sbr.rel $0x88, $3  }
0x1: {  	(tag) =	ssettag $0x0;
	lr =	simm.s32 $0x1  }
0x2: {  	[smem:$0x3F91] =	sst lr;
	_ =	strace $0xD0000000  }
0x3: {  	_ = 	snop  }
0x4: {  	_ = 	snop  }
0x5: {  	_ = 	snop  }
0x6: {  	_ = 	snop  }
0x7: {  	_ = 	snop  }
__scs_overlays_trampoline_lowered:
0x8: {  	[smem:$0x3FA0] =	sst s0  }
0x9: {  	[smem:$0x3FA1] =	sst s1  }
0xa: {  	[smem:$0x3FA2] =	sst s2  }
0xb: {  	[smem:$0x3FA3] =	sst s3  }
0xc: {  	[smem:$0x3FA4] =	sst s4  }
0xd: {  	[smem:$0x3FA5] =	sst s5  }
0xe: {  	[smem:$0x3FA6] =	sst s6  }
0xf: {  	[smem:$0x3FA7] =	sst s7  }
0x10: {  	[smem:$0x3FA8] =	sst s8  }
0x11: {  	[smem:$0x3FA9] =	sst s9;
	s0 =	simm.s32 @!p0 $0x0  }
0x12: {  	s1 =	sld [smem:$0x3F8F];
	s0 =	simm.s32 @p0 $0x1  }
0x13: {  	[smem:$0x3FAA] =	sst s0;
	s0 =	simm.s32 @!p1 $0x0  }
0x14: {  	s2 =	sld [smem:$0x3F8E];
	s0 =	simm.s32 @p1 $0x1  }
0x15: {  	[smem:$0x3FAB] =	sst s0;
	s0 =	simm.s32 @!p2 $0x0  }
0x16: {  	s3 =	sld [smem:$0x3FDB];
	s0 =	simm.s32 @p2 $0x1  }
0x17: {  	s4 =	simm.s32 $0x1BF5;
	[smem:$0x3FAD] =	sst s0  }
0x18: {  	s0 =	sld [smem:$0x3F90];
	_ =	swait.ge [sflag:s4], $0x0  }
0x19: {  	s7 =	sld [smem:$0x3F91]  }
0x1a: {  	s8 =	sadd.s32 $0xFFFFE003, lr  }
0x1b: {  	s9 =	sadd.s32 $0xFFFFFEF7, lr;
	s5 =	simm.s32 $0xFFFFFFFF;
	p2 =	slt.u32 s8, $0xFFFFF086  }
0x1c: {  	p1 =	slt.u32 s9, $0xF7A;
	s5 =	simm.s32 @!p2 $0x0  }
0x1d: {  	s5 =	simm.s32 @p1 $0x1;
	p0 =	seq.s32 s7, s2  }
0x1e: {  	s7 =	smul.u32 @!p0 $0xF7A, s2;
	p2 =	seq.s32 @!p0 s5, $0x0  }
0x1f: {  	s9 =	smul.u32 $0xF7A, s1;
	s8 =	simm.s32 @!p0 $0x1BF5;
	p2 =	por !p2, p0  }
0x20: {  	[sflag:s8] =	ssyncset.s32 @!p0 $0xFFFFF086;
	s6 =	sadd.s32 @!p0 s3, s7;
	s7 =	simm.s32 @!p0 $0x108  }
0x21: {  	s3 =	sadd.s32 s3, s9;
	s6 =	sadd.s32 @!p0 $0x88, s6;
	s7 =	simm.s32 @p2 $0x1082  }
0x22: {  	[simem:s7], [sflag:s8] =	dma.local @!p0 [hbm:s6], $0xF7A  }
0x23: {  	s9 =	sor.u32 $0xD0000000, s2;
	s6 =	simm.s32 $0x108;
	_ =	swait.ge @!p0 [sflag:s8], $0x0  }
0x24: {  	s3 =	sadd.s32 $0x88, s3;
	s6 =	simm.s32 @!p1 $0x1082;
	[sflag:s4] =	ssyncset.s32 $0xFFFFF086  }
0x25: {  	[simem:s6], [sflag:s4] =	dma.local [hbm:s3], $0xF7A  }
0x26: {  	[smem:$0x3F91] =	sst s1;
	(tag) =	ssettag s2;
	_ =	strace s9  }
0x27: {  	s1 =	sld [smem:$0x3FA1]  }
0x28: {  	s2 =	sld [smem:$0x3FA2]  }
0x29: {  	s4 =	sld [smem:$0x3FA4]  }
0x2a: {  	p0 =	seq.s32 s5, $0x0;
	s5 =	sld [smem:$0x3FA5]  }
0x2b: {  	s6 =	sld [smem:$0x3FA6]  }
0x2c: {  	s7 =	sld [smem:$0x3FA7]  }
0x2d: {  	s3 =	simm.s32 $0x108;
	s8 =	sld [smem:$0x3FA8]  }
0x2e: {  	s3 =	simm.s32 @!p0 $0x1082;
	s9 =	sld [smem:$0x3FA9]  }
0x2f: {  	lr =	sadd.s32 s0, s3;
	s0 =	sld [smem:$0x3FA0]  }
0x30: {  	s3 =	sld [smem:$0x3FA3]  }
0x31: {  	[smem:$0x3FAC] =	sst s10  }
0x32: {  	s10 =	sld [smem:$0x3FAA];
	_ =	sdelay $0x3  }
0x33: {  	p0 =	seq.s32 s10, $0x1;
	s10 =	sld [smem:$0x3FAC];
	_ =	sdelay $0x3  }
0x34: {  	[smem:$0x3FAC] =	sst s10  }
0x35: {  	s10 =	sld [smem:$0x3FAB];
	_ =	sdelay $0x3  }
0x36: {  	p1 =	seq.s32 s10, $0x1;
	s10 =	sld [smem:$0x3FAC];
	_ =	sdelay $0x3  }
0x37: {  	[smem:$0x3FAC] =	sst s10  }
0x38: {  	s10 =	sld [smem:$0x3FAD]  }
0x39: {  	_ = 	snop;
	(pc) =	sbr.ind lr, $3  }
0x3a: {  	_ = 	snop  }
0x3b: {  	_ = 	snop  }
0x3c: {  	p2 =	seq.s32 s10, $0x1;
	s10 =	sld [smem:$0x3FAC]  }
0x3d: {  	_ =	shalt  }
0x3e: {  	_ =	shalt  }
0x3f: {  	_ =	shalt  }
0x40: {  	_ =	shalt  }
0x41: {  	_ =	shalt  }
0x42: {  	_ =	shalt  }
0x43: {  	_ =	shalt  }
0x44: {  	_ =	shalt  }
0x45: {  	_ =	shalt  }
0x46: {  	_ =	shalt  }
0x47: {  	_ =	shalt  }
0x48: {  	_ =	shalt  }
0x49: {  	_ =	shalt  }
0x4a: {  	_ =	shalt  }
0x4b: {  	_ =	shalt  }
0x4c: {  	_ =	shalt  }
0x4d: {  	_ =	shalt  }
0x4e: {  	_ =	shalt  }
0x4f: {  	_ =	shalt  }
0x50: {  	_ =	shalt  }
0x51: {  	_ =	shalt  }
0x52: {  	_ =	shalt  }
0x53: {  	_ =	shalt  }
0x54: {  	_ =	shalt  }
0x55: {  	_ =	shalt  }
0x56: {  	_ =	shalt  }
0x57: {  	_ =	shalt  }
0x58: {  	_ =	shalt  }
0x59: {  	_ =	shalt  }
0x5a: {  	_ =	shalt  }
0x5b: {  	_ =	shalt  }
0x5c: {  	_ =	shalt  }
0x5d: {  	_ =	shalt  }
0x5e: {  	_ =	shalt  }
0x5f: {  	_ =	shalt  }
0x60: {  	_ =	shalt  }
0x61: {  	_ =	shalt  }
0x62: {  	_ =	shalt  }
0x63: {  	_ =	shalt  }
0x64: {  	_ =	shalt  }
0x65: {  	_ =	shalt  }
0x66: {  	_ =	shalt  }
0x67: {  	_ =	shalt  }
0x68: {  	_ =	shalt  }
0x69: {  	_ =	shalt  }
0x6a: {  	_ =	shalt  }
0x6b: {  	_ =	shalt  }
0x6c: {  	_ =	shalt  }
0x6d: {  	_ =	shalt  }
0x6e: {  	_ =	shalt  }
0x6f: {  	_ =	shalt  }
0x70: {  	_ =	shalt  }
0x71: {  	_ =	shalt  }
0x72: {  	_ =	shalt  }
0x73: {  	_ =	shalt  }
0x74: {  	_ =	shalt  }
0x75: {  	_ =	shalt  }
0x76: {  	_ =	shalt  }
0x77: {  	_ =	shalt  }
0x78: {  	_ =	shalt  }
0x79: {  	_ =	shalt  }
0x7a: {  	_ =	shalt  }
0x7b: {  	_ =	shalt  }
0x7c: {  	_ =	shalt  }
0x7d: {  	_ =	shalt  }
0x7e: {  	_ =	shalt  }
0x7f: {  	_ =	shalt  }
0x80: {  	_ =	shalt  }
0x81: {  	_ =	shalt  }
0x82: {  	_ =	shalt  }
0x83: {  	_ =	shalt  }
0x84: {  	_ =	shalt  }
0x85: {  	_ =	shalt  }
0x86: {  	_ =	shalt  }
0x87: {  	_ =	shalt  }
.Lfunc_end0:
.L_simem_size_0:
called_computation.4_lowered:
.L_overlay_start_0:
0x88: {  	s2 =	sld [smem:$0x3FD9]  }
0x89: {  	s3 =	sld [smem:$0x3FFE];
	_ =	sdelay $0x1  }
0x8a: {  	s1 =	srdreg.scid  }
0x8b: {  	s0 =	sand.u32 $0x1, s1  }
0x8c: {  	s16 =	sshll.u32 s0, $0xA;
	s2 =	sadd.s32 s3, s2  }
0x8d: {  	s2 =	sadd.s32 s2, s16  }
0x8e: {  	[smem:$0x3FB8] =	sst s2  }
0x8f: {  	_ = 	snop  }
0x90: {  	(tm) =	ssettm $0x1  }
0x91: {  	s17 =	sld [smem:$0x3FFB];
	_ =	sdelay $0x3  }
0x92: {  	_ =	strace s17  }
0x93: {  	s2 =	sld [smem:$0x3FFC];
	_ =	sdelay $0x3  }
0x94: {  	_ =	strace s2  }
0x95: {  	s2 =	sld [smem:$0x3FFD];
	_ =	sdelay $0x3  }
0x96: {  	_ =	strace s2  }
0x97: {  	_ =	strace $0x8FFFFFFF  }
0x98: {  	s18 =	sld [smem:$0x3FDB];
	_ =	sdelay $0x1  }
0x99: {  	s19 =	simm.s32 $_scs_section_size  }
0x9a: {  	s4 =	simm.s32 $_size__tile_overlayer_lowered;
	s5 =	simm.s32 $_tile_overlayer_lowered  }
0x9b: {  	s22 =	simm.s32 $0x1BFF;
	s21 =	sshll.u32 s5, $0x1;
	s2 =	sadd.s32 s19, s18  }
0x9c: {  	s6 =	simm.s32 $0x0;
	s20 =	sshll.u32 s4, $0x1;
	s4 =	sadd.s32 s21, s2  }
0x9d: {  	[timem:s6], [sflag:s22] =	dma.local [hbm:s4], s20  }
0x9e: {  	_ =	swait.ge [sflag:s22], s20  }
0x9f: {  	s3 =	ssub.s32 $0x0, s20;
	[sflag:s22] =	ssyncset.done $0x0  }
0xa0: {  	[sflag:s22] =	ssyncadd.s32 s3;
	_ =	sdelay $0x1  }
0xa1: {  	s23 =	simm.s32 $0x1B8B  }
0xa2: {  	_ =	swait.ge [sflag:s23], $0x1  }
0xa3: {  	[sflag:s23] =	ssyncset.done $0x0  }
0xa4: {  	s25 =	simm.s32 $0x1B8E;
	s24 =	sld [smem:$0x3FFE];
	[sflag:s23] =	ssyncadd.s32 $0xFFFFFFFF  }
0xa5: {  	s26 =	simm.s32 $execute0_lowered;
	[smem:$0x3FD2] =	sst s25  }
0xa6: {  	s4 =	sshll.u32 s26, $0x1;
	_ =	strace $0x80000052;
	[dreg:$0x1] =	wrdreg $0xFFFFFFFF  }
0xa7: {  	s28 =	simm.s32 $_size_execute0_lowered;
	s2 =	sadd.s32 s2, s4;
	[dreg:$0x0] =	wrdreg $0x0  }
0xa8: {  	s4 =	sshll.u32 s28, $0x1;
	[dreg:$0x2] =	wrdreg s2  }
0xa9: {  	[dreg:$0x3] =	wrdreg s4  }
0xaa: {  	[dreg:$0x4] =	wrdreg $0xC0  }
0xab: {  	_ =	task [dreg:s6], $0x5FFFF  }
0xac: {  	[dreg:$0x1] =	wrdreg $0xFFFFFFFF  }
0xad: {  	[dreg:$0x0] =	wrdreg $0x60  }
0xae: {  	[dreg:$0x2] =	wrdreg s24  }
0xaf: {  	[dreg:$0x3] =	wrdreg $0xDC000  }
0xb0: {  	[dreg:$0x4] =	wrdreg $0x9  }
0xb1: {  	_ =	task.clear_ibuf [dreg:s6], $0x5FFFF;
	_ =	strace $0x90000052  }
0xb2: {  	s29 =	simm.s32 $0x9;
	_ =	strace $0x80000054  }
0xb3: {  	_ =	swait.ge [sflag:s29], $0x1  }
0xb4: {  	[sflag:s29] =	ssyncadd.s32 $0xFFFFFFFF  }
0xb5: {  	_ =	strace $0x90000054  }
0xb6: {  	_ =	sfence  }
0xb7: {  	s30 =	sld [smem:$0x0];
	_ =	sdelay $0x2  }
0xb8: {  	s31 =	sshll.u32 s1, $0xD;
	s1 =	sshrl.u32 s1, $0x2  }
0xb9: {  	s3 =	sand.u32 $0x4000, s31;
	s1 =	sadd.s32 s1, s30  }
0xba: {  	s0 =	sor.u32 s3, s0;
	s1 =	sshll.u32 s1, $0x11  }
0xbb: {  	s0 =	sor.u32 s1, s0  }
0xbc: {  	s0 =	sadd.s32 $0x8F2B, s0  }
0xbd: {  	[sflag:s0] =	ssyncadd.remote.s32 $0x1  }
0xbe: {  	_ =	sfence.sel $0xFFFF  }
0xbf: {  	[dreg:$0x0] =	wrdreg $0xFFFFFFFF;
	(pc) =	sbr.abs _section_cstart, $3  }
0xc0: {  	[dreg:$0x1] =	wrdreg $0xFFFFFFFF  }
0xc1: {  	_ =	task.clear_ibuf [dreg:s6], $0x2FFFF;
	_ =	strace $0x9FFFFFFF  }
0xc2: {  	(tm) =	ssettm $0x7FFFFFFF  }
0xc3: {  	_ =	shalt  }
tec
execute0_lowered:
.L_overlay_start_1:
0x0: {  	(tag) =	ssettag $0x1  }
0x1: {  	s1 =	srdreg.scid;
	s6 =	rddreg [dreg:$0x0]  }
0x2: {  	s0 =	stileid.u32;
	s2 =	rddreg [dreg:$0x1];
	s3 =	simm.s32 $0x0  }
0x3: {  	s15 =	simm.s32 $0xA000;
	s16 =	simm.s32 $0xB400;
	s17 =	simm.s32 $0xC800  }
0x4: {  	s18 =	simm.s32 $0x1;
	s19 =	simm.s32 $0x2;
	s20 =	simm.s32 $0x3  }
0x5: {  	s21 =	simm.s32 $0x4F00;
	s22 =	simm.s32 $0x9E00;
	s23 =	simm.s32 $0x4F80  }
0x6: {  	s24 =	simm.s32 $0x9E80;
	s25 =	simm.s32 $0x9F00;
	s5 =	smul.u32 $0x5000, s0  }
0x7: {  	s26 =	simm.s32 $0x9F80;
	s7 =	sand.u32 $0x1, s1;
	s9 =	smul.u32 $0xC800, s0  }
0x8: {  	s28 =	simm.s32 $0x0;
	[smem:$0x7FF] =	sst s3;
	s8 =	smul.u32 $0x50000, s7  }
0x9: {  	s4 =	sadd.s32 $0x8B400, s6;
	s10 =	smul.u32 $0xC8000, s7;
	s31 =	ssub.s32 $0x2, s7  }
0xa: {  	s12 =	sshll.u32 s0, $0x6;
	_ =	strace $0x80000053;
	s7 =	sshrl.u32 s31, $0x1  }
0xb: {  	s8 =	sadd.s32 s5, s8;
	s5 =	sshrl.u32 s5, $0x3;
	s10 =	sadd.s32 s9, s10  }
0xc: {  	s9 =	sshrl.u32 s9, $0x1;
	s13 =	ssub.s32 s31, s7;
	s8 =	sshrl.u32 s8, $0x3  }
0xd: {  	s11 =	sadd.s32 s5, s6;
	s10 =	sshrl.u32 s10, $0x4;
	s5 =	sadd.s32 $0x76600, s6  }
0xe: {  	s14 =	sadd.s32 s9, s2;
	s8 =	sadd.s32 s8, s6;
	s10 =	sadd.s32 s10, s6  }
0xf: {  	s6 =	sor.u32 $0x1C04, s12;
	s12 =	simm.s32 $0x4;
	s7 =	sadd.s32 $0x77400, s8  }
0x10: {  	s8 =	sadd.s32 $0xFE00, s11;
	s9 =	sadd.s32 $0xA4400, s10;
	s10 =	smax.u32 s13, $0x1  }
0x11: {  	s11 =	sshrl.u32 s14, $0x3;
	s13 =	simm.s32 $0x5000;
	s14 =	simm.s32 $0x80  }
.LBB2_1:
0x12: {  	[spmem:s11], [sflag:s6] =	dma.local [hbm:s5], $0xC80  }
0x13: {  	_ =	swait.ge [sflag:s12], $0xC80  }
0x14: {  	[sflag:s12] =	ssyncset.done $0x0  }
0x15: {  	[sflag:s12] =	ssyncadd.s32 $0xFFFFF380  }
0x16: {  	[tilespmem:s3], [sflag:$0x4] =	stream.linear.gather [hbm4b:s7+s3], $0x5000, $0x38;
	[tilespmem:$0x14000] =	vst v63  }
0x17: {  	_ =	swait.ge [sflag:s12], $0x5000  }
0x18: {  	[sflag:s12] =	ssyncset.done $0x0  }
0x19: {  	[sflag:s12] =	ssyncadd.s32 $0xFFFFB000  }
0x1a: {  	[tilespmem:s13], [sflag:$0x4] =	stream.linear.gather [hbm4b:s8+s3], $0x5000, $0x38;
	[tilespmem:$0x14000] =	vst v63  }
0x1b: {  	_ =	swait.ge [sflag:s12], $0x5000  }
0x1c: {  	[sflag:s12] =	ssyncset.done $0x0  }
0x1d: {  	[sflag:s12] =	ssyncadd.s32 $0xFFFFB000  }
0x1e: {  	[bflag:$0x0] =	sbarrier.arrive $0xFFFF  }
0x1f: {  	[tilespmem:s15], [sflag:$0x1] =	stream.indirect.gather [hbm4b:s4+s14], $0x28, s3, s14, $0xb8;
	[tilespmem:$0x14000] =	vst v63  }
0x20: {  	_ = 	snop  }
0x21: {  	[tilespmem:s16], [sflag:$0x2] =	stream.indirect.gather [hbm4b:s4+s14], $0x28, s14, s14, $0xb8;
	[tilespmem:$0x14000] =	vst v63  }
0x22: {  	s29 =	simm.s32 $0x100  }
0x23: {  	[tilespmem:s17], [sflag:$0x3] =	stream.indirect.gather [hbm4b:s4+s14], $0x28, s29, s14, $0xb8;
	[tilespmem:$0x14000] =	vst v63  }
0x24: {  	_ =	swait.ge [sflag:s18], $0x1400  }
0x25: {  	[sflag:s18] =	ssyncset.done $0x0  }
0x26: {  	s29 =	simm.s32 $0x5000;
	[sflag:s18] =	ssyncadd.s32 $0xFFFFEC00  }
0x27: {  	[spmem:s2] =	stream.indirect.scatter.add.bf16 [tilespmem:s15], [sflag:$0x4], $0x28, s29, s14, $0xb8;
	[tilespmem:$0x14000] =	vst v63  }
0x28: {  	_ =	swait.ge [sflag:s12], $0x1400  }
0x29: {  	[sflag:s12] =	ssyncset.done $0x0  }
0x2a: {  	s29 =	simm.s32 $0x180;
	[sflag:s12] =	ssyncadd.s32 $0xFFFFEC00  }
0x2b: {  	[tilespmem:s15], [sflag:$0x1] =	stream.indirect.gather [hbm4b:s4+s14], $0x28, s29, s14, $0xb8;
	[tilespmem:$0x14000] =	vst v63  }
0x2c: {  	_ =	swait.ge [sflag:s19], $0x1400  }
0x2d: {  	[sflag:s19] =	ssyncset.done $0x0  }
0x2e: {  	s29 =	simm.s32 $0x5080;
	[sflag:s19] =	ssyncadd.s32 $0xFFFFEC00  }
0x2f: {  	[spmem:s2] =	stream.indirect.scatter.add.bf16 [tilespmem:s16], [sflag:$0x4], $0x28, s29, s14, $0xb8;
	[tilespmem:$0x14000] =	vst v63  }
0x30: {  	_ =	swait.ge [sflag:s12], $0x1400  }
0x31: {  	[sflag:s12] =	ssyncset.done $0x0  }
0x32: {  	s29 =	simm.s32 $0x200;
	[sflag:s12] =	ssyncadd.s32 $0xFFFFEC00  }
0x33: {  	[tilespmem:s16], [sflag:$0x2] =	stream.indirect.gather [hbm4b:s4+s14], $0x28, s29, s14, $0xb8;
	[tilespmem:$0x14000] =	vst v63  }
0x34: {  	_ =	swait.ge [sflag:s20], $0x1400  }
0x35: {  	[sflag:s20] =	ssyncset.done $0x0  }
0x36: {  	s29 =	simm.s32 $0x5100;
	[sflag:s20] =	ssyncadd.s32 $0xFFFFEC00  }
0x37: {  	[spmem:s2] =	stream.indirect.scatter.add.bf16 [tilespmem:s17], [sflag:$0x4], $0x28, s29, s14, $0xb8;
	[tilespmem:$0x14000] =	vst v63  }
0x38: {  	_ =	swait.ge [sflag:s12], $0x1400  }
0x39: {  	s30 =	simm.s32 $0xC00;
	s29 =	simm.s32 $0x180;
	[sflag:s12] =	ssyncset.done $0x0  }
.LBB2_2:
0x3a: {  	s31 =	sadd.s32 $0x100, s29  }
0x3b: {  	[sflag:s12] =	ssyncadd.s32 $0xFFFFEC00;
	s1 =	smov.u32 s30;
	s0 =	sadd.s32 $0x600, s30  }
0x3c: {  	[tilespmem:s17], [sflag:$0x3] =	stream.indirect.gather [hbm4b:s4+s14], $0x28, s31, s14, $0xb8;
	[tilespmem:$0x14000] =	vst v63  }
0x3d: {  	p0 =	sne.s32 s30, $0x13200;
	_ =	swait.ge [sflag:s18], $0x1400  }
0x3e: {  	[sflag:s18] =	ssyncset.done $0x0  }
0x3f: {  	s30 =	sadd.s32 $0x5000, s29;
	[sflag:s18] =	ssyncadd.s32 $0xFFFFEC00  }
0x40: {  	[spmem:s2] =	stream.indirect.scatter.add.bf16 [tilespmem:s15], [sflag:$0x4], $0x28, s30, s14, $0xb8;
	[tilespmem:$0x14000] =	vst v63  }
0x41: {  	_ =	swait.ge [sflag:s12], $0x1400  }
0x42: {  	[sflag:s12] =	ssyncset.done $0x0  }
0x43: {  	s30 =	sadd.s32 $0x180, s29;
	[sflag:s12] =	ssyncadd.s32 $0xFFFFEC00  }
0x44: {  	[tilespmem:s15], [sflag:$0x1] =	stream.indirect.gather [hbm4b:s4+s14], $0x28, s30, s14, $0xb8;
	[tilespmem:$0x14000] =	vst v63  }
0x45: {  	_ =	swait.ge [sflag:s19], $0x1400  }
0x46: {  	[sflag:s19] =	ssyncset.done $0x0  }
0x47: {  	s30 =	sadd.s32 $0x5080, s29;
	[sflag:s19] =	ssyncadd.s32 $0xFFFFEC00  }
0x48: {  	[spmem:s2] =	stream.indirect.scatter.add.bf16 [tilespmem:s16], [sflag:$0x4], $0x28, s30, s14, $0xb8;
	[tilespmem:$0x14000] =	vst v63  }
0x49: {  	_ =	swait.ge [sflag:s12], $0x1400  }
0x4a: {  	[sflag:s12] =	ssyncset.done $0x0  }
0x4b: {  	s30 =	sadd.s32 $0x200, s29;
	[sflag:s12] =	ssyncadd.s32 $0xFFFFEC00  }
0x4c: {  	[tilespmem:s16], [sflag:$0x2] =	stream.indirect.gather [hbm4b:s4+s14], $0x28, s30, s14, $0xb8;
	[tilespmem:$0x14000] =	vst v63  }
0x4d: {  	_ =	swait.ge [sflag:s20], $0x1400  }
.Ltmp0:
0x4e: {  	[sflag:s20] =	ssyncset.done $0x0;
	(pc) =	sbr.rel @p0 .LBB2_2-.Ltmp0, $4  }
0x4f: {  	s29 =	sadd.s32 $0x5100, s29;
	[sflag:s20] =	ssyncadd.s32 $0xFFFFEC00  }
0x50: {  	[spmem:s2] =	stream.indirect.scatter.add.bf16 [tilespmem:s17], [sflag:$0x4], $0x28, s29, s14, $0xb8;
	[tilespmem:$0x14000] =	vst v63  }
0x51: {  	_ =	swait.ge [sflag:s12], $0x1400  }
0x52: {  	s30 =	smov.u32 s0;
	s29 =	sshra.s32 s1, $0x2;
	[sflag:s12] =	ssyncset.done $0x0  }
0x53: {  	s0 =	sadd.s32 $0x100, s29;
	[sflag:s12] =	ssyncadd.s32 $0xFFFFEC00  }
0x54: {  	[tilespmem:s17], [sflag:$0x3] =	stream.indirect.gather [hbm4b:s4+s14], $0x28, s0, s14, $0xb8;
	[tilespmem:$0x14000] =	vst v63  }
0x55: {  	_ =	swait.ge [sflag:s18], $0x1400  }
0x56: {  	[sflag:s18] =	ssyncset.done $0x0  }
0x57: {  	s30 =	sadd.s32 $0x5000, s29;
	[sflag:s18] =	ssyncadd.s32 $0xFFFFEC00  }
0x58: {  	[spmem:s2] =	stream.indirect.scatter.add.bf16 [tilespmem:s15], [sflag:$0x4], $0x28, s30, s14, $0xb8;
	[tilespmem:$0x14000] =	vst v63  }
0x59: {  	_ =	swait.ge [sflag:s12], $0x1400  }
0x5a: {  	[sflag:s12] =	ssyncset.done $0x0  }
0x5b: {  	s31 =	sadd.s32 $0x180, s29;
	[sflag:s12] =	ssyncadd.s32 $0xFFFFEC00  }
0x5c: {  	[tilespmem:s15], [sflag:$0x1] =	stream.indirect.gather [hbm4b:s4+s14], $0x28, s31, s14, $0xb8;
	[tilespmem:$0x14000] =	vst v63  }
0x5d: {  	_ =	swait.ge [sflag:s19], $0x1400  }
0x5e: {  	[sflag:s19] =	ssyncset.done $0x0  }
0x5f: {  	s1 =	sadd.s32 $0x5080, s29;
	[sflag:s19] =	ssyncadd.s32 $0xFFFFEC00  }
0x60: {  	[spmem:s2] =	stream.indirect.scatter.add.bf16 [tilespmem:s16], [sflag:$0x4], $0x28, s1, s14, $0xb8;
	[tilespmem:$0x14000] =	vst v63  }
0x61: {  	_ =	swait.ge [sflag:s12], $0x1400  }
0x62: {  	[sflag:s12] =	ssyncset.done $0x0  }
0x63: {  	s30 =	sadd.s32 $0x200, s29;
	[sflag:s12] =	ssyncadd.s32 $0xFFFFEC00  }
0x64: {  	[tilespmem:s16], [sflag:$0x2] =	stream.indirect.gather [hbm4b:s4+s14], $0x28, s30, s14, $0xb8;
	[tilespmem:$0x14000] =	vst v63  }
0x65: {  	_ =	swait.ge [sflag:s20], $0x1400  }
0x66: {  	[sflag:s20] =	ssyncset.done $0x0  }
0x67: {  	s31 =	sadd.s32 $0x5100, s29;
	[sflag:s20] =	ssyncadd.s32 $0xFFFFEC00  }
0x68: {  	[spmem:s2] =	stream.indirect.scatter.add.bf16 [tilespmem:s17], [sflag:$0x4], $0x28, s31, s14, $0xb8;
	[tilespmem:$0x14000] =	vst v63  }
0x69: {  	_ =	swait.ge [sflag:s12], $0x1400  }
0x6a: {  	[sflag:s12] =	ssyncset.done $0x0  }
0x6b: {  	[sflag:s12] =	ssyncadd.s32 $0xFFFFEC00  }
0x6c: {  	[tilespmem:s17], [sflag:$0x3] =	stream.indirect.gather [hbm4b:s4+s14], $0x28, s21, s14, $0xb8;
	[tilespmem:$0x14000] =	vst v63  }
0x6d: {  	_ =	swait.ge [sflag:s18], $0x1400  }
0x6e: {  	[sflag:s18] =	ssyncset.done $0x0  }
0x6f: {  	[sflag:s18] =	ssyncadd.s32 $0xFFFFEC00  }
0x70: {  	[spmem:s2] =	stream.indirect.scatter.add.bf16 [tilespmem:s15], [sflag:$0x4], $0x28, s22, s14, $0xb8;
	[tilespmem:$0x14000] =	vst v63  }
0x71: {  	_ =	swait.ge [sflag:s12], $0x1400  }
0x72: {  	[sflag:s12] =	ssyncset.done $0x0  }
0x73: {  	[sflag:s12] =	ssyncadd.s32 $0xFFFFEC00  }
0x74: {  	[tilespmem:s15], [sflag:$0x1] =	stream.indirect.gather [hbm4b:s4+s14], $0x28, s23, s14, $0xb8;
	[tilespmem:$0x14000] =	vst v63  }
0x75: {  	_ =	swait.ge [sflag:s19], $0x1400  }
0x76: {  	[sflag:s19] =	ssyncset.done $0x0  }
0x77: {  	[sflag:s19] =	ssyncadd.s32 $0xFFFFEC00  }
0x78: {  	[spmem:s2] =	stream.indirect.scatter.add.bf16 [tilespmem:s16], [sflag:$0x4], $0x28, s24, s14, $0xb8;
	[tilespmem:$0x14000] =	vst v63  }
0x79: {  	_ =	swait.ge [sflag:s12], $0x1400  }
0x7a: {  	[sflag:s12] =	ssyncset.done $0x0  }
0x7b: {  	[sflag:s12] =	ssyncadd.s32 $0xFFFFEC00  }
0x7c: {  	_ =	swait.ge [sflag:s20], $0x1400  }
0x7d: {  	[sflag:s20] =	ssyncset.done $0x0  }
0x7e: {  	[sflag:s20] =	ssyncadd.s32 $0xFFFFEC00  }
0x7f: {  	[spmem:s2] =	stream.indirect.scatter.add.bf16 [tilespmem:s17], [sflag:$0x4], $0x28, s25, s14, $0xb8;
	[tilespmem:$0x14000] =	vst v63  }
0x80: {  	_ =	swait.ge [sflag:s12], $0x1400  }
0x81: {  	[sflag:s12] =	ssyncset.done $0x0  }
0x82: {  	[sflag:s12] =	ssyncadd.s32 $0xFFFFEC00  }
0x83: {  	_ =	swait.ge [sflag:s18], $0x1400  }
0x84: {  	[sflag:s18] =	ssyncset.done $0x0  }
0x85: {  	[sflag:s18] =	ssyncadd.s32 $0xFFFFEC00  }
0x86: {  	[spmem:s2] =	stream.indirect.scatter.add.bf16 [tilespmem:s15], [sflag:$0x4], $0x28, s26, s14, $0xb8;
	[tilespmem:$0x14000] =	vst v63  }
0x87: {  	_ =	swait.ge [sflag:s12], $0x1400  }
0x88: {  	s28 =	sadd.s32 $0x1, s28;
	[sflag:s12] =	ssyncset.done $0x0  }
0x89: {  	p0 =	sne.s32 s28, s10;
	[sflag:s12] =	ssyncadd.s32 $0xFFFFEC00  }
.Ltmp1:
0x8a: {  	[bflag:$0x0] =	sbarrier.arrive $0xFFFF;
	(pc) =	sbr.rel @p0 .LBB2_1-.Ltmp1, $4  }
0x8b: {  	[hbm:s9], [sflag:s6] =	dma.local [spmem:s11], $0xC80  }
0x8c: {  	_ =	swait.ge [sflag:s12], $0xC80  }
0x8d: {  	[sflag:s12] =	ssyncset.done $0x0  }
0x8e: {  	[sflag:s12] =	ssyncadd.s32 $0xFFFFF380  }
0x8f: {  	_ =	sfence.sel $0x180000  }
0x90: {  	[bflag:$0x0] =	sbarrier.arrive $0xFFFF  }
0x91: {  	_ =	strace $0x90000053  }
0x92: {  	s0 =	stileid.u32;
	[bflag:$0x2] =	sbarrier.arrive $0xFFFF  }
0x93: {  	p0 =	sne.s32 s0, $0x0;
	s0 =	rddreg [dreg:$0x2]  }
0x94: {  	s0 =	sadd.s32 @!p0 $0x100000, s0  }
0x95: {  	[sflag:s0] =	ssyncadd.tile.s32 @!p0 $0x1;
	_ =	shalt  }
.Lfunc_end2:
_tile_overlayer_lowered:
.L_overlay_start_2:
0x96: {  	(tag) =	ssettag $0x2  }
0x97: {  	s0 =	rddreg [dreg:$0x0];
	s2 =	stileid.u32  }
0x98: {  	s1 =	rddreg [dreg:$0x1];
	p0 =	sne.s32 s2, $0x0  }
0x99: {  	s3 =	rddreg [dreg:$0x2];
	[bflag:$0x3] =	sbarrier.arrive $0xFFFF;
	s2 =	simm.s32 @!p0 $0x1C04  }
0x9a: {  	[timem:s3], [sflag:s2] =	dma.local @!p0 [hbm:s0], s1  }
0x9b: {  	s0 =	simm.s32 @!p0 $0x4  }
0x9c: {  	_ =	swait.ge @!p0 [sflag:s0], s1  }
0x9d: {  	s1 =	ssub.s32 @!p0 $0x0, s1;
	[sflag:s0] =	ssyncset.done @!p0 $0x0  }
0x9e: {  	[sflag:s0] =	ssyncadd.s32 @!p0 s1  }
0x9f: {  	[bflag:$0x3] =	sbarrier.arrive $0xFFFF  }
0xa0: {  	_ =	shalt  }

</sc_bundles>
